<compile_context>
chip_gen: v7x
topology: tpu7x:2x2x1
jax: 0.10.2.dev20260603
libtpu: 0.0.44.dev20260713+nightly
codegen_flags: <defaults>
</compile_context>

<pallas_src>
import functools

import jax
import jax.numpy as jnp
from jax import lax
from jax.experimental import pallas as pl
from jax.experimental.pallas import tpu as pltpu
from jax.experimental.pallas import tpu_sc as plsc

L = 256
NUM_WORKERS = 32

_PERM = {
    0: (0, 1, 2, 3),
    1: (1, 3, 0, 2),
    2: (3, 2, 1, 0),
    3: (2, 0, 3, 1),
}

_DIRS = (
    (0, 0, 'c', +1),
    (0, 2, 'c', -1),
    (1, 0, 'n', 0),
    (1, 2, 'p', 0),
    (2, 0, 'n', +1),
    (2, 3, 'n', -1),
    (2, 2, 'p', -1),
    (2, 1, 'p', +1),
)


def _sc_body(H, W, rows_per_worker, img, tabcat, out,
             tabs, rowbufs, idxs, stages, outtbs, dwf, dwi,
             semr, semg, semo):
    ng_idx = W // 16

    sid = lax.axis_index("s")

    @pl.when(sid == 0)
    def _stage_tables():
        for k in range(16):
            pltpu.sync_copy(tabcat.at[pl.ds(k * L * L, L * L)], tabs[k])

    plsc.subcore_barrier()

    wid = lax.axis_index("s") * 2 + lax.axis_index("c")
    row0 = wid * rows_per_worker
    rlast = row0 + rows_per_worker - 1

    io16 = lax.iota(jnp.int32, 16)
    mask_last = io16 == 15
    mask_first = io16 == 0
    splat_w = jnp.full((16,), W, jnp.int32)
    splat_7 = jnp.full((16,), 7, jnp.int32)
    sc_even = io16 * 2
    himask = jnp.full((16,), -65536, jnp.int32)
    sh16 = jnp.full((16,), 16, jnp.int32)


    def load_rows(r, S):
        r = jnp.minimum(r, rlast)
        plane = lax.div(r, H)
        orow = r - plane * H
        prev_r = jnp.where(orow == 0, r, r - 1)
        next_r = jnp.where(orow == H - 1, r, r + 1)
        c0, c8, p0, p8, n0, n8 = rowbufs[S]
        for src_r, (b0, b8) in ((r, (c0, c8)), (prev_r, (p0, p8)),
                                (next_r, (n0, n8))):
            pltpu.async_copy(img.at[pl.ds(src_r * W, W)],
                             b0.at[pl.ds(0, W)], semr[S])
            pltpu.async_copy(img.at[pl.ds(src_r * W, W)],
                             b8.at[pl.ds(8, W)], semr[S])

    def wait_rows(S):
        pltpu.make_async_copy(img.at[pl.ds(0, 6 * W)], dwf, semr[S]).wait()

    def prep_and_fire(S):
        c0, c8, p0, p8, n0, n8 = rowbufs[S]
        for buf in (c0, p0, n0):
            v = buf[pl.ds(W - 16, 16)]
            plsc.store_scatter(buf, [splat_w], v, mask=mask_last)
        for buf in (c8, p8, n8):
            v = buf[pl.ds(8, 16)]
            plsc.store_scatter(buf, [splat_7], v, mask=mask_first)

        bufoff = []
        for d, (t, _, rs, dj) in enumerate(_DIRS):
            if dj >= 0:
                bufoff.append(({'c': c0, 'p': p0, 'n': n0}[rs], dj))
            else:
                bufoff.append(({'c': c8, 'p': p8, 'n': n8}[rs], 7))

        @plsc.parallel_loop(0, ng_idx, unroll=4)
        def i_body(g):
            av = c0[pl.ds(g * 16, 16)] * 256.0
            for d in range(8):
                buf, off = bufoff[d]
                bv = buf[pl.ds(g * 16 + off, 16)]
                idxs[8 * S + d][pl.ds(g * 16, 16)] = \
                    (av + bv).astype(jnp.int32)

        for d in range(8):
            idx_ref = idxs[8 * S + d]
            for c in range(2):
                pltpu.async_copy(tabs[2 * d + c].at[idx_ref],
                                 stages[16 * S + 2 * d + c], semg[S])

    def wait_streams(S):
        pltpu.make_async_copy(tabcat.at[pl.ds(0, 16 * W)], dwi,
                              semg[S]).wait()

    def accum_and_store(r, S):
        outtb = outtbs[S]

        @plsc.parallel_loop(0, ng_idx, unroll=4)
        def o_body(g):
            sl = pl.ds(g * 16, 16)
            tacc = bacc = None
            for d in range(8):
                wt = plsc.bitcast(stages[16 * S + 2 * d][sl], jnp.bfloat16)
                wb = plsc.bitcast(stages[16 * S + 2 * d + 1][sl],
                                  jnp.bfloat16)
                tacc = wt if tacc is None else tacc + wt
                bacc = wb if bacc is None else bacc + wb
            tp = plsc.bitcast(tacc, jnp.int32)
            bp = plsc.bitcast(bacc, jnp.int32)
            te = plsc.bitcast(lax.shift_left(tp, sh16), jnp.float32)
            to = plsc.bitcast(tp & himask, jnp.float32)
            be = plsc.bitcast(lax.shift_left(bp, sh16), jnp.float32)
            bo = plsc.bitcast(bp & himask, jnp.float32)
            sc = sc_even + g * 32
            plsc.store_scatter(outtb, [sc], te)
            plsc.store_scatter(outtb, [sc + 1], to)
            plsc.store_scatter(outtb, [sc + 2 * W], be)
            plsc.store_scatter(outtb, [sc + 2 * W + 1], bo)

        plane = lax.div(r, H)
        orow = r - plane * H
        obase = plane * (2 * H * 2 * W) + orow * (4 * W)
        pltpu.async_copy(outtb, out.at[pl.ds(obase, 4 * W)], semo[S])

    def wait_out(S):
        pltpu.make_async_copy(img.at[pl.ds(0, 4 * W)],
                              outtbs[S], semo[S]).wait()

    load_rows(row0, 0)
    wait_rows(0)
    prep_and_fire(0)
    load_rows(row0 + 1, 1)

    def pair_body(j, carry):
        r = row0 + 2 * j
        wait_rows(1)
        prep_and_fire(1)
        load_rows(r + 2, 0)
        wait_streams(0)

        @pl.when(j > 0)
        def _():
            wait_out(0)
        accum_and_store(r, 0)
        wait_rows(0)
        prep_and_fire(0)
        load_rows(r + 3, 1)
        wait_streams(1)

        @pl.when(j > 0)
        def _():
            wait_out(1)
        accum_and_store(r + 1, 1)
        return carry

    lax.fori_loop(0, rows_per_worker // 2, pair_body, 0)

    wait_streams(0)
    wait_rows(1)
    wait_out(0)
    wait_out(1)


@functools.partial(jax.jit, static_argnums=(2, 3, 4, 5))
def _sc_call(img_flat, tabcat, nrows, W, H, interpret=False):
    rows_per_worker = nrows // NUM_WORKERS
    mesh = plsc.VectorSubcoreMesh(core_axis_name="c", subcore_axis_name="s",
                                  num_cores=2, num_subcores=16)
    body = functools.partial(_sc_body, H, W, rows_per_worker)
    return pl.kernel(
        body,
        out_type=jax.ShapeDtypeStruct((nrows * 4 * W,), jnp.float32),
        mesh=mesh,
        interpret=interpret,
        compiler_params=pltpu.CompilerParams(needs_layout_passes=False,
                                             use_tc_tiling_on_sc=False),
        scratch_types=dict(
            tabs=[pltpu.VMEM_SHARED((L * L,), jnp.int32) for _ in range(16)],
            rowbufs=[[pltpu.VMEM((W + 16,), jnp.float32) for _ in range(6)]
                     for _ in range(2)],
            idxs=[pltpu.VMEM((W,), jnp.int32) for _ in range(16)],
            stages=[pltpu.VMEM((W,), jnp.int32) for _ in range(32)],
            outtbs=[pltpu.VMEM((4 * W,), jnp.float32) for _ in range(2)],
            dwf=pltpu.VMEM((6 * W,), jnp.float32),
            dwi=pltpu.VMEM((16 * W,), jnp.int32),
            semr=[pltpu.SemaphoreType.DMA for _ in range(2)],
            semg=[pltpu.SemaphoreType.DMA for _ in range(2)],
            semo=[pltpu.SemaphoreType.DMA for _ in range(2)],
        ),
    )(img_flat, tabcat)


def kernel(img_lr, h_weight, d_weight, v_weight):
    B, C, H, W = img_lr.shape
    img = img_lr.reshape(-1)

    def pack_pair(lo, hi):
        lob = jax.lax.bitcast_convert_type(
            (0.5 * lo).astype(jnp.bfloat16), jnp.uint16).astype(jnp.uint32)
        hib = jax.lax.bitcast_convert_type(
            (0.5 * hi).astype(jnp.bfloat16), jnp.uint16).astype(jnp.uint32)
        return ((hib << 16) | lob).astype(jnp.int32)

    wmap = (h_weight.reshape(L * L, 4), v_weight.reshape(L * L, 4),
            d_weight.reshape(L * L, 4))
    planes = []
    for (t, k, _, _) in _DIRS:
        wf = wmap[t]
        pm = _PERM[k]
        planes.append(pack_pair(wf[:, pm[0]], wf[:, pm[1]]))
        planes.append(pack_pair(wf[:, pm[2]], wf[:, pm[3]]))
    tabcat = jnp.concatenate(planes)
    out = _sc_call(img, tabcat, B * C * H, W, H)
    return out.reshape(B, C, 2 * H, 2 * W)

# --- scband reference (transcript-rebuilt; emitter-appended) ---
"""Pipeline reference for scband-hdvlut-13477607375177 (READ-ONLY COPY).

The authoritative reference and input builder live on the scoring server;
editing this copy changes nothing except your own understanding.
"""

import jax, jax.numpy as jnp
import numpy as np

L = 256
UP = 2


def setup_inputs(seed: int = 0) -> dict:
    key = jax.random.key(seed)
    k1, k2, k3, k4 = jax.random.split(key, 4)
    img_lr = jax.random.randint(k1, (8, 3, 360, 640), 0, 256).astype(jnp.float32)
    h_weight = jax.random.normal(k2, (L * L, UP, UP), dtype=jnp.float32) * 0.1
    d_weight = jax.random.normal(k3, (L * L, UP, UP), dtype=jnp.float32) * 0.1
    v_weight = jax.random.normal(k4, (L * L, UP, UP), dtype=jnp.float32) * 0.1
    return {"img_lr": img_lr, "h_weight": h_weight, "d_weight": d_weight, "v_weight": v_weight}


def _hdv_forward(img_lr, h_weight, d_weight, v_weight):
    rot_dict = {'h': (0, 2), 'd': (0, 1, 2, 3), 'v': (0, 2)}
    # torch F.pad tuples (W_left, W_right, H_top, H_bottom) -> np.pad per-axis widths
    pad_dict = {'h': ((0, 0), (0, 0), (0, 0), (0, 1)),
                'd': ((0, 0), (0, 0), (0, 1), (0, 1)),
                'v': ((0, 0), (0, 0), (0, 1), (0, 0))}
    wmap = {'h': h_weight, 'd': d_weight, 'v': v_weight}
    out = 0.0
    for ktype in ('h', 'd', 'v'):
        weight = wmap[ktype]
        for r in rot_dict[ktype]:
            x = jnp.rot90(img_lr, r, axes=(2, 3))
            B, C, H, W = x.shape
            xin = jnp.pad(x, pad_dict[ktype], mode='edge').astype(jnp.int32)
            if ktype == 'h':
                img_a = xin[:, :, 0:H, 0:W]
                img_b = xin[:, :, 0:H, 1:1 + W]
            elif ktype == 'd':
                img_a = xin[:, :, 0:H, 0:W]
                img_b = xin[:, :, 1:1 + H, 1:1 + W]
            else:
                img_a = xin[:, :, 0:H, 0:W]
                img_b = xin[:, :, 1:1 + H, 0:W]
            idx = img_a.reshape(-1) * L + img_b.reshape(-1)
            tmp = jnp.take(weight, idx, axis=0).reshape(B, C, H, W, UP, UP)
            tmp = tmp.transpose(0, 1, 2, 4, 3, 5).reshape(B, C, H * UP, W * UP)
            out = out + jnp.rot90(tmp, 4 - r, axes=(2, 3))
    return out / 2.0


def reference(img_lr, h_weight, d_weight, v_weight):
    return _hdv_forward(img_lr, h_weight, d_weight, v_weight)

if __name__ == "__main__":
    import jax
    _d = setup_inputs()
    print(jax.jit(kernel)(*tuple(_d.values())))

</pallas_src>

<mosaic_0001>
#map = affine_map<(d0, d1) -> (0)>
module attributes {stable_mosaic.version = 14 : i64} {
  func.func @_sc_body(%arg0: i32, %arg1: i32, %arg2: memref<5529600xf32, #tpu.memory_space<hbm>>, %arg3: memref<1048576xi32, #tpu.memory_space<hbm>>, %arg4: memref<22118400xf32, #tpu.memory_space<hbm>>, %arg5: memref<3840xf32, #tpu.memory_space<vmem>>, %arg6: memref<10240xi32, #tpu.memory_space<vmem>>, %arg7: memref<640xi32, #tpu.memory_space<vmem>>, %arg8: memref<640xi32, #tpu.memory_space<vmem>>, %arg9: memref<640xi32, #tpu.memory_space<vmem>>, %arg10: memref<640xi32, #tpu.memory_space<vmem>>, %arg11: memref<640xi32, #tpu.memory_space<vmem>>, %arg12: memref<640xi32, #tpu.memory_space<vmem>>, %arg13: memref<640xi32, #tpu.memory_space<vmem>>, %arg14: memref<640xi32, #tpu.memory_space<vmem>>, %arg15: memref<640xi32, #tpu.memory_space<vmem>>, %arg16: memref<640xi32, #tpu.memory_space<vmem>>, %arg17: memref<640xi32, #tpu.memory_space<vmem>>, %arg18: memref<640xi32, #tpu.memory_space<vmem>>, %arg19: memref<640xi32, #tpu.memory_space<vmem>>, %arg20: memref<640xi32, #tpu.memory_space<vmem>>, %arg21: memref<640xi32, #tpu.memory_space<vmem>>, %arg22: memref<640xi32, #tpu.memory_space<vmem>>, %arg23: memref<2560xf32, #tpu.memory_space<vmem>>, %arg24: memref<2560xf32, #tpu.memory_space<vmem>>, %arg25: memref<656xf32, #tpu.memory_space<vmem>>, %arg26: memref<656xf32, #tpu.memory_space<vmem>>, %arg27: memref<656xf32, #tpu.memory_space<vmem>>, %arg28: memref<656xf32, #tpu.memory_space<vmem>>, %arg29: memref<656xf32, #tpu.memory_space<vmem>>, %arg30: memref<656xf32, #tpu.memory_space<vmem>>, %arg31: memref<656xf32, #tpu.memory_space<vmem>>, %arg32: memref<656xf32, #tpu.memory_space<vmem>>, %arg33: memref<656xf32, #tpu.memory_space<vmem>>, %arg34: memref<656xf32, #tpu.memory_space<vmem>>, %arg35: memref<656xf32, #tpu.memory_space<vmem>>, %arg36: memref<656xf32, #tpu.memory_space<vmem>>, %arg37: memref<!tpu.dma_semaphore, #tpu.memory_space<semaphore_mem>>, %arg38: memref<!tpu.dma_semaphore, #tpu.memory_space<semaphore_mem>>, %arg39: memref<!tpu.dma_semaphore, #tpu.memory_space<semaphore_mem>>, %arg40: memref<!tpu.dma_semaphore, #tpu.memory_space<semaphore_mem>>, %arg41: memref<!tpu.dma_semaphore, #tpu.memory_space<semaphore_mem>>, %arg42: memref<!tpu.dma_semaphore, #tpu.memory_space<semaphore_mem>>, %arg43: memref<640xi32, #tpu.memory_space<vmem>>, %arg44: memref<640xi32, #tpu.memory_space<vmem>>, %arg45: memref<640xi32, #tpu.memory_space<vmem>>, %arg46: memref<640xi32, #tpu.memory_space<vmem>>, %arg47: memref<640xi32, #tpu.memory_space<vmem>>, %arg48: memref<640xi32, #tpu.memory_space<vmem>>, %arg49: memref<640xi32, #tpu.memory_space<vmem>>, %arg50: memref<640xi32, #tpu.memory_space<vmem>>, %arg51: memref<640xi32, #tpu.memory_space<vmem>>, %arg52: memref<640xi32, #tpu.memory_space<vmem>>, %arg53: memref<640xi32, #tpu.memory_space<vmem>>, %arg54: memref<640xi32, #tpu.memory_space<vmem>>, %arg55: memref<640xi32, #tpu.memory_space<vmem>>, %arg56: memref<640xi32, #tpu.memory_space<vmem>>, %arg57: memref<640xi32, #tpu.memory_space<vmem>>, %arg58: memref<640xi32, #tpu.memory_space<vmem>>, %arg59: memref<640xi32, #tpu.memory_space<vmem>>, %arg60: memref<640xi32, #tpu.memory_space<vmem>>, %arg61: memref<640xi32, #tpu.memory_space<vmem>>, %arg62: memref<640xi32, #tpu.memory_space<vmem>>, %arg63: memref<640xi32, #tpu.memory_space<vmem>>, %arg64: memref<640xi32, #tpu.memory_space<vmem>>, %arg65: memref<640xi32, #tpu.memory_space<vmem>>, %arg66: memref<640xi32, #tpu.memory_space<vmem>>, %arg67: memref<640xi32, #tpu.memory_space<vmem>>, %arg68: memref<640xi32, #tpu.memory_space<vmem>>, %arg69: memref<640xi32, #tpu.memory_space<vmem>>, %arg70: memref<640xi32, #tpu.memory_space<vmem>>, %arg71: memref<640xi32, #tpu.memory_space<vmem>>, %arg72: memref<640xi32, #tpu.memory_space<vmem>>, %arg73: memref<640xi32, #tpu.memory_space<vmem>>, %arg74: memref<640xi32, #tpu.memory_space<vmem>>, %arg75: memref<65536xi32, #tpu.memory_space<vmem_shared>>, %arg76: memref<65536xi32, #tpu.memory_space<vmem_shared>>, %arg77: memref<65536xi32, #tpu.memory_space<vmem_shared>>, %arg78: memref<65536xi32, #tpu.memory_space<vmem_shared>>, %arg79: memref<65536xi32, #tpu.memory_space<vmem_shared>>, %arg80: memref<65536xi32, #tpu.memory_space<vmem_shared>>, %arg81: memref<65536xi32, #tpu.memory_space<vmem_shared>>, %arg82: memref<65536xi32, #tpu.memory_space<vmem_shared>>, %arg83: memref<65536xi32, #tpu.memory_space<vmem_shared>>, %arg84: memref<65536xi32, #tpu.memory_space<vmem_shared>>, %arg85: memref<65536xi32, #tpu.memory_space<vmem_shared>>, %arg86: memref<65536xi32, #tpu.memory_space<vmem_shared>>, %arg87: memref<65536xi32, #tpu.memory_space<vmem_shared>>, %arg88: memref<65536xi32, #tpu.memory_space<vmem_shared>>, %arg89: memref<65536xi32, #tpu.memory_space<vmem_shared>>, %arg90: memref<65536xi32, #tpu.memory_space<vmem_shared>>) attributes {dimension_semantics = [#tpu.dimension_semantics<core_parallel>, #tpu.dimension_semantics<subcore_parallel>], iteration_bounds = array<i64: 2, 16>, scalar_prefetch = 0 : i64, scratch_operands = 86 : i64, tpu.core_type = #tpu.core_type<sc_vector_subcore>, window_params = [{transform_indices = #map}, {transform_indices = #map}, {transform_indices = #map}]} {
    %eq3A = arith.constant 0 : i32
    %eq3A_0 = arith.cmpi eq, %arg1, %eq3A : i32
    %convert_element_type3A = arith.extui %eq3A_0 : i1 to i32
    %cond3A = arith.constant 0 : i32
    %cond3A_1 = arith.cmpi ne, %convert_element_type3A, %cond3A : i32
    scf.if %cond3A_1 {
      "tpu.region"() ({
        %run_scoped3A = tpu.sem_alloc : memref<!tpu.dma_semaphore, #tpu.memory_space<semaphore_mem>>
        %dma_start3A_219 = arith.constant 0 : i32
        %dma_start3A_220 = tpu.memref_slice %arg3[%dma_start3A_219] : memref<1048576xi32, #tpu.memory_space<hbm>> -> memref<65536xi32, #tpu.memory_space<hbm>>
        tpu.enqueue_dma source(%dma_start3A_220 : memref<65536xi32, #tpu.memory_space<hbm>>) target(%arg75 : memref<65536xi32, #tpu.memory_space<vmem_shared>>) target_semaphore(%run_scoped3A : memref<!tpu.dma_semaphore, #tpu.memory_space<semaphore_mem>>)
        %dma_wait3A_221 = arith.constant 0 : i32
        %dma_wait3A_222 = tpu.memref_slice %arg3[%dma_wait3A_221] : memref<1048576xi32, #tpu.memory_space<hbm>> -> memref<65536xi32, #tpu.memory_space<hbm>>
        tpu.wait_dma2 semaphore(%run_scoped3A : memref<!tpu.dma_semaphore, #tpu.memory_space<semaphore_mem>>) src(%dma_wait3A_222 : memref<65536xi32, #tpu.memory_space<hbm>>) dst(%arg75 : memref<65536xi32, #tpu.memory_space<vmem_shared>>)
        tpu.yield
      }) : () -> ()
      "tpu.region"() ({
        %run_scoped3A = tpu.sem_alloc : memref<!tpu.dma_semaphore, #tpu.memory_space<semaphore_mem>>
        %dma_start3A_219 = arith.constant 65536 : i32
        %dma_start3A_220 = tpu.memref_slice %arg3[%dma_start3A_219] : memref<1048576xi32, #tpu.memory_space<hbm>> -> memref<65536xi32, #tpu.memory_space<hbm>>
        tpu.enqueue_dma source(%dma_start3A_220 : memref<65536xi32, #tpu.memory_space<hbm>>) target(%arg76 : memref<65536xi32, #tpu.memory_space<vmem_shared>>) target_semaphore(%run_scoped3A : memref<!tpu.dma_semaphore, #tpu.memory_space<semaphore_mem>>)
        %dma_wait3A_221 = arith.constant 65536 : i32
        %dma_wait3A_222 = tpu.memref_slice %arg3[%dma_wait3A_221] : memref<1048576xi32, #tpu.memory_space<hbm>> -> memref<65536xi32, #tpu.memory_space<hbm>>
        tpu.wait_dma2 semaphore(%run_scoped3A : memref<!tpu.dma_semaphore, #tpu.memory_space<semaphore_mem>>) src(%dma_wait3A_222 : memref<65536xi32, #tpu.memory_space<hbm>>) dst(%arg76 : memref<65536xi32, #tpu.memory_space<vmem_shared>>)
        tpu.yield
      }) : () -> ()
      "tpu.region"() ({
        %run_scoped3A = tpu.sem_alloc : memref<!tpu.dma_semaphore, #tpu.memory_space<semaphore_mem>>
        %dma_start3A_219 = arith.constant 131072 : i32
        %dma_start3A_220 = tpu.memref_slice %arg3[%dma_start3A_219] : memref<1048576xi32, #tpu.memory_space<hbm>> -> memref<65536xi32, #tpu.memory_space<hbm>>
        tpu.enqueue_dma source(%dma_start3A_220 : memref<65536xi32, #tpu.memory_space<hbm>>) target(%arg77 : memref<65536xi32, #tpu.memory_space<vmem_shared>>) target_semaphore(%run_scoped3A : memref<!tpu.dma_semaphore, #tpu.memory_space<semaphore_mem>>)
        %dma_wait3A_221 = arith.constant 131072 : i32
        %dma_wait3A_222 = tpu.memref_slice %arg3[%dma_wait3A_221] : memref<1048576xi32, #tpu.memory_space<hbm>> -> memref<65536xi32, #tpu.memory_space<hbm>>
        tpu.wait_dma2 semaphore(%run_scoped3A : memref<!tpu.dma_semaphore, #tpu.memory_space<semaphore_mem>>) src(%dma_wait3A_222 : memref<65536xi32, #tpu.memory_space<hbm>>) dst(%arg77 : memref<65536xi32, #tpu.memory_space<vmem_shared>>)
        tpu.yield
      }) : () -> ()
      "tpu.region"() ({
        %run_scoped3A = tpu.sem_alloc : memref<!tpu.dma_semaphore, #tpu.memory_space<semaphore_mem>>
        %dma_start3A_219 = arith.constant 196608 : i32
        %dma_start3A_220 = tpu.memref_slice %arg3[%dma_start3A_219] : memref<1048576xi32, #tpu.memory_space<hbm>> -> memref<65536xi32, #tpu.memory_space<hbm>>
        tpu.enqueue_dma source(%dma_start3A_220 : memref<65536xi32, #tpu.memory_space<hbm>>) target(%arg78 : memref<65536xi32, #tpu.memory_space<vmem_shared>>) target_semaphore(%run_scoped3A : memref<!tpu.dma_semaphore, #tpu.memory_space<semaphore_mem>>)
        %dma_wait3A_221 = arith.constant 196608 : i32
        %dma_wait3A_222 = tpu.memref_slice %arg3[%dma_wait3A_221] : memref<1048576xi32, #tpu.memory_space<hbm>> -> memref<65536xi32, #tpu.memory_space<hbm>>
        tpu.wait_dma2 semaphore(%run_scoped3A : memref<!tpu.dma_semaphore, #tpu.memory_space<semaphore_mem>>) src(%dma_wait3A_222 : memref<65536xi32, #tpu.memory_space<hbm>>) dst(%arg78 : memref<65536xi32, #tpu.memory_space<vmem_shared>>)
        tpu.yield
      }) : () -> ()
      "tpu.region"() ({
        %run_scoped3A = tpu.sem_alloc : memref<!tpu.dma_semaphore, #tpu.memory_space<semaphore_mem>>
        %dma_start3A_219 = arith.constant 262144 : i32
        %dma_start3A_220 = tpu.memref_slice %arg3[%dma_start3A_219] : memref<1048576xi32, #tpu.memory_space<hbm>> -> memref<65536xi32, #tpu.memory_space<hbm>>
        tpu.enqueue_dma source(%dma_start3A_220 : memref<65536xi32, #tpu.memory_space<hbm>>) target(%arg79 : memref<65536xi32, #tpu.memory_space<vmem_shared>>) target_semaphore(%run_scoped3A : memref<!tpu.dma_semaphore, #tpu.memory_space<semaphore_mem>>)
        %dma_wait3A_221 = arith.constant 262144 : i32
        %dma_wait3A_222 = tpu.memref_slice %arg3[%dma_wait3A_221] : memref<1048576xi32, #tpu.memory_space<hbm>> -> memref<65536xi32, #tpu.memory_space<hbm>>
        tpu.wait_dma2 semaphore(%run_scoped3A : memref<!tpu.dma_semaphore, #tpu.memory_space<semaphore_mem>>) src(%dma_wait3A_222 : memref<65536xi32, #tpu.memory_space<hbm>>) dst(%arg79 : memref<65536xi32, #tpu.memory_space<vmem_shared>>)
        tpu.yield
      }) : () -> ()
      "tpu.region"() ({
        %run_scoped3A = tpu.sem_alloc : memref<!tpu.dma_semaphore, #tpu.memory_space<semaphore_mem>>
        %dma_start3A_219 = arith.constant 327680 : i32
        %dma_start3A_220 = tpu.memref_slice %arg3[%dma_start3A_219] : memref<1048576xi32, #tpu.memory_space<hbm>> -> memref<65536xi32, #tpu.memory_space<hbm>>
        tpu.enqueue_dma source(%dma_start3A_220 : memref<65536xi32, #tpu.memory_space<hbm>>) target(%arg80 : memref<65536xi32, #tpu.memory_space<vmem_shared>>) target_semaphore(%run_scoped3A : memref<!tpu.dma_semaphore, #tpu.memory_space<semaphore_mem>>)
        %dma_wait3A_221 = arith.constant 327680 : i32
        %dma_wait3A_222 = tpu.memref_slice %arg3[%dma_wait3A_221] : memref<1048576xi32, #tpu.memory_space<hbm>> -> memref<65536xi32, #tpu.memory_space<hbm>>
        tpu.wait_dma2 semaphore(%run_scoped3A : memref<!tpu.dma_semaphore, #tpu.memory_space<semaphore_mem>>) src(%dma_wait3A_222 : memref<65536xi32, #tpu.memory_space<hbm>>) dst(%arg80 : memref<65536xi32, #tpu.memory_space<vmem_shared>>)
        tpu.yield
      }) : () -> ()
      "tpu.region"() ({
        %run_scoped3A = tpu.sem_alloc : memref<!tpu.dma_semaphore, #tpu.memory_space<semaphore_mem>>
        %dma_start3A_219 = arith.constant 393216 : i32
        %dma_start3A_220 = tpu.memref_slice %arg3[%dma_start3A_219] : memref<1048576xi32, #tpu.memory_space<hbm>> -> memref<65536xi32, #tpu.memory_space<hbm>>
        tpu.enqueue_dma source(%dma_start3A_220 : memref<65536xi32, #tpu.memory_space<hbm>>) target(%arg81 : memref<65536xi32, #tpu.memory_space<vmem_shared>>) target_semaphore(%run_scoped3A : memref<!tpu.dma_semaphore, #tpu.memory_space<semaphore_mem>>)
        %dma_wait3A_221 = arith.constant 393216 : i32
        %dma_wait3A_222 = tpu.memref_slice %arg3[%dma_wait3A_221] : memref<1048576xi32, #tpu.memory_space<hbm>> -> memref<65536xi32, #tpu.memory_space<hbm>>
        tpu.wait_dma2 semaphore(%run_scoped3A : memref<!tpu.dma_semaphore, #tpu.memory_space<semaphore_mem>>) src(%dma_wait3A_222 : memref<65536xi32, #tpu.memory_space<hbm>>) dst(%arg81 : memref<65536xi32, #tpu.memory_space<vmem_shared>>)
        tpu.yield
      }) : () -> ()
      "tpu.region"() ({
        %run_scoped3A = tpu.sem_alloc : memref<!tpu.dma_semaphore, #tpu.memory_space<semaphore_mem>>
        %dma_start3A_219 = arith.constant 458752 : i32
        %dma_start3A_220 = tpu.memref_slice %arg3[%dma_start3A_219] : memref<1048576xi32, #tpu.memory_space<hbm>> -> memref<65536xi32, #tpu.memory_space<hbm>>
        tpu.enqueue_dma source(%dma_start3A_220 : memref<65536xi32, #tpu.memory_space<hbm>>) target(%arg82 : memref<65536xi32, #tpu.memory_space<vmem_shared>>) target_semaphore(%run_scoped3A : memref<!tpu.dma_semaphore, #tpu.memory_space<semaphore_mem>>)
        %dma_wait3A_221 = arith.constant 458752 : i32
        %dma_wait3A_222 = tpu.memref_slice %arg3[%dma_wait3A_221] : memref<1048576xi32, #tpu.memory_space<hbm>> -> memref<65536xi32, #tpu.memory_space<hbm>>
        tpu.wait_dma2 semaphore(%run_scoped3A : memref<!tpu.dma_semaphore, #tpu.memory_space<semaphore_mem>>) src(%dma_wait3A_222 : memref<65536xi32, #tpu.memory_space<hbm>>) dst(%arg82 : memref<65536xi32, #tpu.memory_space<vmem_shared>>)
        tpu.yield
      }) : () -> ()
      "tpu.region"() ({
        %run_scoped3A = tpu.sem_alloc : memref<!tpu.dma_semaphore, #tpu.memory_space<semaphore_mem>>
        %dma_start3A_219 = arith.constant 524288 : i32
        %dma_start3A_220 = tpu.memref_slice %arg3[%dma_start3A_219] : memref<1048576xi32, #tpu.memory_space<hbm>> -> memref<65536xi32, #tpu.memory_space<hbm>>
        tpu.enqueue_dma source(%dma_start3A_220 : memref<65536xi32, #tpu.memory_space<hbm>>) target(%arg83 : memref<65536xi32, #tpu.memory_space<vmem_shared>>) target_semaphore(%run_scoped3A : memref<!tpu.dma_semaphore, #tpu.memory_space<semaphore_mem>>)
        %dma_wait3A_221 = arith.constant 524288 : i32
        %dma_wait3A_222 = tpu.memref_slice %arg3[%dma_wait3A_221] : memref<1048576xi32, #tpu.memory_space<hbm>> -> memref<65536xi32, #tpu.memory_space<hbm>>
        tpu.wait_dma2 semaphore(%run_scoped3A : memref<!tpu.dma_semaphore, #tpu.memory_space<semaphore_mem>>) src(%dma_wait3A_222 : memref<65536xi32, #tpu.memory_space<hbm>>) dst(%arg83 : memref<65536xi32, #tpu.memory_space<vmem_shared>>)
        tpu.yield
      }) : () -> ()
      "tpu.region"() ({
        %run_scoped3A = tpu.sem_alloc : memref<!tpu.dma_semaphore, #tpu.memory_space<semaphore_mem>>
        %dma_start3A_219 = arith.constant 589824 : i32
        %dma_start3A_220 = tpu.memref_slice %arg3[%dma_start3A_219] : memref<1048576xi32, #tpu.memory_space<hbm>> -> memref<65536xi32, #tpu.memory_space<hbm>>
        tpu.enqueue_dma source(%dma_start3A_220 : memref<65536xi32, #tpu.memory_space<hbm>>) target(%arg84 : memref<65536xi32, #tpu.memory_space<vmem_shared>>) target_semaphore(%run_scoped3A : memref<!tpu.dma_semaphore, #tpu.memory_space<semaphore_mem>>)
        %dma_wait3A_221 = arith.constant 589824 : i32
        %dma_wait3A_222 = tpu.memref_slice %arg3[%dma_wait3A_221] : memref<1048576xi32, #tpu.memory_space<hbm>> -> memref<65536xi32, #tpu.memory_space<hbm>>
        tpu.wait_dma2 semaphore(%run_scoped3A : memref<!tpu.dma_semaphore, #tpu.memory_space<semaphore_mem>>) src(%dma_wait3A_222 : memref<65536xi32, #tpu.memory_space<hbm>>) dst(%arg84 : memref<65536xi32, #tpu.memory_space<vmem_shared>>)
        tpu.yield
      }) : () -> ()
      "tpu.region"() ({
        %run_scoped3A = tpu.sem_alloc : memref<!tpu.dma_semaphore, #tpu.memory_space<semaphore_mem>>
        %dma_start3A_219 = arith.constant 655360 : i32
        %dma_start3A_220 = tpu.memref_slice %arg3[%dma_start3A_219] : memref<1048576xi32, #tpu.memory_space<hbm>> -> memref<65536xi32, #tpu.memory_space<hbm>>
        tpu.enqueue_dma source(%dma_start3A_220 : memref<65536xi32, #tpu.memory_space<hbm>>) target(%arg85 : memref<65536xi32, #tpu.memory_space<vmem_shared>>) target_semaphore(%run_scoped3A : memref<!tpu.dma_semaphore, #tpu.memory_space<semaphore_mem>>)
        %dma_wait3A_221 = arith.constant 655360 : i32
        %dma_wait3A_222 = tpu.memref_slice %arg3[%dma_wait3A_221] : memref<1048576xi32, #tpu.memory_space<hbm>> -> memref<65536xi32, #tpu.memory_space<hbm>>
        tpu.wait_dma2 semaphore(%run_scoped3A : memref<!tpu.dma_semaphore, #tpu.memory_space<semaphore_mem>>) src(%dma_wait3A_222 : memref<65536xi32, #tpu.memory_space<hbm>>) dst(%arg85 : memref<65536xi32, #tpu.memory_space<vmem_shared>>)
        tpu.yield
      }) : () -> ()
      "tpu.region"() ({
        %run_scoped3A = tpu.sem_alloc : memref<!tpu.dma_semaphore, #tpu.memory_space<semaphore_mem>>
        %dma_start3A_219 = arith.constant 720896 : i32
        %dma_start3A_220 = tpu.memref_slice %arg3[%dma_start3A_219] : memref<1048576xi32, #tpu.memory_space<hbm>> -> memref<65536xi32, #tpu.memory_space<hbm>>
        tpu.enqueue_dma source(%dma_start3A_220 : memref<65536xi32, #tpu.memory_space<hbm>>) target(%arg86 : memref<65536xi32, #tpu.memory_space<vmem_shared>>) target_semaphore(%run_scoped3A : memref<!tpu.dma_semaphore, #tpu.memory_space<semaphore_mem>>)
        %dma_wait3A_221 = arith.constant 720896 : i32
        %dma_wait3A_222 = tpu.memref_slice %arg3[%dma_wait3A_221] : memref<1048576xi32, #tpu.memory_space<hbm>> -> memref<65536xi32, #tpu.memory_space<hbm>>
        tpu.wait_dma2 semaphore(%run_scoped3A : memref<!tpu.dma_semaphore, #tpu.memory_space<semaphore_mem>>) src(%dma_wait3A_222 : memref<65536xi32, #tpu.memory_space<hbm>>) dst(%arg86 : memref<65536xi32, #tpu.memory_space<vmem_shared>>)
        tpu.yield
      }) : () -> ()
      "tpu.region"() ({
        %run_scoped3A = tpu.sem_alloc : memref<!tpu.dma_semaphore, #tpu.memory_space<semaphore_mem>>
        %dma_start3A_219 = arith.constant 786432 : i32
        %dma_start3A_220 = tpu.memref_slice %arg3[%dma_start3A_219] : memref<1048576xi32, #tpu.memory_space<hbm>> -> memref<65536xi32, #tpu.memory_space<hbm>>
        tpu.enqueue_dma source(%dma_start3A_220 : memref<65536xi32, #tpu.memory_space<hbm>>) target(%arg87 : memref<65536xi32, #tpu.memory_space<vmem_shared>>) target_semaphore(%run_scoped3A : memref<!tpu.dma_semaphore, #tpu.memory_space<semaphore_mem>>)
        %dma_wait3A_221 = arith.constant 786432 : i32
        %dma_wait3A_222 = tpu.memref_slice %arg3[%dma_wait3A_221] : memref<1048576xi32, #tpu.memory_space<hbm>> -> memref<65536xi32, #tpu.memory_space<hbm>>
        tpu.wait_dma2 semaphore(%run_scoped3A : memref<!tpu.dma_semaphore, #tpu.memory_space<semaphore_mem>>) src(%dma_wait3A_222 : memref<65536xi32, #tpu.memory_space<hbm>>) dst(%arg87 : memref<65536xi32, #tpu.memory_space<vmem_shared>>)
        tpu.yield
      }) : () -> ()
      "tpu.region"() ({
        %run_scoped3A = tpu.sem_alloc : memref<!tpu.dma_semaphore, #tpu.memory_space<semaphore_mem>>
        %dma_start3A_219 = arith.constant 851968 : i32
        %dma_start3A_220 = tpu.memref_slice %arg3[%dma_start3A_219] : memref<1048576xi32, #tpu.memory_space<hbm>> -> memref<65536xi32, #tpu.memory_space<hbm>>
        tpu.enqueue_dma source(%dma_start3A_220 : memref<65536xi32, #tpu.memory_space<hbm>>) target(%arg88 : memref<65536xi32, #tpu.memory_space<vmem_shared>>) target_semaphore(%run_scoped3A : memref<!tpu.dma_semaphore, #tpu.memory_space<semaphore_mem>>)
        %dma_wait3A_221 = arith.constant 851968 : i32
        %dma_wait3A_222 = tpu.memref_slice %arg3[%dma_wait3A_221] : memref<1048576xi32, #tpu.memory_space<hbm>> -> memref<65536xi32, #tpu.memory_space<hbm>>
        tpu.wait_dma2 semaphore(%run_scoped3A : memref<!tpu.dma_semaphore, #tpu.memory_space<semaphore_mem>>) src(%dma_wait3A_222 : memref<65536xi32, #tpu.memory_space<hbm>>) dst(%arg88 : memref<65536xi32, #tpu.memory_space<vmem_shared>>)
        tpu.yield
      }) : () -> ()
      "tpu.region"() ({
        %run_scoped3A = tpu.sem_alloc : memref<!tpu.dma_semaphore, #tpu.memory_space<semaphore_mem>>
        %dma_start3A_219 = arith.constant 917504 : i32
        %dma_start3A_220 = tpu.memref_slice %arg3[%dma_start3A_219] : memref<1048576xi32, #tpu.memory_space<hbm>> -> memref<65536xi32, #tpu.memory_space<hbm>>
        tpu.enqueue_dma source(%dma_start3A_220 : memref<65536xi32, #tpu.memory_space<hbm>>) target(%arg89 : memref<65536xi32, #tpu.memory_space<vmem_shared>>) target_semaphore(%run_scoped3A : memref<!tpu.dma_semaphore, #tpu.memory_space<semaphore_mem>>)
        %dma_wait3A_221 = arith.constant 917504 : i32
        %dma_wait3A_222 = tpu.memref_slice %arg3[%dma_wait3A_221] : memref<1048576xi32, #tpu.memory_space<hbm>> -> memref<65536xi32, #tpu.memory_space<hbm>>
        tpu.wait_dma2 semaphore(%run_scoped3A : memref<!tpu.dma_semaphore, #tpu.memory_space<semaphore_mem>>) src(%dma_wait3A_222 : memref<65536xi32, #tpu.memory_space<hbm>>) dst(%arg89 : memref<65536xi32, #tpu.memory_space<vmem_shared>>)
        tpu.yield
      }) : () -> ()
      "tpu.region"() ({
        %run_scoped3A = tpu.sem_alloc : memref<!tpu.dma_semaphore, #tpu.memory_space<semaphore_mem>>
        %dma_start3A_219 = arith.constant 983040 : i32
        %dma_start3A_220 = tpu.memref_slice %arg3[%dma_start3A_219] : memref<1048576xi32, #tpu.memory_space<hbm>> -> memref<65536xi32, #tpu.memory_space<hbm>>
        tpu.enqueue_dma source(%dma_start3A_220 : memref<65536xi32, #tpu.memory_space<hbm>>) target(%arg90 : memref<65536xi32, #tpu.memory_space<vmem_shared>>) target_semaphore(%run_scoped3A : memref<!tpu.dma_semaphore, #tpu.memory_space<semaphore_mem>>)
        %dma_wait3A_221 = arith.constant 983040 : i32
        %dma_wait3A_222 = tpu.memref_slice %arg3[%dma_wait3A_221] : memref<1048576xi32, #tpu.memory_space<hbm>> -> memref<65536xi32, #tpu.memory_space<hbm>>
        tpu.wait_dma2 semaphore(%run_scoped3A : memref<!tpu.dma_semaphore, #tpu.memory_space<semaphore_mem>>) src(%dma_wait3A_222 : memref<65536xi32, #tpu.memory_space<hbm>>) dst(%arg90 : memref<65536xi32, #tpu.memory_space<vmem_shared>>)
        tpu.yield
      }) : () -> ()
    } else {
    }
    %barrier3A = arith.constant 0 : index
    tpu.barrier barrier_id(%barrier3A)
    %mul3A = arith.constant 2 : i32
    %mul3A_2 = arith.muli %arg1, %mul3A : i32
    %add3A = arith.addi %mul3A_2, %arg0 : i32
    %mul3A_3 = arith.constant 270 : i32
    %mul3A_4 = arith.muli %add3A, %mul3A_3 : i32
    %add3A_5 = arith.constant 270 : i32
    %add3A_6 = arith.addi %mul3A_4, %add3A_5 : i32
    %sub3A = arith.constant 1 : i32
    %sub3A_7 = arith.subi %add3A_6, %sub3A : i32
    %iota3A = tpu.iota {dimensions = array<i32: 0>} : vector<16xi32>
    %eq3A_8 = arith.constant 15 : i32
    %eq3A_9 = vector.broadcast %eq3A_8 : i32 to vector<16xi32>
    %eq3A_10 = arith.cmpi eq, %iota3A, %eq3A_9 : vector<16xi32>
    %eq3A_11 = arith.constant 0 : i32
    %eq3A_12 = vector.broadcast %eq3A_11 : i32 to vector<16xi32>
    %eq3A_13 = arith.cmpi eq, %iota3A, %eq3A_12 : vector<16xi32>
    %broadcast_in_dim3A = arith.constant 640 : i32
    %broadcast_in_dim3A_14 = vector.broadcast %broadcast_in_dim3A : i32 to vector<16xi32>
    %broadcast_in_dim3A_15 = arith.constant 7 : i32
    %broadcast_in_dim3A_16 = vector.broadcast %broadcast_in_dim3A_15 : i32 to vector<16xi32>
    %mul3A_17 = arith.constant 2 : i32
    %mul3A_18 = vector.broadcast %mul3A_17 : i32 to vector<16xi32>
    %mul3A_19 = arith.muli %iota3A, %mul3A_18 : vector<16xi32>
    %broadcast_in_dim3A_20 = arith.constant -65536 : i32
    %broadcast_in_dim3A_21 = vector.broadcast %broadcast_in_dim3A_20 : i32 to vector<16xi32>
    %broadcast_in_dim3A_22 = arith.constant 16 : i32
    %broadcast_in_dim3A_23 = vector.broadcast %broadcast_in_dim3A_22 : i32 to vector<16xi32>
    %min3A = arith.minsi %mul3A_4, %sub3A_7 : i32
    %div3A = arith.constant 360 : i32
    %div3A_24 = arith.divsi %min3A, %div3A : i32
    %mul3A_25 = arith.constant 360 : i32
    %mul3A_26 = arith.muli %div3A_24, %mul3A_25 : i32
    %sub3A_27 = arith.subi %min3A, %mul3A_26 : i32
    %eq3A_28 = arith.constant 0 : i32
    %eq3A_29 = arith.cmpi eq, %sub3A_27, %eq3A_28 : i32
    %sub3A_30 = arith.constant 1 : i32
    %sub3A_31 = arith.subi %min3A, %sub3A_30 : i32
    %select_n3A = arith.select %eq3A_29, %min3A, %sub3A_31 : i32
    %eq3A_32 = arith.constant 359 : i32
    %eq3A_33 = arith.cmpi eq, %sub3A_27, %eq3A_32 : i32
    %add3A_34 = arith.constant 1 : i32
    %add3A_35 = arith.addi %min3A, %add3A_34 : i32
    %select_n3A_36 = arith.select %eq3A_33, %min3A, %add3A_35 : i32
    %mul3A_37 = arith.constant 640 : i32
    %mul3A_38 = arith.muli %min3A, %mul3A_37 : i32
    %dma_start3A = arith.constant 0 : i32
    %dma_start3A_39 = tpu.memref_slice %arg25[%dma_start3A] : memref<656xf32, #tpu.memory_space<vmem>> -> memref<640xf32, #tpu.memory_space<vmem>>
    %dma_start3A_40 = tpu.memref_slice %arg2[%mul3A_38] : memref<5529600xf32, #tpu.memory_space<hbm>> -> memref<640xf32, #tpu.memory_space<hbm>>
    %dma_start3A_41 = arith.constant 0 : i32
    %dma_start3A_42 = tpu.memref_slice %arg25[%dma_start3A_41] : memref<656xf32, #tpu.memory_space<vmem>> -> memref<640xf32, #tpu.memory_space<vmem>>
    %dma_start3A_43 = tpu.memref_slice %arg2[%mul3A_38] : memref<5529600xf32, #tpu.memory_space<hbm>> -> memref<640xf32, #tpu.memory_space<hbm>>
    tpu.enqueue_dma source(%dma_start3A_43 : memref<640xf32, #tpu.memory_space<hbm>>) target(%dma_start3A_42 : memref<640xf32, #tpu.memory_space<vmem>>) target_semaphore(%arg41 : memref<!tpu.dma_semaphore, #tpu.memory_space<semaphore_mem>>)
    %mul3A_44 = arith.constant 640 : i32
    %mul3A_45 = arith.muli %min3A, %mul3A_44 : i32
    %dma_start3A_46 = arith.constant 8 : i32
    %dma_start3A_47 = tpu.memref_slice %arg26[%dma_start3A_46] : memref<656xf32, #tpu.memory_space<vmem>> -> memref<640xf32, #tpu.memory_space<vmem>>
    %dma_start3A_48 = tpu.memref_slice %arg2[%mul3A_45] : memref<5529600xf32, #tpu.memory_space<hbm>> -> memref<640xf32, #tpu.memory_space<hbm>>
    %dma_start3A_49 = arith.constant 8 : i32
    %dma_start3A_50 = tpu.memref_slice %arg26[%dma_start3A_49] : memref<656xf32, #tpu.memory_space<vmem>> -> memref<640xf32, #tpu.memory_space<vmem>>
    %dma_start3A_51 = tpu.memref_slice %arg2[%mul3A_45] : memref<5529600xf32, #tpu.memory_space<hbm>> -> memref<640xf32, #tpu.memory_space<hbm>>
    tpu.enqueue_dma source(%dma_start3A_51 : memref<640xf32, #tpu.memory_space<hbm>>) target(%dma_start3A_50 : memref<640xf32, #tpu.memory_space<vmem>>) target_semaphore(%arg41 : memref<!tpu.dma_semaphore, #tpu.memory_space<semaphore_mem>>)
    %mul3A_52 = arith.constant 640 : i32
    %mul3A_53 = arith.muli %select_n3A, %mul3A_52 : i32
    %dma_start3A_54 = arith.constant 0 : i32
    %dma_start3A_55 = tpu.memref_slice %arg27[%dma_start3A_54] : memref<656xf32, #tpu.memory_space<vmem>> -> memref<640xf32, #tpu.memory_space<vmem>>
    %dma_start3A_56 = tpu.memref_slice %arg2[%mul3A_53] : memref<5529600xf32, #tpu.memory_space<hbm>> -> memref<640xf32, #tpu.memory_space<hbm>>
    %dma_start3A_57 = arith.constant 0 : i32
    %dma_start3A_58 = tpu.memref_slice %arg27[%dma_start3A_57] : memref<656xf32, #tpu.memory_space<vmem>> -> memref<640xf32, #tpu.memory_space<vmem>>
    %dma_start3A_59 = tpu.memref_slice %arg2[%mul3A_53] : memref<5529600xf32, #tpu.memory_space<hbm>> -> memref<640xf32, #tpu.memory_space<hbm>>
    tpu.enqueue_dma source(%dma_start3A_59 : memref<640xf32, #tpu.memory_space<hbm>>) target(%dma_start3A_58 : memref<640xf32, #tpu.memory_space<vmem>>) target_semaphore(%arg41 : memref<!tpu.dma_semaphore, #tpu.memory_space<semaphore_mem>>)
    %mul3A_60 = arith.constant 640 : i32
    %mul3A_61 = arith.muli %select_n3A, %mul3A_60 : i32
    %dma_start3A_62 = arith.constant 8 : i32
    %dma_start3A_63 = tpu.memref_slice %arg28[%dma_start3A_62] : memref<656xf32, #tpu.memory_space<vmem>> -> memref<640xf32, #tpu.memory_space<vmem>>
    %dma_start3A_64 = tpu.memref_slice %arg2[%mul3A_61] : memref<5529600xf32, #tpu.memory_space<hbm>> -> memref<640xf32, #tpu.memory_space<hbm>>
    %dma_start3A_65 = arith.constant 8 : i32
    %dma_start3A_66 = tpu.memref_slice %arg28[%dma_start3A_65] : memref<656xf32, #tpu.memory_space<vmem>> -> memref<640xf32, #tpu.memory_space<vmem>>
    %dma_start3A_67 = tpu.memref_slice %arg2[%mul3A_61] : memref<5529600xf32, #tpu.memory_space<hbm>> -> memref<640xf32, #tpu.memory_space<hbm>>
    tpu.enqueue_dma source(%dma_start3A_67 : memref<640xf32, #tpu.memory_space<hbm>>) target(%dma_start3A_66 : memref<640xf32, #tpu.memory_space<vmem>>) target_semaphore(%arg41 : memref<!tpu.dma_semaphore, #tpu.memory_space<semaphore_mem>>)
    %mul3A_68 = arith.constant 640 : i32
    %mul3A_69 = arith.muli %select_n3A_36, %mul3A_68 : i32
    %dma_start3A_70 = arith.constant 0 : i32
    %dma_start3A_71 = tpu.memref_slice %arg29[%dma_start3A_70] : memref<656xf32, #tpu.memory_space<vmem>> -> memref<640xf32, #tpu.memory_space<vmem>>
    %dma_start3A_72 = tpu.memref_slice %arg2[%mul3A_69] : memref<5529600xf32, #tpu.memory_space<hbm>> -> memref<640xf32, #tpu.memory_space<hbm>>
    %dma_start3A_73 = arith.constant 0 : i32
    %dma_start3A_74 = tpu.memref_slice %arg29[%dma_start3A_73] : memref<656xf32, #tpu.memory_space<vmem>> -> memref<640xf32, #tpu.memory_space<vmem>>
    %dma_start3A_75 = tpu.memref_slice %arg2[%mul3A_69] : memref<5529600xf32, #tpu.memory_space<hbm>> -> memref<640xf32, #tpu.memory_space<hbm>>
    tpu.enqueue_dma source(%dma_start3A_75 : memref<640xf32, #tpu.memory_space<hbm>>) target(%dma_start3A_74 : memref<640xf32, #tpu.memory_space<vmem>>) target_semaphore(%arg41 : memref<!tpu.dma_semaphore, #tpu.memory_space<semaphore_mem>>)
    %mul3A_76 = arith.constant 640 : i32
    %mul3A_77 = arith.muli %select_n3A_36, %mul3A_76 : i32
    %dma_start3A_78 = arith.constant 8 : i32
    %dma_start3A_79 = tpu.memref_slice %arg30[%dma_start3A_78] : memref<656xf32, #tpu.memory_space<vmem>> -> memref<640xf32, #tpu.memory_space<vmem>>
    %dma_start3A_80 = tpu.memref_slice %arg2[%mul3A_77] : memref<5529600xf32, #tpu.memory_space<hbm>> -> memref<640xf32, #tpu.memory_space<hbm>>
    %dma_start3A_81 = arith.constant 8 : i32
    %dma_start3A_82 = tpu.memref_slice %arg30[%dma_start3A_81] : memref<656xf32, #tpu.memory_space<vmem>> -> memref<640xf32, #tpu.memory_space<vmem>>
    %dma_start3A_83 = tpu.memref_slice %arg2[%mul3A_77] : memref<5529600xf32, #tpu.memory_space<hbm>> -> memref<640xf32, #tpu.memory_space<hbm>>
    tpu.enqueue_dma source(%dma_start3A_83 : memref<640xf32, #tpu.memory_space<hbm>>) target(%dma_start3A_82 : memref<640xf32, #tpu.memory_space<vmem>>) target_semaphore(%arg41 : memref<!tpu.dma_semaphore, #tpu.memory_space<semaphore_mem>>)
    %dma_wait3A = arith.constant 0 : i32
    %dma_wait3A_84 = tpu.memref_slice %arg2[%dma_wait3A] : memref<5529600xf32, #tpu.memory_space<hbm>> -> memref<3840xf32, #tpu.memory_space<hbm>>
    %dma_wait3A_85 = arith.constant 0 : i32
    %dma_wait3A_86 = tpu.memref_slice %arg2[%dma_wait3A_85] : memref<5529600xf32, #tpu.memory_space<hbm>> -> memref<3840xf32, #tpu.memory_space<hbm>>
    tpu.wait_dma2 semaphore(%arg41 : memref<!tpu.dma_semaphore, #tpu.memory_space<semaphore_mem>>) src(%dma_wait3A_86 : memref<3840xf32, #tpu.memory_space<hbm>>) dst(%arg5 : memref<3840xf32, #tpu.memory_space<vmem>>)
    %get3A = arith.constant 624 : index
    %get3A_87 = tpu.vector_load %arg25[%get3A] {strides = array<i32>} : memref<656xf32, #tpu.memory_space<vmem>>, vector<16xf32>,
    tpu.vector_store_idx %arg25[%broadcast_in_dim3A_14], %get3A_87 masked %eq3A_10 : memref<656xf32, #tpu.memory_space<vmem>>[vector<16xi32>], vector<16xf32>, vector<16xi1>
    %get3A_88 = arith.constant 624 : index
    %get3A_89 = tpu.vector_load %arg27[%get3A_88] {strides = array<i32>} : memref<656xf32, #tpu.memory_space<vmem>>, vector<16xf32>,
    tpu.vector_store_idx %arg27[%broadcast_in_dim3A_14], %get3A_89 masked %eq3A_10 : memref<656xf32, #tpu.memory_space<vmem>>[vector<16xi32>], vector<16xf32>, vector<16xi1>
    %get3A_90 = arith.constant 624 : index
    %get3A_91 = tpu.vector_load %arg29[%get3A_90] {strides = array<i32>} : memref<656xf32, #tpu.memory_space<vmem>>, vector<16xf32>,
    tpu.vector_store_idx %arg29[%broadcast_in_dim3A_14], %get3A_91 masked %eq3A_10 : memref<656xf32, #tpu.memory_space<vmem>>[vector<16xi32>], vector<16xf32>, vector<16xi1>
    %get3A_92 = arith.constant 8 : index
    %get3A_93 = tpu.vector_load %arg26[%get3A_92] {strides = array<i32>} : memref<656xf32, #tpu.memory_space<vmem>>, vector<16xf32>,
    tpu.vector_store_idx %arg26[%broadcast_in_dim3A_16], %get3A_93 masked %eq3A_13 : memref<656xf32, #tpu.memory_space<vmem>>[vector<16xi32>], vector<16xf32>, vector<16xi1>
    %get3A_94 = arith.constant 8 : index
    %get3A_95 = tpu.vector_load %arg28[%get3A_94] {strides = array<i32>} : memref<656xf32, #tpu.memory_space<vmem>>, vector<16xf32>,
    tpu.vector_store_idx %arg28[%broadcast_in_dim3A_16], %get3A_95 masked %eq3A_13 : memref<656xf32, #tpu.memory_space<vmem>>[vector<16xi32>], vector<16xf32>, vector<16xi1>
    %get3A_96 = arith.constant 8 : index
    %get3A_97 = tpu.vector_load %arg30[%get3A_96] {strides = array<i32>} : memref<656xf32, #tpu.memory_space<vmem>>, vector<16xf32>,
    tpu.vector_store_idx %arg30[%broadcast_in_dim3A_16], %get3A_97 masked %eq3A_13 : memref<656xf32, #tpu.memory_space<vmem>>[vector<16xi32>], vector<16xf32>, vector<16xi1>
    %parallel_loop3A = arith.constant 0 : i32
    %parallel_loop3A_98 = arith.constant 40 : i32
    %parallel_loop3A_99 = arith.constant 1 : i32
    scf.for %parallel_loop3A_219 = %parallel_loop3A to %parallel_loop3A_98 step %parallel_loop3A_99  : i32 {
      %parallel_loop3A_220 = arith.constant 16 : i32
      %parallel_loop3A_221 = arith.muli %parallel_loop3A_219, %parallel_loop3A_220 : i32
      %parallel_loop3A_222 = arith.index_cast %parallel_loop3A_221 : i32 to index
      %parallel_loop3A_223 = tpu.vector_load %arg25[%parallel_loop3A_222] {strides = array<i32>} : memref<656xf32, #tpu.memory_space<vmem>>, vector<16xf32>,
      %parallel_loop3A_224 = arith.constant 2.560000e+02 : f32
      %parallel_loop3A_225 = vector.broadcast %parallel_loop3A_224 : f32 to vector<16xf32>
      %parallel_loop3A_226 = arith.mulf %parallel_loop3A_223, %parallel_loop3A_225 : vector<16xf32>
      %parallel_loop3A_227 = arith.constant 16 : i32
      %parallel_loop3A_228 = arith.muli %parallel_loop3A_219, %parallel_loop3A_227 : i32
      %parallel_loop3A_229 = arith.constant 1 : i32
      %parallel_loop3A_230 = arith.addi %parallel_loop3A_228, %parallel_loop3A_229 : i32
      %parallel_loop3A_231 = arith.index_cast %parallel_loop3A_230 : i32 to index
      %parallel_loop3A_232 = tpu.vector_load %arg25[%parallel_loop3A_231] {strides = array<i32>} : memref<656xf32, #tpu.memory_space<vmem>>, vector<16xf32>,
      %parallel_loop3A_233 = arith.addf %parallel_loop3A_226, %parallel_loop3A_232 : vector<16xf32>
      %parallel_loop3A_234 = arith.fptosi %parallel_loop3A_233 : vector<16xf32> to vector<16xi32>
      %parallel_loop3A_235 = arith.constant 16 : i32
      %parallel_loop3A_236 = arith.muli %parallel_loop3A_219, %parallel_loop3A_235 : i32
      %parallel_loop3A_237 = arith.index_cast %parallel_loop3A_236 : i32 to index
      %parallel_loop3A_238 = tpu.vector_load %arg7[%parallel_loop3A_237] {strides = array<i32>} : memref<640xi32, #tpu.memory_space<vmem>>, vector<16xi32>,
      tpu.vector_store %arg7[%parallel_loop3A_237], %parallel_loop3A_234 {strides = array<i32>} : memref<640xi32, #tpu.memory_space<vmem>>, vector<16xi32>,
      %parallel_loop3A_239 = arith.constant 16 : i32
      %parallel_loop3A_240 = arith.muli %parallel_loop3A_219, %parallel_loop3A_239 : i32
      %parallel_loop3A_241 = arith.constant 7 : i32
      %parallel_loop3A_242 = arith.addi %parallel_loop3A_240, %parallel_loop3A_241 : i32
      %parallel_loop3A_243 = arith.index_cast %parallel_loop3A_242 : i32 to index
      %parallel_loop3A_244 = tpu.vector_load %arg26[%parallel_loop3A_243] {strides = array<i32>} : memref<656xf32, #tpu.memory_space<vmem>>, vector<16xf32>,
      %parallel_loop3A_245 = arith.addf %parallel_loop3A_226, %parallel_loop3A_244 : vector<16xf32>
      %parallel_loop3A_246 = arith.fptosi %parallel_loop3A_245 : vector<16xf32> to vector<16xi32>
      %parallel_loop3A_247 = arith.constant 16 : i32
      %parallel_loop3A_248 = arith.muli %parallel_loop3A_219, %parallel_loop3A_247 : i32
      %parallel_loop3A_249 = arith.index_cast %parallel_loop3A_248 : i32 to index
      %parallel_loop3A_250 = tpu.vector_load %arg8[%parallel_loop3A_249] {strides = array<i32>} : memref<640xi32, #tpu.memory_space<vmem>>, vector<16xi32>,
      tpu.vector_store %arg8[%parallel_loop3A_249], %parallel_loop3A_246 {strides = array<i32>} : memref<640xi32, #tpu.memory_space<vmem>>, vector<16xi32>,
      %parallel_loop3A_251 = arith.constant 16 : i32
      %parallel_loop3A_252 = arith.muli %parallel_loop3A_219, %parallel_loop3A_251 : i32
      %parallel_loop3A_253 = arith.constant 0 : i32
      %parallel_loop3A_254 = arith.addi %parallel_loop3A_252, %parallel_loop3A_253 : i32
      %parallel_loop3A_255 = arith.index_cast %parallel_loop3A_254 : i32 to index
      %parallel_loop3A_256 = tpu.vector_load %arg29[%parallel_loop3A_255] {strides = array<i32>} : memref<656xf32, #tpu.memory_space<vmem>>, vector<16xf32>,
      %parallel_loop3A_257 = arith.addf %parallel_loop3A_226, %parallel_loop3A_256 : vector<16xf32>
      %parallel_loop3A_258 = arith.fptosi %parallel_loop3A_257 : vector<16xf32> to vector<16xi32>
      %parallel_loop3A_259 = arith.constant 16 : i32
      %parallel_loop3A_260 = arith.muli %parallel_loop3A_219, %parallel_loop3A_259 : i32
      %parallel_loop3A_261 = arith.index_cast %parallel_loop3A_260 : i32 to index
      %parallel_loop3A_262 = tpu.vector_load %arg9[%parallel_loop3A_261] {strides = array<i32>} : memref<640xi32, #tpu.memory_space<vmem>>, vector<16xi32>,
      tpu.vector_store %arg9[%parallel_loop3A_261], %parallel_loop3A_258 {strides = array<i32>} : memref<640xi32, #tpu.memory_space<vmem>>, vector<16xi32>,
      %parallel_loop3A_263 = arith.constant 16 : i32
      %parallel_loop3A_264 = arith.muli %parallel_loop3A_219, %parallel_loop3A_263 : i32
      %parallel_loop3A_265 = arith.constant 0 : i32
      %parallel_loop3A_266 = arith.addi %parallel_loop3A_264, %parallel_loop3A_265 : i32
      %parallel_loop3A_267 = arith.index_cast %parallel_loop3A_266 : i32 to index
      %parallel_loop3A_268 = tpu.vector_load %arg27[%parallel_loop3A_267] {strides = array<i32>} : memref<656xf32, #tpu.memory_space<vmem>>, vector<16xf32>,
      %parallel_loop3A_269 = arith.addf %parallel_loop3A_226, %parallel_loop3A_268 : vector<16xf32>
      %parallel_loop3A_270 = arith.fptosi %parallel_loop3A_269 : vector<16xf32> to vector<16xi32>
      %parallel_loop3A_271 = arith.constant 16 : i32
      %parallel_loop3A_272 = arith.muli %parallel_loop3A_219, %parallel_loop3A_271 : i32
      %parallel_loop3A_273 = arith.index_cast %parallel_loop3A_272 : i32 to index
      %parallel_loop3A_274 = tpu.vector_load %arg10[%parallel_loop3A_273] {strides = array<i32>} : memref<640xi32, #tpu.memory_space<vmem>>, vector<16xi32>,
      tpu.vector_store %arg10[%parallel_loop3A_273], %parallel_loop3A_270 {strides = array<i32>} : memref<640xi32, #tpu.memory_space<vmem>>, vector<16xi32>,
      %parallel_loop3A_275 = arith.constant 16 : i32
      %parallel_loop3A_276 = arith.muli %parallel_loop3A_219, %parallel_loop3A_275 : i32
      %parallel_loop3A_277 = arith.constant 1 : i32
      %parallel_loop3A_278 = arith.addi %parallel_loop3A_276, %parallel_loop3A_277 : i32
      %parallel_loop3A_279 = arith.index_cast %parallel_loop3A_278 : i32 to index
      %parallel_loop3A_280 = tpu.vector_load %arg29[%parallel_loop3A_279] {strides = array<i32>} : memref<656xf32, #tpu.memory_space<vmem>>, vector<16xf32>,
      %parallel_loop3A_281 = arith.addf %parallel_loop3A_226, %parallel_loop3A_280 : vector<16xf32>
      %parallel_loop3A_282 = arith.fptosi %parallel_loop3A_281 : vector<16xf32> to vector<16xi32>
      %parallel_loop3A_283 = arith.constant 16 : i32
      %parallel_loop3A_284 = arith.muli %parallel_loop3A_219, %parallel_loop3A_283 : i32
      %parallel_loop3A_285 = arith.index_cast %parallel_loop3A_284 : i32 to index
      %parallel_loop3A_286 = tpu.vector_load %arg11[%parallel_loop3A_285] {strides = array<i32>} : memref<640xi32, #tpu.memory_space<vmem>>, vector<16xi32>,
      tpu.vector_store %arg11[%parallel_loop3A_285], %parallel_loop3A_282 {strides = array<i32>} : memref<640xi32, #tpu.memory_space<vmem>>, vector<16xi32>,
      %parallel_loop3A_287 = arith.constant 16 : i32
      %parallel_loop3A_288 = arith.muli %parallel_loop3A_219, %parallel_loop3A_287 : i32
      %parallel_loop3A_289 = arith.constant 7 : i32
      %parallel_loop3A_290 = arith.addi %parallel_loop3A_288, %parallel_loop3A_289 : i32
      %parallel_loop3A_291 = arith.index_cast %parallel_loop3A_290 : i32 to index
      %parallel_loop3A_292 = tpu.vector_load %arg30[%parallel_loop3A_291] {strides = array<i32>} : memref<656xf32, #tpu.memory_space<vmem>>, vector<16xf32>,
      %parallel_loop3A_293 = arith.addf %parallel_loop3A_226, %parallel_loop3A_292 : vector<16xf32>
      %parallel_loop3A_294 = arith.fptosi %parallel_loop3A_293 : vector<16xf32> to vector<16xi32>
      %parallel_loop3A_295 = arith.constant 16 : i32
      %parallel_loop3A_296 = arith.muli %parallel_loop3A_219, %parallel_loop3A_295 : i32
      %parallel_loop3A_297 = arith.index_cast %parallel_loop3A_296 : i32 to index
      %parallel_loop3A_298 = tpu.vector_load %arg12[%parallel_loop3A_297] {strides = array<i32>} : memref<640xi32, #tpu.memory_space<vmem>>, vector<16xi32>,
      tpu.vector_store %arg12[%parallel_loop3A_297], %parallel_loop3A_294 {strides = array<i32>} : memref<640xi32, #tpu.memory_space<vmem>>, vector<16xi32>,
      %parallel_loop3A_299 = arith.constant 16 : i32
      %parallel_loop3A_300 = arith.muli %parallel_loop3A_219, %parallel_loop3A_299 : i32
      %parallel_loop3A_301 = arith.constant 7 : i32
      %parallel_loop3A_302 = arith.addi %parallel_loop3A_300, %parallel_loop3A_301 : i32
      %parallel_loop3A_303 = arith.index_cast %parallel_loop3A_302 : i32 to index
      %parallel_loop3A_304 = tpu.vector_load %arg28[%parallel_loop3A_303] {strides = array<i32>} : memref<656xf32, #tpu.memory_space<vmem>>, vector<16xf32>,
      %parallel_loop3A_305 = arith.addf %parallel_loop3A_226, %parallel_loop3A_304 : vector<16xf32>
      %parallel_loop3A_306 = arith.fptosi %parallel_loop3A_305 : vector<16xf32> to vector<16xi32>
      %parallel_loop3A_307 = arith.constant 16 : i32
      %parallel_loop3A_308 = arith.muli %parallel_loop3A_219, %parallel_loop3A_307 : i32
      %parallel_loop3A_309 = arith.index_cast %parallel_loop3A_308 : i32 to index
      %parallel_loop3A_310 = tpu.vector_load %arg13[%parallel_loop3A_309] {strides = array<i32>} : memref<640xi32, #tpu.memory_space<vmem>>, vector<16xi32>,
      tpu.vector_store %arg13[%parallel_loop3A_309], %parallel_loop3A_306 {strides = array<i32>} : memref<640xi32, #tpu.memory_space<vmem>>, vector<16xi32>,
      %parallel_loop3A_311 = arith.constant 16 : i32
      %parallel_loop3A_312 = arith.muli %parallel_loop3A_219, %parallel_loop3A_311 : i32
      %parallel_loop3A_313 = arith.constant 1 : i32
      %parallel_loop3A_314 = arith.addi %parallel_loop3A_312, %parallel_loop3A_313 : i32
      %parallel_loop3A_315 = arith.index_cast %parallel_loop3A_314 : i32 to index
      %parallel_loop3A_316 = tpu.vector_load %arg27[%parallel_loop3A_315] {strides = array<i32>} : memref<656xf32, #tpu.memory_space<vmem>>, vector<16xf32>,
      %parallel_loop3A_317 = arith.addf %parallel_loop3A_226, %parallel_loop3A_316 : vector<16xf32>
      %parallel_loop3A_318 = arith.fptosi %parallel_loop3A_317 : vector<16xf32> to vector<16xi32>
      %parallel_loop3A_319 = arith.constant 16 : i32
      %parallel_loop3A_320 = arith.muli %parallel_loop3A_219, %parallel_loop3A_319 : i32
      %parallel_loop3A_321 = arith.index_cast %parallel_loop3A_320 : i32 to index
      %parallel_loop3A_322 = tpu.vector_load %arg14[%parallel_loop3A_321] {strides = array<i32>} : memref<640xi32, #tpu.memory_space<vmem>>, vector<16xi32>,
      tpu.vector_store %arg14[%parallel_loop3A_321], %parallel_loop3A_318 {strides = array<i32>} : memref<640xi32, #tpu.memory_space<vmem>>, vector<16xi32>,
    } {sc.loop_unroll_factor = 4 : i64, sc.parallel_access}
    %dma_start3A_100 = arith.constant 0 : i32
    %dma_start3A_101 = tpu.memref_slice %arg75[%dma_start3A_100] : memref<65536xi32, #tpu.memory_space<vmem_shared>> -> memref<65536xi32, #tpu.memory_space<vmem_shared>>
    tpu.enqueue_indirect_dma source(%dma_start3A_101 : memref<65536xi32, #tpu.memory_space<vmem_shared>>) target(%arg43 : memref<640xi32, #tpu.memory_space<vmem>>) offsets(%arg7 : memref<640xi32, #tpu.memory_space<vmem>>) semaphore(%arg37 : memref<!tpu.dma_semaphore, #tpu.memory_space<semaphore_mem>>)
    %dma_start3A_102 = arith.constant 0 : i32
    %dma_start3A_103 = tpu.memref_slice %arg76[%dma_start3A_102] : memref<65536xi32, #tpu.memory_space<vmem_shared>> -> memref<65536xi32, #tpu.memory_space<vmem_shared>>
    tpu.enqueue_indirect_dma source(%dma_start3A_103 : memref<65536xi32, #tpu.memory_space<vmem_shared>>) target(%arg44 : memref<640xi32, #tpu.memory_space<vmem>>) offsets(%arg7 : memref<640xi32, #tpu.memory_space<vmem>>) semaphore(%arg37 : memref<!tpu.dma_semaphore, #tpu.memory_space<semaphore_mem>>)
    %dma_start3A_104 = arith.constant 0 : i32
    %dma_start3A_105 = tpu.memref_slice %arg77[%dma_start3A_104] : memref<65536xi32, #tpu.memory_space<vmem_shared>> -> memref<65536xi32, #tpu.memory_space<vmem_shared>>
    tpu.enqueue_indirect_dma source(%dma_start3A_105 : memref<65536xi32, #tpu.memory_space<vmem_shared>>) target(%arg45 : memref<640xi32, #tpu.memory_space<vmem>>) offsets(%arg8 : memref<640xi32, #tpu.memory_space<vmem>>) semaphore(%arg37 : memref<!tpu.dma_semaphore, #tpu.memory_space<semaphore_mem>>)
    %dma_start3A_106 = arith.constant 0 : i32
    %dma_start3A_107 = tpu.memref_slice %arg78[%dma_start3A_106] : memref<65536xi32, #tpu.memory_space<vmem_shared>> -> memref<65536xi32, #tpu.memory_space<vmem_shared>>
    tpu.enqueue_indirect_dma source(%dma_start3A_107 : memref<65536xi32, #tpu.memory_space<vmem_shared>>) target(%arg46 : memref<640xi32, #tpu.memory_space<vmem>>) offsets(%arg8 : memref<640xi32, #tpu.memory_space<vmem>>) semaphore(%arg37 : memref<!tpu.dma_semaphore, #tpu.memory_space<semaphore_mem>>)
    %dma_start3A_108 = arith.constant 0 : i32
    %dma_start3A_109 = tpu.memref_slice %arg79[%dma_start3A_108] : memref<65536xi32, #tpu.memory_space<vmem_shared>> -> memref<65536xi32, #tpu.memory_space<vmem_shared>>
    tpu.enqueue_indirect_dma source(%dma_start3A_109 : memref<65536xi32, #tpu.memory_space<vmem_shared>>) target(%arg47 : memref<640xi32, #tpu.memory_space<vmem>>) offsets(%arg9 : memref<640xi32, #tpu.memory_space<vmem>>) semaphore(%arg37 : memref<!tpu.dma_semaphore, #tpu.memory_space<semaphore_mem>>)
    %dma_start3A_110 = arith.constant 0 : i32
    %dma_start3A_111 = tpu.memref_slice %arg80[%dma_start3A_110] : memref<65536xi32, #tpu.memory_space<vmem_shared>> -> memref<65536xi32, #tpu.memory_space<vmem_shared>>
    tpu.enqueue_indirect_dma source(%dma_start3A_111 : memref<65536xi32, #tpu.memory_space<vmem_shared>>) target(%arg48 : memref<640xi32, #tpu.memory_space<vmem>>) offsets(%arg9 : memref<640xi32, #tpu.memory_space<vmem>>) semaphore(%arg37 : memref<!tpu.dma_semaphore, #tpu.memory_space<semaphore_mem>>)
    %dma_start3A_112 = arith.constant 0 : i32
    %dma_start3A_113 = tpu.memref_slice %arg81[%dma_start3A_112] : memref<65536xi32, #tpu.memory_space<vmem_shared>> -> memref<65536xi32, #tpu.memory_space<vmem_shared>>
    tpu.enqueue_indirect_dma source(%dma_start3A_113 : memref<65536xi32, #tpu.memory_space<vmem_shared>>) target(%arg49 : memref<640xi32, #tpu.memory_space<vmem>>) offsets(%arg10 : memref<640xi32, #tpu.memory_space<vmem>>) semaphore(%arg37 : memref<!tpu.dma_semaphore, #tpu.memory_space<semaphore_mem>>)
    %dma_start3A_114 = arith.constant 0 : i32
    %dma_start3A_115 = tpu.memref_slice %arg82[%dma_start3A_114] : memref<65536xi32, #tpu.memory_space<vmem_shared>> -> memref<65536xi32, #tpu.memory_space<vmem_shared>>
    tpu.enqueue_indirect_dma source(%dma_start3A_115 : memref<65536xi32, #tpu.memory_space<vmem_shared>>) target(%arg50 : memref<640xi32, #tpu.memory_space<vmem>>) offsets(%arg10 : memref<640xi32, #tpu.memory_space<vmem>>) semaphore(%arg37 : memref<!tpu.dma_semaphore, #tpu.memory_space<semaphore_mem>>)
    %dma_start3A_116 = arith.constant 0 : i32
    %dma_start3A_117 = tpu.memref_slice %arg83[%dma_start3A_116] : memref<65536xi32, #tpu.memory_space<vmem_shared>> -> memref<65536xi32, #tpu.memory_space<vmem_shared>>
    tpu.enqueue_indirect_dma source(%dma_start3A_117 : memref<65536xi32, #tpu.memory_space<vmem_shared>>) target(%arg51 : memref<640xi32, #tpu.memory_space<vmem>>) offsets(%arg11 : memref<640xi32, #tpu.memory_space<vmem>>) semaphore(%arg37 : memref<!tpu.dma_semaphore, #tpu.memory_space<semaphore_mem>>)
    %dma_start3A_118 = arith.constant 0 : i32
    %dma_start3A_119 = tpu.memref_slice %arg84[%dma_start3A_118] : memref<65536xi32, #tpu.memory_space<vmem_shared>> -> memref<65536xi32, #tpu.memory_space<vmem_shared>>
    tpu.enqueue_indirect_dma source(%dma_start3A_119 : memref<65536xi32, #tpu.memory_space<vmem_shared>>) target(%arg52 : memref<640xi32, #tpu.memory_space<vmem>>) offsets(%arg11 : memref<640xi32, #tpu.memory_space<vmem>>) semaphore(%arg37 : memref<!tpu.dma_semaphore, #tpu.memory_space<semaphore_mem>>)
    %dma_start3A_120 = arith.constant 0 : i32
    %dma_start3A_121 = tpu.memref_slice %arg85[%dma_start3A_120] : memref<65536xi32, #tpu.memory_space<vmem_shared>> -> memref<65536xi32, #tpu.memory_space<vmem_shared>>
    tpu.enqueue_indirect_dma source(%dma_start3A_121 : memref<65536xi32, #tpu.memory_space<vmem_shared>>) target(%arg53 : memref<640xi32, #tpu.memory_space<vmem>>) offsets(%arg12 : memref<640xi32, #tpu.memory_space<vmem>>) semaphore(%arg37 : memref<!tpu.dma_semaphore, #tpu.memory_space<semaphore_mem>>)
    %dma_start3A_122 = arith.constant 0 : i32
    %dma_start3A_123 = tpu.memref_slice %arg86[%dma_start3A_122] : memref<65536xi32, #tpu.memory_space<vmem_shared>> -> memref<65536xi32, #tpu.memory_space<vmem_shared>>
    tpu.enqueue_indirect_dma source(%dma_start3A_123 : memref<65536xi32, #tpu.memory_space<vmem_shared>>) target(%arg54 : memref<640xi32, #tpu.memory_space<vmem>>) offsets(%arg12 : memref<640xi32, #tpu.memory_space<vmem>>) semaphore(%arg37 : memref<!tpu.dma_semaphore, #tpu.memory_space<semaphore_mem>>)
    %dma_start3A_124 = arith.constant 0 : i32
    %dma_start3A_125 = tpu.memref_slice %arg87[%dma_start3A_124] : memref<65536xi32, #tpu.memory_space<vmem_shared>> -> memref<65536xi32, #tpu.memory_space<vmem_shared>>
    tpu.enqueue_indirect_dma source(%dma_start3A_125 : memref<65536xi32, #tpu.memory_space<vmem_shared>>) target(%arg55 : memref<640xi32, #tpu.memory_space<vmem>>) offsets(%arg13 : memref<640xi32, #tpu.memory_space<vmem>>) semaphore(%arg37 : memref<!tpu.dma_semaphore, #tpu.memory_space<semaphore_mem>>)
    %dma_start3A_126 = arith.constant 0 : i32
    %dma_start3A_127 = tpu.memref_slice %arg88[%dma_start3A_126] : memref<65536xi32, #tpu.memory_space<vmem_shared>> -> memref<65536xi32, #tpu.memory_space<vmem_shared>>
    tpu.enqueue_indirect_dma source(%dma_start3A_127 : memref<65536xi32, #tpu.memory_space<vmem_shared>>) target(%arg56 : memref<640xi32, #tpu.memory_space<vmem>>) offsets(%arg13 : memref<640xi32, #tpu.memory_space<vmem>>) semaphore(%arg37 : memref<!tpu.dma_semaphore, #tpu.memory_space<semaphore_mem>>)
    %dma_start3A_128 = arith.constant 0 : i32
    %dma_start3A_129 = tpu.memref_slice %arg89[%dma_start3A_128] : memref<65536xi32, #tpu.memory_space<vmem_shared>> -> memref<65536xi32, #tpu.memory_space<vmem_shared>>
    tpu.enqueue_indirect_dma source(%dma_start3A_129 : memref<65536xi32, #tpu.memory_space<vmem_shared>>) target(%arg57 : memref<640xi32, #tpu.memory_space<vmem>>) offsets(%arg14 : memref<640xi32, #tpu.memory_space<vmem>>) semaphore(%arg37 : memref<!tpu.dma_semaphore, #tpu.memory_space<semaphore_mem>>)
    %dma_start3A_130 = arith.constant 0 : i32
    %dma_start3A_131 = tpu.memref_slice %arg90[%dma_start3A_130] : memref<65536xi32, #tpu.memory_space<vmem_shared>> -> memref<65536xi32, #tpu.memory_space<vmem_shared>>
    tpu.enqueue_indirect_dma source(%dma_start3A_131 : memref<65536xi32, #tpu.memory_space<vmem_shared>>) target(%arg58 : memref<640xi32, #tpu.memory_space<vmem>>) offsets(%arg14 : memref<640xi32, #tpu.memory_space<vmem>>) semaphore(%arg37 : memref<!tpu.dma_semaphore, #tpu.memory_space<semaphore_mem>>)
    %add3A_132 = arith.constant 1 : i32
    %add3A_133 = arith.addi %mul3A_4, %add3A_132 : i32
    %min3A_134 = arith.minsi %add3A_133, %sub3A_7 : i32
    %div3A_135 = arith.constant 360 : i32
    %div3A_136 = arith.divsi %min3A_134, %div3A_135 : i32
    %mul3A_137 = arith.constant 360 : i32
    %mul3A_138 = arith.muli %div3A_136, %mul3A_137 : i32
    %sub3A_139 = arith.subi %min3A_134, %mul3A_138 : i32
    %eq3A_140 = arith.constant 0 : i32
    %eq3A_141 = arith.cmpi eq, %sub3A_139, %eq3A_140 : i32
    %sub3A_142 = arith.constant 1 : i32
    %sub3A_143 = arith.subi %min3A_134, %sub3A_142 : i32
    %select_n3A_144 = arith.select %eq3A_141, %min3A_134, %sub3A_143 : i32
    %eq3A_145 = arith.constant 359 : i32
    %eq3A_146 = arith.cmpi eq, %sub3A_139, %eq3A_145 : i32
    %add3A_147 = arith.constant 1 : i32
    %add3A_148 = arith.addi %min3A_134, %add3A_147 : i32
    %select_n3A_149 = arith.select %eq3A_146, %min3A_134, %add3A_148 : i32
    %mul3A_150 = arith.constant 640 : i32
    %mul3A_151 = arith.muli %min3A_134, %mul3A_150 : i32
    %dma_start3A_152 = arith.constant 0 : i32
    %dma_start3A_153 = tpu.memref_slice %arg31[%dma_start3A_152] : memref<656xf32, #tpu.memory_space<vmem>> -> memref<640xf32, #tpu.memory_space<vmem>>
    %dma_start3A_154 = tpu.memref_slice %arg2[%mul3A_151] : memref<5529600xf32, #tpu.memory_space<hbm>> -> memref<640xf32, #tpu.memory_space<hbm>>
    %dma_start3A_155 = arith.constant 0 : i32
    %dma_start3A_156 = tpu.memref_slice %arg31[%dma_start3A_155] : memref<656xf32, #tpu.memory_space<vmem>> -> memref<640xf32, #tpu.memory_space<vmem>>
    %dma_start3A_157 = tpu.memref_slice %arg2[%mul3A_151] : memref<5529600xf32, #tpu.memory_space<hbm>> -> memref<640xf32, #tpu.memory_space<hbm>>
    tpu.enqueue_dma source(%dma_start3A_157 : memref<640xf32, #tpu.memory_space<hbm>>) target(%dma_start3A_156 : memref<640xf32, #tpu.memory_space<vmem>>) target_semaphore(%arg42 : memref<!tpu.dma_semaphore, #tpu.memory_space<semaphore_mem>>)
    %mul3A_158 = arith.constant 640 : i32
    %mul3A_159 = arith.muli %min3A_134, %mul3A_158 : i32
    %dma_start3A_160 = arith.constant 8 : i32
    %dma_start3A_161 = tpu.memref_slice %arg32[%dma_start3A_160] : memref<656xf32, #tpu.memory_space<vmem>> -> memref<640xf32, #tpu.memory_space<vmem>>
    %dma_start3A_162 = tpu.memref_slice %arg2[%mul3A_159] : memref<5529600xf32, #tpu.memory_space<hbm>> -> memref<640xf32, #tpu.memory_space<hbm>>
    %dma_start3A_163 = arith.constant 8 : i32
    %dma_start3A_164 = tpu.memref_slice %arg32[%dma_start3A_163] : memref<656xf32, #tpu.memory_space<vmem>> -> memref<640xf32, #tpu.memory_space<vmem>>
    %dma_start3A_165 = tpu.memref_slice %arg2[%mul3A_159] : memref<5529600xf32, #tpu.memory_space<hbm>> -> memref<640xf32, #tpu.memory_space<hbm>>
    tpu.enqueue_dma source(%dma_start3A_165 : memref<640xf32, #tpu.memory_space<hbm>>) target(%dma_start3A_164 : memref<640xf32, #tpu.memory_space<vmem>>) target_semaphore(%arg42 : memref<!tpu.dma_semaphore, #tpu.memory_space<semaphore_mem>>)
    %mul3A_166 = arith.constant 640 : i32
    %mul3A_167 = arith.muli %select_n3A_144, %mul3A_166 : i32
    %dma_start3A_168 = arith.constant 0 : i32
    %dma_start3A_169 = tpu.memref_slice %arg33[%dma_start3A_168] : memref<656xf32, #tpu.memory_space<vmem>> -> memref<640xf32, #tpu.memory_space<vmem>>
    %dma_start3A_170 = tpu.memref_slice %arg2[%mul3A_167] : memref<5529600xf32, #tpu.memory_space<hbm>> -> memref<640xf32, #tpu.memory_space<hbm>>
    %dma_start3A_171 = arith.constant 0 : i32
    %dma_start3A_172 = tpu.memref_slice %arg33[%dma_start3A_171] : memref<656xf32, #tpu.memory_space<vmem>> -> memref<640xf32, #tpu.memory_space<vmem>>
    %dma_start3A_173 = tpu.memref_slice %arg2[%mul3A_167] : memref<5529600xf32, #tpu.memory_space<hbm>> -> memref<640xf32, #tpu.memory_space<hbm>>
    tpu.enqueue_dma source(%dma_start3A_173 : memref<640xf32, #tpu.memory_space<hbm>>) target(%dma_start3A_172 : memref<640xf32, #tpu.memory_space<vmem>>) target_semaphore(%arg42 : memref<!tpu.dma_semaphore, #tpu.memory_space<semaphore_mem>>)
    %mul3A_174 = arith.constant 640 : i32
    %mul3A_175 = arith.muli %select_n3A_144, %mul3A_174 : i32
    %dma_start3A_176 = arith.constant 8 : i32
    %dma_start3A_177 = tpu.memref_slice %arg34[%dma_start3A_176] : memref<656xf32, #tpu.memory_space<vmem>> -> memref<640xf32, #tpu.memory_space<vmem>>
    %dma_start3A_178 = tpu.memref_slice %arg2[%mul3A_175] : memref<5529600xf32, #tpu.memory_space<hbm>> -> memref<640xf32, #tpu.memory_space<hbm>>
    %dma_start3A_179 = arith.constant 8 : i32
    %dma_start3A_180 = tpu.memref_slice %arg34[%dma_start3A_179] : memref<656xf32, #tpu.memory_space<vmem>> -> memref<640xf32, #tpu.memory_space<vmem>>
    %dma_start3A_181 = tpu.memref_slice %arg2[%mul3A_175] : memref<5529600xf32, #tpu.memory_space<hbm>> -> memref<640xf32, #tpu.memory_space<hbm>>
    tpu.enqueue_dma source(%dma_start3A_181 : memref<640xf32, #tpu.memory_space<hbm>>) target(%dma_start3A_180 : memref<640xf32, #tpu.memory_space<vmem>>) target_semaphore(%arg42 : memref<!tpu.dma_semaphore, #tpu.memory_space<semaphore_mem>>)
    %mul3A_182 = arith.constant 640 : i32
    %mul3A_183 = arith.muli %select_n3A_149, %mul3A_182 : i32
    %dma_start3A_184 = arith.constant 0 : i32
    %dma_start3A_185 = tpu.memref_slice %arg35[%dma_start3A_184] : memref<656xf32, #tpu.memory_space<vmem>> -> memref<640xf32, #tpu.memory_space<vmem>>
    %dma_start3A_186 = tpu.memref_slice %arg2[%mul3A_183] : memref<5529600xf32, #tpu.memory_space<hbm>> -> memref<640xf32, #tpu.memory_space<hbm>>
    %dma_start3A_187 = arith.constant 0 : i32
    %dma_start3A_188 = tpu.memref_slice %arg35[%dma_start3A_187] : memref<656xf32, #tpu.memory_space<vmem>> -> memref<640xf32, #tpu.memory_space<vmem>>
    %dma_start3A_189 = tpu.memref_slice %arg2[%mul3A_183] : memref<5529600xf32, #tpu.memory_space<hbm>> -> memref<640xf32, #tpu.memory_space<hbm>>
    tpu.enqueue_dma source(%dma_start3A_189 : memref<640xf32, #tpu.memory_space<hbm>>) target(%dma_start3A_188 : memref<640xf32, #tpu.memory_space<vmem>>) target_semaphore(%arg42 : memref<!tpu.dma_semaphore, #tpu.memory_space<semaphore_mem>>)
    %mul3A_190 = arith.constant 640 : i32
    %mul3A_191 = arith.muli %select_n3A_149, %mul3A_190 : i32
    %dma_start3A_192 = arith.constant 8 : i32
    %dma_start3A_193 = tpu.memref_slice %arg36[%dma_start3A_192] : memref<656xf32, #tpu.memory_space<vmem>> -> memref<640xf32, #tpu.memory_space<vmem>>
    %dma_start3A_194 = tpu.memref_slice %arg2[%mul3A_191] : memref<5529600xf32, #tpu.memory_space<hbm>> -> memref<640xf32, #tpu.memory_space<hbm>>
    %dma_start3A_195 = arith.constant 8 : i32
    %dma_start3A_196 = tpu.memref_slice %arg36[%dma_start3A_195] : memref<656xf32, #tpu.memory_space<vmem>> -> memref<640xf32, #tpu.memory_space<vmem>>
    %dma_start3A_197 = tpu.memref_slice %arg2[%mul3A_191] : memref<5529600xf32, #tpu.memory_space<hbm>> -> memref<640xf32, #tpu.memory_space<hbm>>
    tpu.enqueue_dma source(%dma_start3A_197 : memref<640xf32, #tpu.memory_space<hbm>>) target(%dma_start3A_196 : memref<640xf32, #tpu.memory_space<vmem>>) target_semaphore(%arg42 : memref<!tpu.dma_semaphore, #tpu.memory_space<semaphore_mem>>)
    %scan3A = arith.constant 0 : i32
    %scan3A_198 = arith.constant 0 : i32
    %scan3A_199 = arith.constant 135 : i32
    %scan3A_200 = arith.addi %scan3A_198, %scan3A_199 : i32
    %scan3A_201 = arith.constant 1 : i32
    scf.for %scan3A_219 = %scan3A_198 to %scan3A_200 step %scan3A_201  : i32 {
      %mul3A_220 = arith.constant 2 : i32
      %mul3A_221 = arith.muli %mul3A_220, %scan3A_219 : i32
      %add3A_222 = arith.addi %mul3A_4, %mul3A_221 : i32
      %dma_wait3A_223 = arith.constant 0 : i32
      %dma_wait3A_224 = tpu.memref_slice %arg2[%dma_wait3A_223] : memref<5529600xf32, #tpu.memory_space<hbm>> -> memref<3840xf32, #tpu.memory_space<hbm>>
      %dma_wait3A_225 = arith.constant 0 : i32
      %dma_wait3A_226 = tpu.memref_slice %arg2[%dma_wait3A_225] : memref<5529600xf32, #tpu.memory_space<hbm>> -> memref<3840xf32, #tpu.memory_space<hbm>>
      tpu.wait_dma2 semaphore(%arg42 : memref<!tpu.dma_semaphore, #tpu.memory_space<semaphore_mem>>) src(%dma_wait3A_226 : memref<3840xf32, #tpu.memory_space<hbm>>) dst(%arg5 : memref<3840xf32, #tpu.memory_space<vmem>>)
      %get3A_227 = arith.constant 624 : index
      %get3A_228 = tpu.vector_load %arg31[%get3A_227] {strides = array<i32>} : memref<656xf32, #tpu.memory_space<vmem>>, vector<16xf32>,
      tpu.vector_store_idx %arg31[%broadcast_in_dim3A_14], %get3A_228 masked %eq3A_10 : memref<656xf32, #tpu.memory_space<vmem>>[vector<16xi32>], vector<16xf32>, vector<16xi1>
      %get3A_229 = arith.constant 624 : index
      %get3A_230 = tpu.vector_load %arg33[%get3A_229] {strides = array<i32>} : memref<656xf32, #tpu.memory_space<vmem>>, vector<16xf32>,
      tpu.vector_store_idx %arg33[%broadcast_in_dim3A_14], %get3A_230 masked %eq3A_10 : memref<656xf32, #tpu.memory_space<vmem>>[vector<16xi32>], vector<16xf32>, vector<16xi1>
      %get3A_231 = arith.constant 624 : index
      %get3A_232 = tpu.vector_load %arg35[%get3A_231] {strides = array<i32>} : memref<656xf32, #tpu.memory_space<vmem>>, vector<16xf32>,
      tpu.vector_store_idx %arg35[%broadcast_in_dim3A_14], %get3A_232 masked %eq3A_10 : memref<656xf32, #tpu.memory_space<vmem>>[vector<16xi32>], vector<16xf32>, vector<16xi1>
      %get3A_233 = arith.constant 8 : index
      %get3A_234 = tpu.vector_load %arg32[%get3A_233] {strides = array<i32>} : memref<656xf32, #tpu.memory_space<vmem>>, vector<16xf32>,
      tpu.vector_store_idx %arg32[%broadcast_in_dim3A_16], %get3A_234 masked %eq3A_13 : memref<656xf32, #tpu.memory_space<vmem>>[vector<16xi32>], vector<16xf32>, vector<16xi1>
      %get3A_235 = arith.constant 8 : index
      %get3A_236 = tpu.vector_load %arg34[%get3A_235] {strides = array<i32>} : memref<656xf32, #tpu.memory_space<vmem>>, vector<16xf32>,
      tpu.vector_store_idx %arg34[%broadcast_in_dim3A_16], %get3A_236 masked %eq3A_13 : memref<656xf32, #tpu.memory_space<vmem>>[vector<16xi32>], vector<16xf32>, vector<16xi1>
      %get3A_237 = arith.constant 8 : index
      %get3A_238 = tpu.vector_load %arg36[%get3A_237] {strides = array<i32>} : memref<656xf32, #tpu.memory_space<vmem>>, vector<16xf32>,
      tpu.vector_store_idx %arg36[%broadcast_in_dim3A_16], %get3A_238 masked %eq3A_13 : memref<656xf32, #tpu.memory_space<vmem>>[vector<16xi32>], vector<16xf32>, vector<16xi1>
      %parallel_loop3A_239 = arith.constant 0 : i32
      %parallel_loop3A_240 = arith.constant 40 : i32
      %parallel_loop3A_241 = arith.constant 1 : i32
      scf.for %parallel_loop3A_506 = %parallel_loop3A_239 to %parallel_loop3A_240 step %parallel_loop3A_241  : i32 {
        %parallel_loop3A_507 = arith.constant 16 : i32
        %parallel_loop3A_508 = arith.muli %parallel_loop3A_506, %parallel_loop3A_507 : i32
        %parallel_loop3A_509 = arith.index_cast %parallel_loop3A_508 : i32 to index
        %parallel_loop3A_510 = tpu.vector_load %arg31[%parallel_loop3A_509] {strides = array<i32>} : memref<656xf32, #tpu.memory_space<vmem>>, vector<16xf32>,
        %parallel_loop3A_511 = arith.constant 2.560000e+02 : f32
        %parallel_loop3A_512 = vector.broadcast %parallel_loop3A_511 : f32 to vector<16xf32>
        %parallel_loop3A_513 = arith.mulf %parallel_loop3A_510, %parallel_loop3A_512 : vector<16xf32>
        %parallel_loop3A_514 = arith.constant 16 : i32
        %parallel_loop3A_515 = arith.muli %parallel_loop3A_506, %parallel_loop3A_514 : i32
        %parallel_loop3A_516 = arith.constant 1 : i32
        %parallel_loop3A_517 = arith.addi %parallel_loop3A_515, %parallel_loop3A_516 : i32
        %parallel_loop3A_518 = arith.index_cast %parallel_loop3A_517 : i32 to index
        %parallel_loop3A_519 = tpu.vector_load %arg31[%parallel_loop3A_518] {strides = array<i32>} : memref<656xf32, #tpu.memory_space<vmem>>, vector<16xf32>,
        %parallel_loop3A_520 = arith.addf %parallel_loop3A_513, %parallel_loop3A_519 : vector<16xf32>
        %parallel_loop3A_521 = arith.fptosi %parallel_loop3A_520 : vector<16xf32> to vector<16xi32>
        %parallel_loop3A_522 = arith.constant 16 : i32
        %parallel_loop3A_523 = arith.muli %parallel_loop3A_506, %parallel_loop3A_522 : i32
        %parallel_loop3A_524 = arith.index_cast %parallel_loop3A_523 : i32 to index
        %parallel_loop3A_525 = tpu.vector_load %arg15[%parallel_loop3A_524] {strides = array<i32>} : memref<640xi32, #tpu.memory_space<vmem>>, vector<16xi32>,
        tpu.vector_store %arg15[%parallel_loop3A_524], %parallel_loop3A_521 {strides = array<i32>} : memref<640xi32, #tpu.memory_space<vmem>>, vector<16xi32>,
        %parallel_loop3A_526 = arith.constant 16 : i32
        %parallel_loop3A_527 = arith.muli %parallel_loop3A_506, %parallel_loop3A_526 : i32
        %parallel_loop3A_528 = arith.constant 7 : i32
        %parallel_loop3A_529 = arith.addi %parallel_loop3A_527, %parallel_loop3A_528 : i32
        %parallel_loop3A_530 = arith.index_cast %parallel_loop3A_529 : i32 to index
        %parallel_loop3A_531 = tpu.vector_load %arg32[%parallel_loop3A_530] {strides = array<i32>} : memref<656xf32, #tpu.memory_space<vmem>>, vector<16xf32>,
        %parallel_loop3A_532 = arith.addf %parallel_loop3A_513, %parallel_loop3A_531 : vector<16xf32>
        %parallel_loop3A_533 = arith.fptosi %parallel_loop3A_532 : vector<16xf32> to vector<16xi32>
        %parallel_loop3A_534 = arith.constant 16 : i32
        %parallel_loop3A_535 = arith.muli %parallel_loop3A_506, %parallel_loop3A_534 : i32
        %parallel_loop3A_536 = arith.index_cast %parallel_loop3A_535 : i32 to index
        %parallel_loop3A_537 = tpu.vector_load %arg16[%parallel_loop3A_536] {strides = array<i32>} : memref<640xi32, #tpu.memory_space<vmem>>, vector<16xi32>,
        tpu.vector_store %arg16[%parallel_loop3A_536], %parallel_loop3A_533 {strides = array<i32>} : memref<640xi32, #tpu.memory_space<vmem>>, vector<16xi32>,
        %parallel_loop3A_538 = arith.constant 16 : i32
        %parallel_loop3A_539 = arith.muli %parallel_loop3A_506, %parallel_loop3A_538 : i32
        %parallel_loop3A_540 = arith.constant 0 : i32
        %parallel_loop3A_541 = arith.addi %parallel_loop3A_539, %parallel_loop3A_540 : i32
        %parallel_loop3A_542 = arith.index_cast %parallel_loop3A_541 : i32 to index
        %parallel_loop3A_543 = tpu.vector_load %arg35[%parallel_loop3A_542] {strides = array<i32>} : memref<656xf32, #tpu.memory_space<vmem>>, vector<16xf32>,
        %parallel_loop3A_544 = arith.addf %parallel_loop3A_513, %parallel_loop3A_543 : vector<16xf32>
        %parallel_loop3A_545 = arith.fptosi %parallel_loop3A_544 : vector<16xf32> to vector<16xi32>
        %parallel_loop3A_546 = arith.constant 16 : i32
        %parallel_loop3A_547 = arith.muli %parallel_loop3A_506, %parallel_loop3A_546 : i32
        %parallel_loop3A_548 = arith.index_cast %parallel_loop3A_547 : i32 to index
        %parallel_loop3A_549 = tpu.vector_load %arg17[%parallel_loop3A_548] {strides = array<i32>} : memref<640xi32, #tpu.memory_space<vmem>>, vector<16xi32>,
        tpu.vector_store %arg17[%parallel_loop3A_548], %parallel_loop3A_545 {strides = array<i32>} : memref<640xi32, #tpu.memory_space<vmem>>, vector<16xi32>,
        %parallel_loop3A_550 = arith.constant 16 : i32
        %parallel_loop3A_551 = arith.muli %parallel_loop3A_506, %parallel_loop3A_550 : i32
        %parallel_loop3A_552 = arith.constant 0 : i32
        %parallel_loop3A_553 = arith.addi %parallel_loop3A_551, %parallel_loop3A_552 : i32
        %parallel_loop3A_554 = arith.index_cast %parallel_loop3A_553 : i32 to index
        %parallel_loop3A_555 = tpu.vector_load %arg33[%parallel_loop3A_554] {strides = array<i32>} : memref<656xf32, #tpu.memory_space<vmem>>, vector<16xf32>,
        %parallel_loop3A_556 = arith.addf %parallel_loop3A_513, %parallel_loop3A_555 : vector<16xf32>
        %parallel_loop3A_557 = arith.fptosi %parallel_loop3A_556 : vector<16xf32> to vector<16xi32>
        %parallel_loop3A_558 = arith.constant 16 : i32
        %parallel_loop3A_559 = arith.muli %parallel_loop3A_506, %parallel_loop3A_558 : i32
        %parallel_loop3A_560 = arith.index_cast %parallel_loop3A_559 : i32 to index
        %parallel_loop3A_561 = tpu.vector_load %arg18[%parallel_loop3A_560] {strides = array<i32>} : memref<640xi32, #tpu.memory_space<vmem>>, vector<16xi32>,
        tpu.vector_store %arg18[%parallel_loop3A_560], %parallel_loop3A_557 {strides = array<i32>} : memref<640xi32, #tpu.memory_space<vmem>>, vector<16xi32>,
        %parallel_loop3A_562 = arith.constant 16 : i32
        %parallel_loop3A_563 = arith.muli %parallel_loop3A_506, %parallel_loop3A_562 : i32
        %parallel_loop3A_564 = arith.constant 1 : i32
        %parallel_loop3A_565 = arith.addi %parallel_loop3A_563, %parallel_loop3A_564 : i32
        %parallel_loop3A_566 = arith.index_cast %parallel_loop3A_565 : i32 to index
        %parallel_loop3A_567 = tpu.vector_load %arg35[%parallel_loop3A_566] {strides = array<i32>} : memref<656xf32, #tpu.memory_space<vmem>>, vector<16xf32>,
        %parallel_loop3A_568 = arith.addf %parallel_loop3A_513, %parallel_loop3A_567 : vector<16xf32>
        %parallel_loop3A_569 = arith.fptosi %parallel_loop3A_568 : vector<16xf32> to vector<16xi32>
        %parallel_loop3A_570 = arith.constant 16 : i32
        %parallel_loop3A_571 = arith.muli %parallel_loop3A_506, %parallel_loop3A_570 : i32
        %parallel_loop3A_572 = arith.index_cast %parallel_loop3A_571 : i32 to index
        %parallel_loop3A_573 = tpu.vector_load %arg19[%parallel_loop3A_572] {strides = array<i32>} : memref<640xi32, #tpu.memory_space<vmem>>, vector<16xi32>,
        tpu.vector_store %arg19[%parallel_loop3A_572], %parallel_loop3A_569 {strides = array<i32>} : memref<640xi32, #tpu.memory_space<vmem>>, vector<16xi32>,
        %parallel_loop3A_574 = arith.constant 16 : i32
        %parallel_loop3A_575 = arith.muli %parallel_loop3A_506, %parallel_loop3A_574 : i32
        %parallel_loop3A_576 = arith.constant 7 : i32
        %parallel_loop3A_577 = arith.addi %parallel_loop3A_575, %parallel_loop3A_576 : i32
        %parallel_loop3A_578 = arith.index_cast %parallel_loop3A_577 : i32 to index
        %parallel_loop3A_579 = tpu.vector_load %arg36[%parallel_loop3A_578] {strides = array<i32>} : memref<656xf32, #tpu.memory_space<vmem>>, vector<16xf32>,
        %parallel_loop3A_580 = arith.addf %parallel_loop3A_513, %parallel_loop3A_579 : vector<16xf32>
        %parallel_loop3A_581 = arith.fptosi %parallel_loop3A_580 : vector<16xf32> to vector<16xi32>
        %parallel_loop3A_582 = arith.constant 16 : i32
        %parallel_loop3A_583 = arith.muli %parallel_loop3A_506, %parallel_loop3A_582 : i32
        %parallel_loop3A_584 = arith.index_cast %parallel_loop3A_583 : i32 to index
        %parallel_loop3A_585 = tpu.vector_load %arg20[%parallel_loop3A_584] {strides = array<i32>} : memref<640xi32, #tpu.memory_space<vmem>>, vector<16xi32>,
        tpu.vector_store %arg20[%parallel_loop3A_584], %parallel_loop3A_581 {strides = array<i32>} : memref<640xi32, #tpu.memory_space<vmem>>, vector<16xi32>,
        %parallel_loop3A_586 = arith.constant 16 : i32
        %parallel_loop3A_587 = arith.muli %parallel_loop3A_506, %parallel_loop3A_586 : i32
        %parallel_loop3A_588 = arith.constant 7 : i32
        %parallel_loop3A_589 = arith.addi %parallel_loop3A_587, %parallel_loop3A_588 : i32
        %parallel_loop3A_590 = arith.index_cast %parallel_loop3A_589 : i32 to index
        %parallel_loop3A_591 = tpu.vector_load %arg34[%parallel_loop3A_590] {strides = array<i32>} : memref<656xf32, #tpu.memory_space<vmem>>, vector<16xf32>,
        %parallel_loop3A_592 = arith.addf %parallel_loop3A_513, %parallel_loop3A_591 : vector<16xf32>
        %parallel_loop3A_593 = arith.fptosi %parallel_loop3A_592 : vector<16xf32> to vector<16xi32>
        %parallel_loop3A_594 = arith.constant 16 : i32
        %parallel_loop3A_595 = arith.muli %parallel_loop3A_506, %parallel_loop3A_594 : i32
        %parallel_loop3A_596 = arith.index_cast %parallel_loop3A_595 : i32 to index
        %parallel_loop3A_597 = tpu.vector_load %arg21[%parallel_loop3A_596] {strides = array<i32>} : memref<640xi32, #tpu.memory_space<vmem>>, vector<16xi32>,
        tpu.vector_store %arg21[%parallel_loop3A_596], %parallel_loop3A_593 {strides = array<i32>} : memref<640xi32, #tpu.memory_space<vmem>>, vector<16xi32>,
        %parallel_loop3A_598 = arith.constant 16 : i32
        %parallel_loop3A_599 = arith.muli %parallel_loop3A_506, %parallel_loop3A_598 : i32
        %parallel_loop3A_600 = arith.constant 1 : i32
        %parallel_loop3A_601 = arith.addi %parallel_loop3A_599, %parallel_loop3A_600 : i32
        %parallel_loop3A_602 = arith.index_cast %parallel_loop3A_601 : i32 to index
        %parallel_loop3A_603 = tpu.vector_load %arg33[%parallel_loop3A_602] {strides = array<i32>} : memref<656xf32, #tpu.memory_space<vmem>>, vector<16xf32>,
        %parallel_loop3A_604 = arith.addf %parallel_loop3A_513, %parallel_loop3A_603 : vector<16xf32>
        %parallel_loop3A_605 = arith.fptosi %parallel_loop3A_604 : vector<16xf32> to vector<16xi32>
        %parallel_loop3A_606 = arith.constant 16 : i32
        %parallel_loop3A_607 = arith.muli %parallel_loop3A_506, %parallel_loop3A_606 : i32
        %parallel_loop3A_608 = arith.index_cast %parallel_loop3A_607 : i32 to index
        %parallel_loop3A_609 = tpu.vector_load %arg22[%parallel_loop3A_608] {strides = array<i32>} : memref<640xi32, #tpu.memory_space<vmem>>, vector<16xi32>,
        tpu.vector_store %arg22[%parallel_loop3A_608], %parallel_loop3A_605 {strides = array<i32>} : memref<640xi32, #tpu.memory_space<vmem>>, vector<16xi32>,
      } {sc.loop_unroll_factor = 4 : i64, sc.parallel_access}
      %dma_start3A_242 = arith.constant 0 : i32
      %dma_start3A_243 = tpu.memref_slice %arg75[%dma_start3A_242] : memref<65536xi32, #tpu.memory_space<vmem_shared>> -> memref<65536xi32, #tpu.memory_space<vmem_shared>>
      tpu.enqueue_indirect_dma source(%dma_start3A_243 : memref<65536xi32, #tpu.memory_space<vmem_shared>>) target(%arg59 : memref<640xi32, #tpu.memory_space<vmem>>) offsets(%arg15 : memref<640xi32, #tpu.memory_space<vmem>>) semaphore(%arg38 : memref<!tpu.dma_semaphore, #tpu.memory_space<semaphore_mem>>)
      %dma_start3A_244 = arith.constant 0 : i32
      %dma_start3A_245 = tpu.memref_slice %arg76[%dma_start3A_244] : memref<65536xi32, #tpu.memory_space<vmem_shared>> -> memref<65536xi32, #tpu.memory_space<vmem_shared>>
      tpu.enqueue_indirect_dma source(%dma_start3A_245 : memref<65536xi32, #tpu.memory_space<vmem_shared>>) target(%arg60 : memref<640xi32, #tpu.memory_space<vmem>>) offsets(%arg15 : memref<640xi32, #tpu.memory_space<vmem>>) semaphore(%arg38 : memref<!tpu.dma_semaphore, #tpu.memory_space<semaphore_mem>>)
      %dma_start3A_246 = arith.constant 0 : i32
      %dma_start3A_247 = tpu.memref_slice %arg77[%dma_start3A_246] : memref<65536xi32, #tpu.memory_space<vmem_shared>> -> memref<65536xi32, #tpu.memory_space<vmem_shared>>
      tpu.enqueue_indirect_dma source(%dma_start3A_247 : memref<65536xi32, #tpu.memory_space<vmem_shared>>) target(%arg61 : memref<640xi32, #tpu.memory_space<vmem>>) offsets(%arg16 : memref<640xi32, #tpu.memory_space<vmem>>) semaphore(%arg38 : memref<!tpu.dma_semaphore, #tpu.memory_space<semaphore_mem>>)
      %dma_start3A_248 = arith.constant 0 : i32
      %dma_start3A_249 = tpu.memref_slice %arg78[%dma_start3A_248] : memref<65536xi32, #tpu.memory_space<vmem_shared>> -> memref<65536xi32, #tpu.memory_space<vmem_shared>>
      tpu.enqueue_indirect_dma source(%dma_start3A_249 : memref<65536xi32, #tpu.memory_space<vmem_shared>>) target(%arg62 : memref<640xi32, #tpu.memory_space<vmem>>) offsets(%arg16 : memref<640xi32, #tpu.memory_space<vmem>>) semaphore(%arg38 : memref<!tpu.dma_semaphore, #tpu.memory_space<semaphore_mem>>)
      %dma_start3A_250 = arith.constant 0 : i32
      %dma_start3A_251 = tpu.memref_slice %arg79[%dma_start3A_250] : memref<65536xi32, #tpu.memory_space<vmem_shared>> -> memref<65536xi32, #tpu.memory_space<vmem_shared>>
      tpu.enqueue_indirect_dma source(%dma_start3A_251 : memref<65536xi32, #tpu.memory_space<vmem_shared>>) target(%arg63 : memref<640xi32, #tpu.memory_space<vmem>>) offsets(%arg17 : memref<640xi32, #tpu.memory_space<vmem>>) semaphore(%arg38 : memref<!tpu.dma_semaphore, #tpu.memory_space<semaphore_mem>>)
      %dma_start3A_252 = arith.constant 0 : i32
      %dma_start3A_253 = tpu.memref_slice %arg80[%dma_start3A_252] : memref<65536xi32, #tpu.memory_space<vmem_shared>> -> memref<65536xi32, #tpu.memory_space<vmem_shared>>
      tpu.enqueue_indirect_dma source(%dma_start3A_253 : memref<65536xi32, #tpu.memory_space<vmem_shared>>) target(%arg64 : memref<640xi32, #tpu.memory_space<vmem>>) offsets(%arg17 : memref<640xi32, #tpu.memory_space<vmem>>) semaphore(%arg38 : memref<!tpu.dma_semaphore, #tpu.memory_space<semaphore_mem>>)
      %dma_start3A_254 = arith.constant 0 : i32
      %dma_start3A_255 = tpu.memref_slice %arg81[%dma_start3A_254] : memref<65536xi32, #tpu.memory_space<vmem_shared>> -> memref<65536xi32, #tpu.memory_space<vmem_shared>>
      tpu.enqueue_indirect_dma source(%dma_start3A_255 : memref<65536xi32, #tpu.memory_space<vmem_shared>>) target(%arg65 : memref<640xi32, #tpu.memory_space<vmem>>) offsets(%arg18 : memref<640xi32, #tpu.memory_space<vmem>>) semaphore(%arg38 : memref<!tpu.dma_semaphore, #tpu.memory_space<semaphore_mem>>)
      %dma_start3A_256 = arith.constant 0 : i32
      %dma_start3A_257 = tpu.memref_slice %arg82[%dma_start3A_256] : memref<65536xi32, #tpu.memory_space<vmem_shared>> -> memref<65536xi32, #tpu.memory_space<vmem_shared>>
      tpu.enqueue_indirect_dma source(%dma_start3A_257 : memref<65536xi32, #tpu.memory_space<vmem_shared>>) target(%arg66 : memref<640xi32, #tpu.memory_space<vmem>>) offsets(%arg18 : memref<640xi32, #tpu.memory_space<vmem>>) semaphore(%arg38 : memref<!tpu.dma_semaphore, #tpu.memory_space<semaphore_mem>>)
      %dma_start3A_258 = arith.constant 0 : i32
      %dma_start3A_259 = tpu.memref_slice %arg83[%dma_start3A_258] : memref<65536xi32, #tpu.memory_space<vmem_shared>> -> memref<65536xi32, #tpu.memory_space<vmem_shared>>
      tpu.enqueue_indirect_dma source(%dma_start3A_259 : memref<65536xi32, #tpu.memory_space<vmem_shared>>) target(%arg67 : memref<640xi32, #tpu.memory_space<vmem>>) offsets(%arg19 : memref<640xi32, #tpu.memory_space<vmem>>) semaphore(%arg38 : memref<!tpu.dma_semaphore, #tpu.memory_space<semaphore_mem>>)
      %dma_start3A_260 = arith.constant 0 : i32
      %dma_start3A_261 = tpu.memref_slice %arg84[%dma_start3A_260] : memref<65536xi32, #tpu.memory_space<vmem_shared>> -> memref<65536xi32, #tpu.memory_space<vmem_shared>>
      tpu.enqueue_indirect_dma source(%dma_start3A_261 : memref<65536xi32, #tpu.memory_space<vmem_shared>>) target(%arg68 : memref<640xi32, #tpu.memory_space<vmem>>) offsets(%arg19 : memref<640xi32, #tpu.memory_space<vmem>>) semaphore(%arg38 : memref<!tpu.dma_semaphore, #tpu.memory_space<semaphore_mem>>)
      %dma_start3A_262 = arith.constant 0 : i32
      %dma_start3A_263 = tpu.memref_slice %arg85[%dma_start3A_262] : memref<65536xi32, #tpu.memory_space<vmem_shared>> -> memref<65536xi32, #tpu.memory_space<vmem_shared>>
      tpu.enqueue_indirect_dma source(%dma_start3A_263 : memref<65536xi32, #tpu.memory_space<vmem_shared>>) target(%arg69 : memref<640xi32, #tpu.memory_space<vmem>>) offsets(%arg20 : memref<640xi32, #tpu.memory_space<vmem>>) semaphore(%arg38 : memref<!tpu.dma_semaphore, #tpu.memory_space<semaphore_mem>>)
      %dma_start3A_264 = arith.constant 0 : i32
      %dma_start3A_265 = tpu.memref_slice %arg86[%dma_start3A_264] : memref<65536xi32, #tpu.memory_space<vmem_shared>> -> memref<65536xi32, #tpu.memory_space<vmem_shared>>
      tpu.enqueue_indirect_dma source(%dma_start3A_265 : memref<65536xi32, #tpu.memory_space<vmem_shared>>) target(%arg70 : memref<640xi32, #tpu.memory_space<vmem>>) offsets(%arg20 : memref<640xi32, #tpu.memory_space<vmem>>) semaphore(%arg38 : memref<!tpu.dma_semaphore, #tpu.memory_space<semaphore_mem>>)
      %dma_start3A_266 = arith.constant 0 : i32
      %dma_start3A_267 = tpu.memref_slice %arg87[%dma_start3A_266] : memref<65536xi32, #tpu.memory_space<vmem_shared>> -> memref<65536xi32, #tpu.memory_space<vmem_shared>>
      tpu.enqueue_indirect_dma source(%dma_start3A_267 : memref<65536xi32, #tpu.memory_space<vmem_shared>>) target(%arg71 : memref<640xi32, #tpu.memory_space<vmem>>) offsets(%arg21 : memref<640xi32, #tpu.memory_space<vmem>>) semaphore(%arg38 : memref<!tpu.dma_semaphore, #tpu.memory_space<semaphore_mem>>)
      %dma_start3A_268 = arith.constant 0 : i32
      %dma_start3A_269 = tpu.memref_slice %arg88[%dma_start3A_268] : memref<65536xi32, #tpu.memory_space<vmem_shared>> -> memref<65536xi32, #tpu.memory_space<vmem_shared>>
      tpu.enqueue_indirect_dma source(%dma_start3A_269 : memref<65536xi32, #tpu.memory_space<vmem_shared>>) target(%arg72 : memref<640xi32, #tpu.memory_space<vmem>>) offsets(%arg21 : memref<640xi32, #tpu.memory_space<vmem>>) semaphore(%arg38 : memref<!tpu.dma_semaphore, #tpu.memory_space<semaphore_mem>>)
      %dma_start3A_270 = arith.constant 0 : i32
      %dma_start3A_271 = tpu.memref_slice %arg89[%dma_start3A_270] : memref<65536xi32, #tpu.memory_space<vmem_shared>> -> memref<65536xi32, #tpu.memory_space<vmem_shared>>
      tpu.enqueue_indirect_dma source(%dma_start3A_271 : memref<65536xi32, #tpu.memory_space<vmem_shared>>) target(%arg73 : memref<640xi32, #tpu.memory_space<vmem>>) offsets(%arg22 : memref<640xi32, #tpu.memory_space<vmem>>) semaphore(%arg38 : memref<!tpu.dma_semaphore, #tpu.memory_space<semaphore_mem>>)
      %dma_start3A_272 = arith.constant 0 : i32
      %dma_start3A_273 = tpu.memref_slice %arg90[%dma_start3A_272] : memref<65536xi32, #tpu.memory_space<vmem_shared>> -> memref<65536xi32, #tpu.memory_space<vmem_shared>>
      tpu.enqueue_indirect_dma source(%dma_start3A_273 : memref<65536xi32, #tpu.memory_space<vmem_shared>>) target(%arg74 : memref<640xi32, #tpu.memory_space<vmem>>) offsets(%arg22 : memref<640xi32, #tpu.memory_space<vmem>>) semaphore(%arg38 : memref<!tpu.dma_semaphore, #tpu.memory_space<semaphore_mem>>)
      %add3A_274 = arith.constant 2 : i32
      %add3A_275 = arith.addi %add3A_222, %add3A_274 : i32
      %min3A_276 = arith.minsi %add3A_275, %sub3A_7 : i32
      %div3A_277 = arith.constant 360 : i32
      %div3A_278 = arith.divsi %min3A_276, %div3A_277 : i32
      %mul3A_279 = arith.constant 360 : i32
      %mul3A_280 = arith.muli %div3A_278, %mul3A_279 : i32
      %sub3A_281 = arith.subi %min3A_276, %mul3A_280 : i32
      %eq3A_282 = arith.constant 0 : i32
      %eq3A_283 = arith.cmpi eq, %sub3A_281, %eq3A_282 : i32
      %sub3A_284 = arith.constant 1 : i32
      %sub3A_285 = arith.subi %min3A_276, %sub3A_284 : i32
      %select_n3A_286 = arith.select %eq3A_283, %min3A_276, %sub3A_285 : i32
      %eq3A_287 = arith.constant 359 : i32
      %eq3A_288 = arith.cmpi eq, %sub3A_281, %eq3A_287 : i32
      %add3A_289 = arith.constant 1 : i32
      %add3A_290 = arith.addi %min3A_276, %add3A_289 : i32
      %select_n3A_291 = arith.select %eq3A_288, %min3A_276, %add3A_290 : i32
      %mul3A_292 = arith.constant 640 : i32
      %mul3A_293 = arith.muli %min3A_276, %mul3A_292 : i32
      %dma_start3A_294 = arith.constant 0 : i32
      %dma_start3A_295 = tpu.memref_slice %arg25[%dma_start3A_294] : memref<656xf32, #tpu.memory_space<vmem>> -> memref<640xf32, #tpu.memory_space<vmem>>
      %dma_start3A_296 = tpu.memref_slice %arg2[%mul3A_293] : memref<5529600xf32, #tpu.memory_space<hbm>> -> memref<640xf32, #tpu.memory_space<hbm>>
      %dma_start3A_297 = arith.constant 0 : i32
      %dma_start3A_298 = tpu.memref_slice %arg25[%dma_start3A_297] : memref<656xf32, #tpu.memory_space<vmem>> -> memref<640xf32, #tpu.memory_space<vmem>>
      %dma_start3A_299 = tpu.memref_slice %arg2[%mul3A_293] : memref<5529600xf32, #tpu.memory_space<hbm>> -> memref<640xf32, #tpu.memory_space<hbm>>
      tpu.enqueue_dma source(%dma_start3A_299 : memref<640xf32, #tpu.memory_space<hbm>>) target(%dma_start3A_298 : memref<640xf32, #tpu.memory_space<vmem>>) target_semaphore(%arg41 : memref<!tpu.dma_semaphore, #tpu.memory_space<semaphore_mem>>)
      %mul3A_300 = arith.constant 640 : i32
      %mul3A_301 = arith.muli %min3A_276, %mul3A_300 : i32
      %dma_start3A_302 = arith.constant 8 : i32
      %dma_start3A_303 = tpu.memref_slice %arg26[%dma_start3A_302] : memref<656xf32, #tpu.memory_space<vmem>> -> memref<640xf32, #tpu.memory_space<vmem>>
      %dma_start3A_304 = tpu.memref_slice %arg2[%mul3A_301] : memref<5529600xf32, #tpu.memory_space<hbm>> -> memref<640xf32, #tpu.memory_space<hbm>>
      %dma_start3A_305 = arith.constant 8 : i32
      %dma_start3A_306 = tpu.memref_slice %arg26[%dma_start3A_305] : memref<656xf32, #tpu.memory_space<vmem>> -> memref<640xf32, #tpu.memory_space<vmem>>
      %dma_start3A_307 = tpu.memref_slice %arg2[%mul3A_301] : memref<5529600xf32, #tpu.memory_space<hbm>> -> memref<640xf32, #tpu.memory_space<hbm>>
      tpu.enqueue_dma source(%dma_start3A_307 : memref<640xf32, #tpu.memory_space<hbm>>) target(%dma_start3A_306 : memref<640xf32, #tpu.memory_space<vmem>>) target_semaphore(%arg41 : memref<!tpu.dma_semaphore, #tpu.memory_space<semaphore_mem>>)
      %mul3A_308 = arith.constant 640 : i32
      %mul3A_309 = arith.muli %select_n3A_286, %mul3A_308 : i32
      %dma_start3A_310 = arith.constant 0 : i32
      %dma_start3A_311 = tpu.memref_slice %arg27[%dma_start3A_310] : memref<656xf32, #tpu.memory_space<vmem>> -> memref<640xf32, #tpu.memory_space<vmem>>
      %dma_start3A_312 = tpu.memref_slice %arg2[%mul3A_309] : memref<5529600xf32, #tpu.memory_space<hbm>> -> memref<640xf32, #tpu.memory_space<hbm>>
      %dma_start3A_313 = arith.constant 0 : i32
      %dma_start3A_314 = tpu.memref_slice %arg27[%dma_start3A_313] : memref<656xf32, #tpu.memory_space<vmem>> -> memref<640xf32, #tpu.memory_space<vmem>>
      %dma_start3A_315 = tpu.memref_slice %arg2[%mul3A_309] : memref<5529600xf32, #tpu.memory_space<hbm>> -> memref<640xf32, #tpu.memory_space<hbm>>
      tpu.enqueue_dma source(%dma_start3A_315 : memref<640xf32, #tpu.memory_space<hbm>>) target(%dma_start3A_314 : memref<640xf32, #tpu.memory_space<vmem>>) target_semaphore(%arg41 : memref<!tpu.dma_semaphore, #tpu.memory_space<semaphore_mem>>)
      %mul3A_316 = arith.constant 640 : i32
      %mul3A_317 = arith.muli %select_n3A_286, %mul3A_316 : i32
      %dma_start3A_318 = arith.constant 8 : i32
      %dma_start3A_319 = tpu.memref_slice %arg28[%dma_start3A_318] : memref<656xf32, #tpu.memory_space<vmem>> -> memref<640xf32, #tpu.memory_space<vmem>>
      %dma_start3A_320 = tpu.memref_slice %arg2[%mul3A_317] : memref<5529600xf32, #tpu.memory_space<hbm>> -> memref<640xf32, #tpu.memory_space<hbm>>
      %dma_start3A_321 = arith.constant 8 : i32
      %dma_start3A_322 = tpu.memref_slice %arg28[%dma_start3A_321] : memref<656xf32, #tpu.memory_space<vmem>> -> memref<640xf32, #tpu.memory_space<vmem>>
      %dma_start3A_323 = tpu.memref_slice %arg2[%mul3A_317] : memref<5529600xf32, #tpu.memory_space<hbm>> -> memref<640xf32, #tpu.memory_space<hbm>>
      tpu.enqueue_dma source(%dma_start3A_323 : memref<640xf32, #tpu.memory_space<hbm>>) target(%dma_start3A_322 : memref<640xf32, #tpu.memory_space<vmem>>) target_semaphore(%arg41 : memref<!tpu.dma_semaphore, #tpu.memory_space<semaphore_mem>>)
      %mul3A_324 = arith.constant 640 : i32
      %mul3A_325 = arith.muli %select_n3A_291, %mul3A_324 : i32
      %dma_start3A_326 = arith.constant 0 : i32
      %dma_start3A_327 = tpu.memref_slice %arg29[%dma_start3A_326] : memref<656xf32, #tpu.memory_space<vmem>> -> memref<640xf32, #tpu.memory_space<vmem>>
      %dma_start3A_328 = tpu.memref_slice %arg2[%mul3A_325] : memref<5529600xf32, #tpu.memory_space<hbm>> -> memref<640xf32, #tpu.memory_space<hbm>>
      %dma_start3A_329 = arith.constant 0 : i32
      %dma_start3A_330 = tpu.memref_slice %arg29[%dma_start3A_329] : memref<656xf32, #tpu.memory_space<vmem>> -> memref<640xf32, #tpu.memory_space<vmem>>
      %dma_start3A_331 = tpu.memref_slice %arg2[%mul3A_325] : memref<5529600xf32, #tpu.memory_space<hbm>> -> memref<640xf32, #tpu.memory_space<hbm>>
      tpu.enqueue_dma source(%dma_start3A_331 : memref<640xf32, #tpu.memory_space<hbm>>) target(%dma_start3A_330 : memref<640xf32, #tpu.memory_space<vmem>>) target_semaphore(%arg41 : memref<!tpu.dma_semaphore, #tpu.memory_space<semaphore_mem>>)
      %mul3A_332 = arith.constant 640 : i32
      %mul3A_333 = arith.muli %select_n3A_291, %mul3A_332 : i32
      %dma_start3A_334 = arith.constant 8 : i32
      %dma_start3A_335 = tpu.memref_slice %arg30[%dma_start3A_334] : memref<656xf32, #tpu.memory_space<vmem>> -> memref<640xf32, #tpu.memory_space<vmem>>
      %dma_start3A_336 = tpu.memref_slice %arg2[%mul3A_333] : memref<5529600xf32, #tpu.memory_space<hbm>> -> memref<640xf32, #tpu.memory_space<hbm>>
      %dma_start3A_337 = arith.constant 8 : i32
      %dma_start3A_338 = tpu.memref_slice %arg30[%dma_start3A_337] : memref<656xf32, #tpu.memory_space<vmem>> -> memref<640xf32, #tpu.memory_space<vmem>>
      %dma_start3A_339 = tpu.memref_slice %arg2[%mul3A_333] : memref<5529600xf32, #tpu.memory_space<hbm>> -> memref<640xf32, #tpu.memory_space<hbm>>
      tpu.enqueue_dma source(%dma_start3A_339 : memref<640xf32, #tpu.memory_space<hbm>>) target(%dma_start3A_338 : memref<640xf32, #tpu.memory_space<vmem>>) target_semaphore(%arg41 : memref<!tpu.dma_semaphore, #tpu.memory_space<semaphore_mem>>)
      %dma_wait3A_340 = arith.constant 0 : i32
      %dma_wait3A_341 = tpu.memref_slice %arg3[%dma_wait3A_340] : memref<1048576xi32, #tpu.memory_space<hbm>> -> memref<10240xi32, #tpu.memory_space<hbm>>
      %dma_wait3A_342 = arith.constant 0 : i32
      %dma_wait3A_343 = tpu.memref_slice %arg3[%dma_wait3A_342] : memref<1048576xi32, #tpu.memory_space<hbm>> -> memref<10240xi32, #tpu.memory_space<hbm>>
      tpu.wait_dma2 semaphore(%arg37 : memref<!tpu.dma_semaphore, #tpu.memory_space<semaphore_mem>>) src(%dma_wait3A_343 : memref<10240xi32, #tpu.memory_space<hbm>>) dst(%arg6 : memref<10240xi32, #tpu.memory_space<vmem>>)
      %gt3A = arith.constant 0 : i32
      %gt3A_344 = arith.cmpi sgt, %scan3A_219, %gt3A : i32
      %convert_element_type3A_345 = arith.extui %gt3A_344 : i1 to i32
      %cond3A_346 = arith.constant 0 : i32
      %cond3A_347 = arith.cmpi ne, %convert_element_type3A_345, %cond3A_346 : i32
      scf.if %cond3A_347 {
        %dma_wait3A_506 = arith.constant 0 : i32
        %dma_wait3A_507 = tpu.memref_slice %arg2[%dma_wait3A_506] : memref<5529600xf32, #tpu.memory_space<hbm>> -> memref<2560xf32, #tpu.memory_space<hbm>>
        %dma_wait3A_508 = arith.constant 0 : i32
        %dma_wait3A_509 = tpu.memref_slice %arg2[%dma_wait3A_508] : memref<5529600xf32, #tpu.memory_space<hbm>> -> memref<2560xf32, #tpu.memory_space<hbm>>
        tpu.wait_dma2 semaphore(%arg39 : memref<!tpu.dma_semaphore, #tpu.memory_space<semaphore_mem>>) src(%dma_wait3A_509 : memref<2560xf32, #tpu.memory_space<hbm>>) dst(%arg23 : memref<2560xf32, #tpu.memory_space<vmem>>)
      } else {
      }
      %parallel_loop3A_348 = arith.constant 0 : i32
      %parallel_loop3A_349 = arith.constant 40 : i32
      %parallel_loop3A_350 = arith.constant 1 : i32
      scf.for %parallel_loop3A_506 = %parallel_loop3A_348 to %parallel_loop3A_349 step %parallel_loop3A_350  : i32 {
        %parallel_loop3A_507 = arith.constant 16 : i32
        %parallel_loop3A_508 = arith.muli %parallel_loop3A_506, %parallel_loop3A_507 : i32
        %parallel_loop3A_509 = arith.index_cast %parallel_loop3A_508 : i32 to index
        %parallel_loop3A_510 = tpu.vector_load %arg43[%parallel_loop3A_509] {strides = array<i32>} : memref<640xi32, #tpu.memory_space<vmem>>, vector<16xi32>,
        %parallel_loop3A_511 = vector.bitcast %parallel_loop3A_510 : vector<16xi32> to vector<32xbf16>
        %parallel_loop3A_512 = arith.index_cast %parallel_loop3A_508 : i32 to index
        %parallel_loop3A_513 = tpu.vector_load %arg44[%parallel_loop3A_512] {strides = array<i32>} : memref<640xi32, #tpu.memory_space<vmem>>, vector<16xi32>,
        %parallel_loop3A_514 = vector.bitcast %parallel_loop3A_513 : vector<16xi32> to vector<32xbf16>
        %parallel_loop3A_515 = arith.index_cast %parallel_loop3A_508 : i32 to index
        %parallel_loop3A_516 = tpu.vector_load %arg45[%parallel_loop3A_515] {strides = array<i32>} : memref<640xi32, #tpu.memory_space<vmem>>, vector<16xi32>,
        %parallel_loop3A_517 = vector.bitcast %parallel_loop3A_516 : vector<16xi32> to vector<32xbf16>
        %parallel_loop3A_518 = arith.index_cast %parallel_loop3A_508 : i32 to index
        %parallel_loop3A_519 = tpu.vector_load %arg46[%parallel_loop3A_518] {strides = array<i32>} : memref<640xi32, #tpu.memory_space<vmem>>, vector<16xi32>,
        %parallel_loop3A_520 = vector.bitcast %parallel_loop3A_519 : vector<16xi32> to vector<32xbf16>
        %parallel_loop3A_521 = arith.addf %parallel_loop3A_511, %parallel_loop3A_517 : vector<32xbf16>
        %parallel_loop3A_522 = arith.addf %parallel_loop3A_514, %parallel_loop3A_520 : vector<32xbf16>
        %parallel_loop3A_523 = arith.index_cast %parallel_loop3A_508 : i32 to index
        %parallel_loop3A_524 = tpu.vector_load %arg47[%parallel_loop3A_523] {strides = array<i32>} : memref<640xi32, #tpu.memory_space<vmem>>, vector<16xi32>,
        %parallel_loop3A_525 = vector.bitcast %parallel_loop3A_524 : vector<16xi32> to vector<32xbf16>
        %parallel_loop3A_526 = arith.index_cast %parallel_loop3A_508 : i32 to index
        %parallel_loop3A_527 = tpu.vector_load %arg48[%parallel_loop3A_526] {strides = array<i32>} : memref<640xi32, #tpu.memory_space<vmem>>, vector<16xi32>,
        %parallel_loop3A_528 = vector.bitcast %parallel_loop3A_527 : vector<16xi32> to vector<32xbf16>
        %parallel_loop3A_529 = arith.addf %parallel_loop3A_521, %parallel_loop3A_525 : vector<32xbf16>
        %parallel_loop3A_530 = arith.addf %parallel_loop3A_522, %parallel_loop3A_528 : vector<32xbf16>
        %parallel_loop3A_531 = arith.index_cast %parallel_loop3A_508 : i32 to index
        %parallel_loop3A_532 = tpu.vector_load %arg49[%parallel_loop3A_531] {strides = array<i32>} : memref<640xi32, #tpu.memory_space<vmem>>, vector<16xi32>,
        %parallel_loop3A_533 = vector.bitcast %parallel_loop3A_532 : vector<16xi32> to vector<32xbf16>
        %parallel_loop3A_534 = arith.index_cast %parallel_loop3A_508 : i32 to index
        %parallel_loop3A_535 = tpu.vector_load %arg50[%parallel_loop3A_534] {strides = array<i32>} : memref<640xi32, #tpu.memory_space<vmem>>, vector<16xi32>,
        %parallel_loop3A_536 = vector.bitcast %parallel_loop3A_535 : vector<16xi32> to vector<32xbf16>
        %parallel_loop3A_537 = arith.addf %parallel_loop3A_529, %parallel_loop3A_533 : vector<32xbf16>
        %parallel_loop3A_538 = arith.addf %parallel_loop3A_530, %parallel_loop3A_536 : vector<32xbf16>
        %parallel_loop3A_539 = arith.index_cast %parallel_loop3A_508 : i32 to index
        %parallel_loop3A_540 = tpu.vector_load %arg51[%parallel_loop3A_539] {strides = array<i32>} : memref<640xi32, #tpu.memory_space<vmem>>, vector<16xi32>,
        %parallel_loop3A_541 = vector.bitcast %parallel_loop3A_540 : vector<16xi32> to vector<32xbf16>
        %parallel_loop3A_542 = arith.index_cast %parallel_loop3A_508 : i32 to index
        %parallel_loop3A_543 = tpu.vector_load %arg52[%parallel_loop3A_542] {strides = array<i32>} : memref<640xi32, #tpu.memory_space<vmem>>, vector<16xi32>,
        %parallel_loop3A_544 = vector.bitcast %parallel_loop3A_543 : vector<16xi32> to vector<32xbf16>
        %parallel_loop3A_545 = arith.addf %parallel_loop3A_537, %parallel_loop3A_541 : vector<32xbf16>
        %parallel_loop3A_546 = arith.addf %parallel_loop3A_538, %parallel_loop3A_544 : vector<32xbf16>
        %parallel_loop3A_547 = arith.index_cast %parallel_loop3A_508 : i32 to index
        %parallel_loop3A_548 = tpu.vector_load %arg53[%parallel_loop3A_547] {strides = array<i32>} : memref<640xi32, #tpu.memory_space<vmem>>, vector<16xi32>,
        %parallel_loop3A_549 = vector.bitcast %parallel_loop3A_548 : vector<16xi32> to vector<32xbf16>
        %parallel_loop3A_550 = arith.index_cast %parallel_loop3A_508 : i32 to index
        %parallel_loop3A_551 = tpu.vector_load %arg54[%parallel_loop3A_550] {strides = array<i32>} : memref<640xi32, #tpu.memory_space<vmem>>, vector<16xi32>,
        %parallel_loop3A_552 = vector.bitcast %parallel_loop3A_551 : vector<16xi32> to vector<32xbf16>
        %parallel_loop3A_553 = arith.addf %parallel_loop3A_545, %parallel_loop3A_549 : vector<32xbf16>
        %parallel_loop3A_554 = arith.addf %parallel_loop3A_546, %parallel_loop3A_552 : vector<32xbf16>
        %parallel_loop3A_555 = arith.index_cast %parallel_loop3A_508 : i32 to index
        %parallel_loop3A_556 = tpu.vector_load %arg55[%parallel_loop3A_555] {strides = array<i32>} : memref<640xi32, #tpu.memory_space<vmem>>, vector<16xi32>,
        %parallel_loop3A_557 = vector.bitcast %parallel_loop3A_556 : vector<16xi32> to vector<32xbf16>
        %parallel_loop3A_558 = arith.index_cast %parallel_loop3A_508 : i32 to index
        %parallel_loop3A_559 = tpu.vector_load %arg56[%parallel_loop3A_558] {strides = array<i32>} : memref<640xi32, #tpu.memory_space<vmem>>, vector<16xi32>,
        %parallel_loop3A_560 = vector.bitcast %parallel_loop3A_559 : vector<16xi32> to vector<32xbf16>
        %parallel_loop3A_561 = arith.addf %parallel_loop3A_553, %parallel_loop3A_557 : vector<32xbf16>
        %parallel_loop3A_562 = arith.addf %parallel_loop3A_554, %parallel_loop3A_560 : vector<32xbf16>
        %parallel_loop3A_563 = arith.index_cast %parallel_loop3A_508 : i32 to index
        %parallel_loop3A_564 = tpu.vector_load %arg57[%parallel_loop3A_563] {strides = array<i32>} : memref<640xi32, #tpu.memory_space<vmem>>, vector<16xi32>,
        %parallel_loop3A_565 = vector.bitcast %parallel_loop3A_564 : vector<16xi32> to vector<32xbf16>
        %parallel_loop3A_566 = arith.index_cast %parallel_loop3A_508 : i32 to index
        %parallel_loop3A_567 = tpu.vector_load %arg58[%parallel_loop3A_566] {strides = array<i32>} : memref<640xi32, #tpu.memory_space<vmem>>, vector<16xi32>,
        %parallel_loop3A_568 = vector.bitcast %parallel_loop3A_567 : vector<16xi32> to vector<32xbf16>
        %parallel_loop3A_569 = arith.addf %parallel_loop3A_561, %parallel_loop3A_565 : vector<32xbf16>
        %parallel_loop3A_570 = arith.addf %parallel_loop3A_562, %parallel_loop3A_568 : vector<32xbf16>
        %parallel_loop3A_571 = vector.bitcast %parallel_loop3A_569 : vector<32xbf16> to vector<16xi32>
        %parallel_loop3A_572 = vector.bitcast %parallel_loop3A_570 : vector<32xbf16> to vector<16xi32>
        %parallel_loop3A_573 = arith.shli %parallel_loop3A_571, %broadcast_in_dim3A_23 : vector<16xi32>
        %parallel_loop3A_574 = vector.bitcast %parallel_loop3A_573 : vector<16xi32> to vector<16xf32>
        %parallel_loop3A_575 = arith.andi %parallel_loop3A_571, %broadcast_in_dim3A_21 : vector<16xi32>
        %parallel_loop3A_576 = vector.bitcast %parallel_loop3A_575 : vector<16xi32> to vector<16xf32>
        %parallel_loop3A_577 = arith.shli %parallel_loop3A_572, %broadcast_in_dim3A_23 : vector<16xi32>
        %parallel_loop3A_578 = vector.bitcast %parallel_loop3A_577 : vector<16xi32> to vector<16xf32>
        %parallel_loop3A_579 = arith.andi %parallel_loop3A_572, %broadcast_in_dim3A_21 : vector<16xi32>
        %parallel_loop3A_580 = vector.bitcast %parallel_loop3A_579 : vector<16xi32> to vector<16xf32>
        %parallel_loop3A_581 = arith.constant 32 : i32
        %parallel_loop3A_582 = arith.muli %parallel_loop3A_506, %parallel_loop3A_581 : i32
        %parallel_loop3A_583 = vector.broadcast %parallel_loop3A_582 : i32 to vector<16xi32>
        %parallel_loop3A_584 = arith.addi %mul3A_19, %parallel_loop3A_583 : vector<16xi32>
        tpu.vector_store_idx %arg23[%parallel_loop3A_584], %parallel_loop3A_574 : memref<2560xf32, #tpu.memory_space<vmem>>[vector<16xi32>], vector<16xf32>,
        %parallel_loop3A_585 = arith.constant 1 : i32
        %parallel_loop3A_586 = vector.broadcast %parallel_loop3A_585 : i32 to vector<16xi32>
        %parallel_loop3A_587 = arith.addi %parallel_loop3A_584, %parallel_loop3A_586 : vector<16xi32>
        tpu.vector_store_idx %arg23[%parallel_loop3A_587], %parallel_loop3A_576 : memref<2560xf32, #tpu.memory_space<vmem>>[vector<16xi32>], vector<16xf32>,
        %parallel_loop3A_588 = arith.constant 1280 : i32
        %parallel_loop3A_589 = vector.broadcast %parallel_loop3A_588 : i32 to vector<16xi32>
        %parallel_loop3A_590 = arith.addi %parallel_loop3A_584, %parallel_loop3A_589 : vector<16xi32>
        tpu.vector_store_idx %arg23[%parallel_loop3A_590], %parallel_loop3A_578 : memref<2560xf32, #tpu.memory_space<vmem>>[vector<16xi32>], vector<16xf32>,
        %parallel_loop3A_591 = arith.constant 1280 : i32
        %parallel_loop3A_592 = vector.broadcast %parallel_loop3A_591 : i32 to vector<16xi32>
        %parallel_loop3A_593 = arith.addi %parallel_loop3A_584, %parallel_loop3A_592 : vector<16xi32>
        %parallel_loop3A_594 = arith.constant 1 : i32
        %parallel_loop3A_595 = vector.broadcast %parallel_loop3A_594 : i32 to vector<16xi32>
        %parallel_loop3A_596 = arith.addi %parallel_loop3A_593, %parallel_loop3A_595 : vector<16xi32>
        tpu.vector_store_idx %arg23[%parallel_loop3A_596], %parallel_loop3A_580 : memref<2560xf32, #tpu.memory_space<vmem>>[vector<16xi32>], vector<16xf32>,
      } {sc.loop_unroll_factor = 4 : i64, sc.parallel_access}
      %div3A_351 = arith.constant 360 : i32
      %div3A_352 = arith.divsi %add3A_222, %div3A_351 : i32
      %mul3A_353 = arith.constant 360 : i32
      %mul3A_354 = arith.muli %div3A_352, %mul3A_353 : i32
      %sub3A_355 = arith.subi %add3A_222, %mul3A_354 : i32
      %mul3A_356 = arith.constant 921600 : i32
      %mul3A_357 = arith.muli %div3A_352, %mul3A_356 : i32
      %mul3A_358 = arith.constant 2560 : i32
      %mul3A_359 = arith.muli %sub3A_355, %mul3A_358 : i32
      %add3A_360 = arith.addi %mul3A_357, %mul3A_359 : i32
      %dma_start3A_361 = tpu.memref_slice %arg4[%add3A_360] : memref<22118400xf32, #tpu.memory_space<hbm>> -> memref<2560xf32, #tpu.memory_space<hbm>>
      %dma_start3A_362 = tpu.memref_slice %arg4[%add3A_360] : memref<22118400xf32, #tpu.memory_space<hbm>> -> memref<2560xf32, #tpu.memory_space<hbm>>
      tpu.enqueue_dma source(%arg23 : memref<2560xf32, #tpu.memory_space<vmem>>) target(%dma_start3A_362 : memref<2560xf32, #tpu.memory_space<hbm>>) target_semaphore(%arg39 : memref<!tpu.dma_semaphore, #tpu.memory_space<semaphore_mem>>)
      %dma_wait3A_363 = arith.constant 0 : i32
      %dma_wait3A_364 = tpu.memref_slice %arg2[%dma_wait3A_363] : memref<5529600xf32, #tpu.memory_space<hbm>> -> memref<3840xf32, #tpu.memory_space<hbm>>
      %dma_wait3A_365 = arith.constant 0 : i32
      %dma_wait3A_366 = tpu.memref_slice %arg2[%dma_wait3A_365] : memref<5529600xf32, #tpu.memory_space<hbm>> -> memref<3840xf32, #tpu.memory_space<hbm>>
      tpu.wait_dma2 semaphore(%arg41 : memref<!tpu.dma_semaphore, #tpu.memory_space<semaphore_mem>>) src(%dma_wait3A_366 : memref<3840xf32, #tpu.memory_space<hbm>>) dst(%arg5 : memref<3840xf32, #tpu.memory_space<vmem>>)
      %get3A_367 = arith.constant 624 : index
      %get3A_368 = tpu.vector_load %arg25[%get3A_367] {strides = array<i32>} : memref<656xf32, #tpu.memory_space<vmem>>, vector<16xf32>,
      tpu.vector_store_idx %arg25[%broadcast_in_dim3A_14], %get3A_368 masked %eq3A_10 : memref<656xf32, #tpu.memory_space<vmem>>[vector<16xi32>], vector<16xf32>, vector<16xi1>
      %get3A_369 = arith.constant 624 : index
      %get3A_370 = tpu.vector_load %arg27[%get3A_369] {strides = array<i32>} : memref<656xf32, #tpu.memory_space<vmem>>, vector<16xf32>,
      tpu.vector_store_idx %arg27[%broadcast_in_dim3A_14], %get3A_370 masked %eq3A_10 : memref<656xf32, #tpu.memory_space<vmem>>[vector<16xi32>], vector<16xf32>, vector<16xi1>
      %get3A_371 = arith.constant 624 : index
      %get3A_372 = tpu.vector_load %arg29[%get3A_371] {strides = array<i32>} : memref<656xf32, #tpu.memory_space<vmem>>, vector<16xf32>,
      tpu.vector_store_idx %arg29[%broadcast_in_dim3A_14], %get3A_372 masked %eq3A_10 : memref<656xf32, #tpu.memory_space<vmem>>[vector<16xi32>], vector<16xf32>, vector<16xi1>
      %get3A_373 = arith.constant 8 : index
      %get3A_374 = tpu.vector_load %arg26[%get3A_373] {strides = array<i32>} : memref<656xf32, #tpu.memory_space<vmem>>, vector<16xf32>,
      tpu.vector_store_idx %arg26[%broadcast_in_dim3A_16], %get3A_374 masked %eq3A_13 : memref<656xf32, #tpu.memory_space<vmem>>[vector<16xi32>], vector<16xf32>, vector<16xi1>
      %get3A_375 = arith.constant 8 : index
      %get3A_376 = tpu.vector_load %arg28[%get3A_375] {strides = array<i32>} : memref<656xf32, #tpu.memory_space<vmem>>, vector<16xf32>,
      tpu.vector_store_idx %arg28[%broadcast_in_dim3A_16], %get3A_376 masked %eq3A_13 : memref<656xf32, #tpu.memory_space<vmem>>[vector<16xi32>], vector<16xf32>, vector<16xi1>
      %get3A_377 = arith.constant 8 : index
      %get3A_378 = tpu.vector_load %arg30[%get3A_377] {strides = array<i32>} : memref<656xf32, #tpu.memory_space<vmem>>, vector<16xf32>,
      tpu.vector_store_idx %arg30[%broadcast_in_dim3A_16], %get3A_378 masked %eq3A_13 : memref<656xf32, #tpu.memory_space<vmem>>[vector<16xi32>], vector<16xf32>, vector<16xi1>
      %parallel_loop3A_379 = arith.constant 0 : i32
      %parallel_loop3A_380 = arith.constant 40 : i32
      %parallel_loop3A_381 = arith.constant 1 : i32
      scf.for %parallel_loop3A_506 = %parallel_loop3A_379 to %parallel_loop3A_380 step %parallel_loop3A_381  : i32 {
        %parallel_loop3A_507 = arith.constant 16 : i32
        %parallel_loop3A_508 = arith.muli %parallel_loop3A_506, %parallel_loop3A_507 : i32
        %parallel_loop3A_509 = arith.index_cast %parallel_loop3A_508 : i32 to index
        %parallel_loop3A_510 = tpu.vector_load %arg25[%parallel_loop3A_509] {strides = array<i32>} : memref<656xf32, #tpu.memory_space<vmem>>, vector<16xf32>,
        %parallel_loop3A_511 = arith.constant 2.560000e+02 : f32
        %parallel_loop3A_512 = vector.broadcast %parallel_loop3A_511 : f32 to vector<16xf32>
        %parallel_loop3A_513 = arith.mulf %parallel_loop3A_510, %parallel_loop3A_512 : vector<16xf32>
        %parallel_loop3A_514 = arith.constant 16 : i32
        %parallel_loop3A_515 = arith.muli %parallel_loop3A_506, %parallel_loop3A_514 : i32
        %parallel_loop3A_516 = arith.constant 1 : i32
        %parallel_loop3A_517 = arith.addi %parallel_loop3A_515, %parallel_loop3A_516 : i32
        %parallel_loop3A_518 = arith.index_cast %parallel_loop3A_517 : i32 to index
        %parallel_loop3A_519 = tpu.vector_load %arg25[%parallel_loop3A_518] {strides = array<i32>} : memref<656xf32, #tpu.memory_space<vmem>>, vector<16xf32>,
        %parallel_loop3A_520 = arith.addf %parallel_loop3A_513, %parallel_loop3A_519 : vector<16xf32>
        %parallel_loop3A_521 = arith.fptosi %parallel_loop3A_520 : vector<16xf32> to vector<16xi32>
        %parallel_loop3A_522 = arith.constant 16 : i32
        %parallel_loop3A_523 = arith.muli %parallel_loop3A_506, %parallel_loop3A_522 : i32
        %parallel_loop3A_524 = arith.index_cast %parallel_loop3A_523 : i32 to index
        %parallel_loop3A_525 = tpu.vector_load %arg7[%parallel_loop3A_524] {strides = array<i32>} : memref<640xi32, #tpu.memory_space<vmem>>, vector<16xi32>,
        tpu.vector_store %arg7[%parallel_loop3A_524], %parallel_loop3A_521 {strides = array<i32>} : memref<640xi32, #tpu.memory_space<vmem>>, vector<16xi32>,
        %parallel_loop3A_526 = arith.constant 16 : i32
        %parallel_loop3A_527 = arith.muli %parallel_loop3A_506, %parallel_loop3A_526 : i32
        %parallel_loop3A_528 = arith.constant 7 : i32
        %parallel_loop3A_529 = arith.addi %parallel_loop3A_527, %parallel_loop3A_528 : i32
        %parallel_loop3A_530 = arith.index_cast %parallel_loop3A_529 : i32 to index
        %parallel_loop3A_531 = tpu.vector_load %arg26[%parallel_loop3A_530] {strides = array<i32>} : memref<656xf32, #tpu.memory_space<vmem>>, vector<16xf32>,
        %parallel_loop3A_532 = arith.addf %parallel_loop3A_513, %parallel_loop3A_531 : vector<16xf32>
        %parallel_loop3A_533 = arith.fptosi %parallel_loop3A_532 : vector<16xf32> to vector<16xi32>
        %parallel_loop3A_534 = arith.constant 16 : i32
        %parallel_loop3A_535 = arith.muli %parallel_loop3A_506, %parallel_loop3A_534 : i32
        %parallel_loop3A_536 = arith.index_cast %parallel_loop3A_535 : i32 to index
        %parallel_loop3A_537 = tpu.vector_load %arg8[%parallel_loop3A_536] {strides = array<i32>} : memref<640xi32, #tpu.memory_space<vmem>>, vector<16xi32>,
        tpu.vector_store %arg8[%parallel_loop3A_536], %parallel_loop3A_533 {strides = array<i32>} : memref<640xi32, #tpu.memory_space<vmem>>, vector<16xi32>,
        %parallel_loop3A_538 = arith.constant 16 : i32
        %parallel_loop3A_539 = arith.muli %parallel_loop3A_506, %parallel_loop3A_538 : i32
        %parallel_loop3A_540 = arith.constant 0 : i32
        %parallel_loop3A_541 = arith.addi %parallel_loop3A_539, %parallel_loop3A_540 : i32
        %parallel_loop3A_542 = arith.index_cast %parallel_loop3A_541 : i32 to index
        %parallel_loop3A_543 = tpu.vector_load %arg29[%parallel_loop3A_542] {strides = array<i32>} : memref<656xf32, #tpu.memory_space<vmem>>, vector<16xf32>,
        %parallel_loop3A_544 = arith.addf %parallel_loop3A_513, %parallel_loop3A_543 : vector<16xf32>
        %parallel_loop3A_545 = arith.fptosi %parallel_loop3A_544 : vector<16xf32> to vector<16xi32>
        %parallel_loop3A_546 = arith.constant 16 : i32
        %parallel_loop3A_547 = arith.muli %parallel_loop3A_506, %parallel_loop3A_546 : i32
        %parallel_loop3A_548 = arith.index_cast %parallel_loop3A_547 : i32 to index
        %parallel_loop3A_549 = tpu.vector_load %arg9[%parallel_loop3A_548] {strides = array<i32>} : memref<640xi32, #tpu.memory_space<vmem>>, vector<16xi32>,
        tpu.vector_store %arg9[%parallel_loop3A_548], %parallel_loop3A_545 {strides = array<i32>} : memref<640xi32, #tpu.memory_space<vmem>>, vector<16xi32>,
        %parallel_loop3A_550 = arith.constant 16 : i32
        %parallel_loop3A_551 = arith.muli %parallel_loop3A_506, %parallel_loop3A_550 : i32
        %parallel_loop3A_552 = arith.constant 0 : i32
        %parallel_loop3A_553 = arith.addi %parallel_loop3A_551, %parallel_loop3A_552 : i32
        %parallel_loop3A_554 = arith.index_cast %parallel_loop3A_553 : i32 to index
        %parallel_loop3A_555 = tpu.vector_load %arg27[%parallel_loop3A_554] {strides = array<i32>} : memref<656xf32, #tpu.memory_space<vmem>>, vector<16xf32>,
        %parallel_loop3A_556 = arith.addf %parallel_loop3A_513, %parallel_loop3A_555 : vector<16xf32>
        %parallel_loop3A_557 = arith.fptosi %parallel_loop3A_556 : vector<16xf32> to vector<16xi32>
        %parallel_loop3A_558 = arith.constant 16 : i32
        %parallel_loop3A_559 = arith.muli %parallel_loop3A_506, %parallel_loop3A_558 : i32
        %parallel_loop3A_560 = arith.index_cast %parallel_loop3A_559 : i32 to index
        %parallel_loop3A_561 = tpu.vector_load %arg10[%parallel_loop3A_560] {strides = array<i32>} : memref<640xi32, #tpu.memory_space<vmem>>, vector<16xi32>,
        tpu.vector_store %arg10[%parallel_loop3A_560], %parallel_loop3A_557 {strides = array<i32>} : memref<640xi32, #tpu.memory_space<vmem>>, vector<16xi32>,
        %parallel_loop3A_562 = arith.constant 16 : i32
        %parallel_loop3A_563 = arith.muli %parallel_loop3A_506, %parallel_loop3A_562 : i32
        %parallel_loop3A_564 = arith.constant 1 : i32
        %parallel_loop3A_565 = arith.addi %parallel_loop3A_563, %parallel_loop3A_564 : i32
        %parallel_loop3A_566 = arith.index_cast %parallel_loop3A_565 : i32 to index
        %parallel_loop3A_567 = tpu.vector_load %arg29[%parallel_loop3A_566] {strides = array<i32>} : memref<656xf32, #tpu.memory_space<vmem>>, vector<16xf32>,
        %parallel_loop3A_568 = arith.addf %parallel_loop3A_513, %parallel_loop3A_567 : vector<16xf32>
        %parallel_loop3A_569 = arith.fptosi %parallel_loop3A_568 : vector<16xf32> to vector<16xi32>
        %parallel_loop3A_570 = arith.constant 16 : i32
        %parallel_loop3A_571 = arith.muli %parallel_loop3A_506, %parallel_loop3A_570 : i32
        %parallel_loop3A_572 = arith.index_cast %parallel_loop3A_571 : i32 to index
        %parallel_loop3A_573 = tpu.vector_load %arg11[%parallel_loop3A_572] {strides = array<i32>} : memref<640xi32, #tpu.memory_space<vmem>>, vector<16xi32>,
        tpu.vector_store %arg11[%parallel_loop3A_572], %parallel_loop3A_569 {strides = array<i32>} : memref<640xi32, #tpu.memory_space<vmem>>, vector<16xi32>,
        %parallel_loop3A_574 = arith.constant 16 : i32
        %parallel_loop3A_575 = arith.muli %parallel_loop3A_506, %parallel_loop3A_574 : i32
        %parallel_loop3A_576 = arith.constant 7 : i32
        %parallel_loop3A_577 = arith.addi %parallel_loop3A_575, %parallel_loop3A_576 : i32
        %parallel_loop3A_578 = arith.index_cast %parallel_loop3A_577 : i32 to index
        %parallel_loop3A_579 = tpu.vector_load %arg30[%parallel_loop3A_578] {strides = array<i32>} : memref<656xf32, #tpu.memory_space<vmem>>, vector<16xf32>,
        %parallel_loop3A_580 = arith.addf %parallel_loop3A_513, %parallel_loop3A_579 : vector<16xf32>
        %parallel_loop3A_581 = arith.fptosi %parallel_loop3A_580 : vector<16xf32> to vector<16xi32>
        %parallel_loop3A_582 = arith.constant 16 : i32
        %parallel_loop3A_583 = arith.muli %parallel_loop3A_506, %parallel_loop3A_582 : i32
        %parallel_loop3A_584 = arith.index_cast %parallel_loop3A_583 : i32 to index
        %parallel_loop3A_585 = tpu.vector_load %arg12[%parallel_loop3A_584] {strides = array<i32>} : memref<640xi32, #tpu.memory_space<vmem>>, vector<16xi32>,
        tpu.vector_store %arg12[%parallel_loop3A_584], %parallel_loop3A_581 {strides = array<i32>} : memref<640xi32, #tpu.memory_space<vmem>>, vector<16xi32>,
        %parallel_loop3A_586 = arith.constant 16 : i32
        %parallel_loop3A_587 = arith.muli %parallel_loop3A_506, %parallel_loop3A_586 : i32
        %parallel_loop3A_588 = arith.constant 7 : i32
        %parallel_loop3A_589 = arith.addi %parallel_loop3A_587, %parallel_loop3A_588 : i32
        %parallel_loop3A_590 = arith.index_cast %parallel_loop3A_589 : i32 to index
        %parallel_loop3A_591 = tpu.vector_load %arg28[%parallel_loop3A_590] {strides = array<i32>} : memref<656xf32, #tpu.memory_space<vmem>>, vector<16xf32>,
        %parallel_loop3A_592 = arith.addf %parallel_loop3A_513, %parallel_loop3A_591 : vector<16xf32>
        %parallel_loop3A_593 = arith.fptosi %parallel_loop3A_592 : vector<16xf32> to vector<16xi32>
        %parallel_loop3A_594 = arith.constant 16 : i32
        %parallel_loop3A_595 = arith.muli %parallel_loop3A_506, %parallel_loop3A_594 : i32
        %parallel_loop3A_596 = arith.index_cast %parallel_loop3A_595 : i32 to index
        %parallel_loop3A_597 = tpu.vector_load %arg13[%parallel_loop3A_596] {strides = array<i32>} : memref<640xi32, #tpu.memory_space<vmem>>, vector<16xi32>,
        tpu.vector_store %arg13[%parallel_loop3A_596], %parallel_loop3A_593 {strides = array<i32>} : memref<640xi32, #tpu.memory_space<vmem>>, vector<16xi32>,
        %parallel_loop3A_598 = arith.constant 16 : i32
        %parallel_loop3A_599 = arith.muli %parallel_loop3A_506, %parallel_loop3A_598 : i32
        %parallel_loop3A_600 = arith.constant 1 : i32
        %parallel_loop3A_601 = arith.addi %parallel_loop3A_599, %parallel_loop3A_600 : i32
        %parallel_loop3A_602 = arith.index_cast %parallel_loop3A_601 : i32 to index
        %parallel_loop3A_603 = tpu.vector_load %arg27[%parallel_loop3A_602] {strides = array<i32>} : memref<656xf32, #tpu.memory_space<vmem>>, vector<16xf32>,
        %parallel_loop3A_604 = arith.addf %parallel_loop3A_513, %parallel_loop3A_603 : vector<16xf32>
        %parallel_loop3A_605 = arith.fptosi %parallel_loop3A_604 : vector<16xf32> to vector<16xi32>
        %parallel_loop3A_606 = arith.constant 16 : i32
        %parallel_loop3A_607 = arith.muli %parallel_loop3A_506, %parallel_loop3A_606 : i32
        %parallel_loop3A_608 = arith.index_cast %parallel_loop3A_607 : i32 to index
        %parallel_loop3A_609 = tpu.vector_load %arg14[%parallel_loop3A_608] {strides = array<i32>} : memref<640xi32, #tpu.memory_space<vmem>>, vector<16xi32>,
        tpu.vector_store %arg14[%parallel_loop3A_608], %parallel_loop3A_605 {strides = array<i32>} : memref<640xi32, #tpu.memory_space<vmem>>, vector<16xi32>,
      } {sc.loop_unroll_factor = 4 : i64, sc.parallel_access}
      %dma_start3A_382 = arith.constant 0 : i32
      %dma_start3A_383 = tpu.memref_slice %arg75[%dma_start3A_382] : memref<65536xi32, #tpu.memory_space<vmem_shared>> -> memref<65536xi32, #tpu.memory_space<vmem_shared>>
      tpu.enqueue_indirect_dma source(%dma_start3A_383 : memref<65536xi32, #tpu.memory_space<vmem_shared>>) target(%arg43 : memref<640xi32, #tpu.memory_space<vmem>>) offsets(%arg7 : memref<640xi32, #tpu.memory_space<vmem>>) semaphore(%arg37 : memref<!tpu.dma_semaphore, #tpu.memory_space<semaphore_mem>>)
      %dma_start3A_384 = arith.constant 0 : i32
      %dma_start3A_385 = tpu.memref_slice %arg76[%dma_start3A_384] : memref<65536xi32, #tpu.memory_space<vmem_shared>> -> memref<65536xi32, #tpu.memory_space<vmem_shared>>
      tpu.enqueue_indirect_dma source(%dma_start3A_385 : memref<65536xi32, #tpu.memory_space<vmem_shared>>) target(%arg44 : memref<640xi32, #tpu.memory_space<vmem>>) offsets(%arg7 : memref<640xi32, #tpu.memory_space<vmem>>) semaphore(%arg37 : memref<!tpu.dma_semaphore, #tpu.memory_space<semaphore_mem>>)
      %dma_start3A_386 = arith.constant 0 : i32
      %dma_start3A_387 = tpu.memref_slice %arg77[%dma_start3A_386] : memref<65536xi32, #tpu.memory_space<vmem_shared>> -> memref<65536xi32, #tpu.memory_space<vmem_shared>>
      tpu.enqueue_indirect_dma source(%dma_start3A_387 : memref<65536xi32, #tpu.memory_space<vmem_shared>>) target(%arg45 : memref<640xi32, #tpu.memory_space<vmem>>) offsets(%arg8 : memref<640xi32, #tpu.memory_space<vmem>>) semaphore(%arg37 : memref<!tpu.dma_semaphore, #tpu.memory_space<semaphore_mem>>)
      %dma_start3A_388 = arith.constant 0 : i32
      %dma_start3A_389 = tpu.memref_slice %arg78[%dma_start3A_388] : memref<65536xi32, #tpu.memory_space<vmem_shared>> -> memref<65536xi32, #tpu.memory_space<vmem_shared>>
      tpu.enqueue_indirect_dma source(%dma_start3A_389 : memref<65536xi32, #tpu.memory_space<vmem_shared>>) target(%arg46 : memref<640xi32, #tpu.memory_space<vmem>>) offsets(%arg8 : memref<640xi32, #tpu.memory_space<vmem>>) semaphore(%arg37 : memref<!tpu.dma_semaphore, #tpu.memory_space<semaphore_mem>>)
      %dma_start3A_390 = arith.constant 0 : i32
      %dma_start3A_391 = tpu.memref_slice %arg79[%dma_start3A_390] : memref<65536xi32, #tpu.memory_space<vmem_shared>> -> memref<65536xi32, #tpu.memory_space<vmem_shared>>
      tpu.enqueue_indirect_dma source(%dma_start3A_391 : memref<65536xi32, #tpu.memory_space<vmem_shared>>) target(%arg47 : memref<640xi32, #tpu.memory_space<vmem>>) offsets(%arg9 : memref<640xi32, #tpu.memory_space<vmem>>) semaphore(%arg37 : memref<!tpu.dma_semaphore, #tpu.memory_space<semaphore_mem>>)
      %dma_start3A_392 = arith.constant 0 : i32
      %dma_start3A_393 = tpu.memref_slice %arg80[%dma_start3A_392] : memref<65536xi32, #tpu.memory_space<vmem_shared>> -> memref<65536xi32, #tpu.memory_space<vmem_shared>>
      tpu.enqueue_indirect_dma source(%dma_start3A_393 : memref<65536xi32, #tpu.memory_space<vmem_shared>>) target(%arg48 : memref<640xi32, #tpu.memory_space<vmem>>) offsets(%arg9 : memref<640xi32, #tpu.memory_space<vmem>>) semaphore(%arg37 : memref<!tpu.dma_semaphore, #tpu.memory_space<semaphore_mem>>)
      %dma_start3A_394 = arith.constant 0 : i32
      %dma_start3A_395 = tpu.memref_slice %arg81[%dma_start3A_394] : memref<65536xi32, #tpu.memory_space<vmem_shared>> -> memref<65536xi32, #tpu.memory_space<vmem_shared>>
      tpu.enqueue_indirect_dma source(%dma_start3A_395 : memref<65536xi32, #tpu.memory_space<vmem_shared>>) target(%arg49 : memref<640xi32, #tpu.memory_space<vmem>>) offsets(%arg10 : memref<640xi32, #tpu.memory_space<vmem>>) semaphore(%arg37 : memref<!tpu.dma_semaphore, #tpu.memory_space<semaphore_mem>>)
      %dma_start3A_396 = arith.constant 0 : i32
      %dma_start3A_397 = tpu.memref_slice %arg82[%dma_start3A_396] : memref<65536xi32, #tpu.memory_space<vmem_shared>> -> memref<65536xi32, #tpu.memory_space<vmem_shared>>
      tpu.enqueue_indirect_dma source(%dma_start3A_397 : memref<65536xi32, #tpu.memory_space<vmem_shared>>) target(%arg50 : memref<640xi32, #tpu.memory_space<vmem>>) offsets(%arg10 : memref<640xi32, #tpu.memory_space<vmem>>) semaphore(%arg37 : memref<!tpu.dma_semaphore, #tpu.memory_space<semaphore_mem>>)
      %dma_start3A_398 = arith.constant 0 : i32
      %dma_start3A_399 = tpu.memref_slice %arg83[%dma_start3A_398] : memref<65536xi32, #tpu.memory_space<vmem_shared>> -> memref<65536xi32, #tpu.memory_space<vmem_shared>>
      tpu.enqueue_indirect_dma source(%dma_start3A_399 : memref<65536xi32, #tpu.memory_space<vmem_shared>>) target(%arg51 : memref<640xi32, #tpu.memory_space<vmem>>) offsets(%arg11 : memref<640xi32, #tpu.memory_space<vmem>>) semaphore(%arg37 : memref<!tpu.dma_semaphore, #tpu.memory_space<semaphore_mem>>)
      %dma_start3A_400 = arith.constant 0 : i32
      %dma_start3A_401 = tpu.memref_slice %arg84[%dma_start3A_400] : memref<65536xi32, #tpu.memory_space<vmem_shared>> -> memref<65536xi32, #tpu.memory_space<vmem_shared>>
      tpu.enqueue_indirect_dma source(%dma_start3A_401 : memref<65536xi32, #tpu.memory_space<vmem_shared>>) target(%arg52 : memref<640xi32, #tpu.memory_space<vmem>>) offsets(%arg11 : memref<640xi32, #tpu.memory_space<vmem>>) semaphore(%arg37 : memref<!tpu.dma_semaphore, #tpu.memory_space<semaphore_mem>>)
      %dma_start3A_402 = arith.constant 0 : i32
      %dma_start3A_403 = tpu.memref_slice %arg85[%dma_start3A_402] : memref<65536xi32, #tpu.memory_space<vmem_shared>> -> memref<65536xi32, #tpu.memory_space<vmem_shared>>
      tpu.enqueue_indirect_dma source(%dma_start3A_403 : memref<65536xi32, #tpu.memory_space<vmem_shared>>) target(%arg53 : memref<640xi32, #tpu.memory_space<vmem>>) offsets(%arg12 : memref<640xi32, #tpu.memory_space<vmem>>) semaphore(%arg37 : memref<!tpu.dma_semaphore, #tpu.memory_space<semaphore_mem>>)
      %dma_start3A_404 = arith.constant 0 : i32
      %dma_start3A_405 = tpu.memref_slice %arg86[%dma_start3A_404] : memref<65536xi32, #tpu.memory_space<vmem_shared>> -> memref<65536xi32, #tpu.memory_space<vmem_shared>>
      tpu.enqueue_indirect_dma source(%dma_start3A_405 : memref<65536xi32, #tpu.memory_space<vmem_shared>>) target(%arg54 : memref<640xi32, #tpu.memory_space<vmem>>) offsets(%arg12 : memref<640xi32, #tpu.memory_space<vmem>>) semaphore(%arg37 : memref<!tpu.dma_semaphore, #tpu.memory_space<semaphore_mem>>)
      %dma_start3A_406 = arith.constant 0 : i32
      %dma_start3A_407 = tpu.memref_slice %arg87[%dma_start3A_406] : memref<65536xi32, #tpu.memory_space<vmem_shared>> -> memref<65536xi32, #tpu.memory_space<vmem_shared>>
      tpu.enqueue_indirect_dma source(%dma_start3A_407 : memref<65536xi32, #tpu.memory_space<vmem_shared>>) target(%arg55 : memref<640xi32, #tpu.memory_space<vmem>>) offsets(%arg13 : memref<640xi32, #tpu.memory_space<vmem>>) semaphore(%arg37 : memref<!tpu.dma_semaphore, #tpu.memory_space<semaphore_mem>>)
      %dma_start3A_408 = arith.constant 0 : i32
      %dma_start3A_409 = tpu.memref_slice %arg88[%dma_start3A_408] : memref<65536xi32, #tpu.memory_space<vmem_shared>> -> memref<65536xi32, #tpu.memory_space<vmem_shared>>
      tpu.enqueue_indirect_dma source(%dma_start3A_409 : memref<65536xi32, #tpu.memory_space<vmem_shared>>) target(%arg56 : memref<640xi32, #tpu.memory_space<vmem>>) offsets(%arg13 : memref<640xi32, #tpu.memory_space<vmem>>) semaphore(%arg37 : memref<!tpu.dma_semaphore, #tpu.memory_space<semaphore_mem>>)
      %dma_start3A_410 = arith.constant 0 : i32
      %dma_start3A_411 = tpu.memref_slice %arg89[%dma_start3A_410] : memref<65536xi32, #tpu.memory_space<vmem_shared>> -> memref<65536xi32, #tpu.memory_space<vmem_shared>>
      tpu.enqueue_indirect_dma source(%dma_start3A_411 : memref<65536xi32, #tpu.memory_space<vmem_shared>>) target(%arg57 : memref<640xi32, #tpu.memory_space<vmem>>) offsets(%arg14 : memref<640xi32, #tpu.memory_space<vmem>>) semaphore(%arg37 : memref<!tpu.dma_semaphore, #tpu.memory_space<semaphore_mem>>)
      %dma_start3A_412 = arith.constant 0 : i32
      %dma_start3A_413 = tpu.memref_slice %arg90[%dma_start3A_412] : memref<65536xi32, #tpu.memory_space<vmem_shared>> -> memref<65536xi32, #tpu.memory_space<vmem_shared>>
      tpu.enqueue_indirect_dma source(%dma_start3A_413 : memref<65536xi32, #tpu.memory_space<vmem_shared>>) target(%arg58 : memref<640xi32, #tpu.memory_space<vmem>>) offsets(%arg14 : memref<640xi32, #tpu.memory_space<vmem>>) semaphore(%arg37 : memref<!tpu.dma_semaphore, #tpu.memory_space<semaphore_mem>>)
      %add3A_414 = arith.constant 3 : i32
      %add3A_415 = arith.addi %add3A_222, %add3A_414 : i32
      %min3A_416 = arith.minsi %add3A_415, %sub3A_7 : i32
      %div3A_417 = arith.constant 360 : i32
      %div3A_418 = arith.divsi %min3A_416, %div3A_417 : i32
      %mul3A_419 = arith.constant 360 : i32
      %mul3A_420 = arith.muli %div3A_418, %mul3A_419 : i32
      %sub3A_421 = arith.subi %min3A_416, %mul3A_420 : i32
      %eq3A_422 = arith.constant 0 : i32
      %eq3A_423 = arith.cmpi eq, %sub3A_421, %eq3A_422 : i32
      %sub3A_424 = arith.constant 1 : i32
      %sub3A_425 = arith.subi %min3A_416, %sub3A_424 : i32
      %select_n3A_426 = arith.select %eq3A_423, %min3A_416, %sub3A_425 : i32
      %eq3A_427 = arith.constant 359 : i32
      %eq3A_428 = arith.cmpi eq, %sub3A_421, %eq3A_427 : i32
      %add3A_429 = arith.constant 1 : i32
      %add3A_430 = arith.addi %min3A_416, %add3A_429 : i32
      %select_n3A_431 = arith.select %eq3A_428, %min3A_416, %add3A_430 : i32
      %mul3A_432 = arith.constant 640 : i32
      %mul3A_433 = arith.muli %min3A_416, %mul3A_432 : i32
      %dma_start3A_434 = arith.constant 0 : i32
      %dma_start3A_435 = tpu.memref_slice %arg31[%dma_start3A_434] : memref<656xf32, #tpu.memory_space<vmem>> -> memref<640xf32, #tpu.memory_space<vmem>>
      %dma_start3A_436 = tpu.memref_slice %arg2[%mul3A_433] : memref<5529600xf32, #tpu.memory_space<hbm>> -> memref<640xf32, #tpu.memory_space<hbm>>
      %dma_start3A_437 = arith.constant 0 : i32
      %dma_start3A_438 = tpu.memref_slice %arg31[%dma_start3A_437] : memref<656xf32, #tpu.memory_space<vmem>> -> memref<640xf32, #tpu.memory_space<vmem>>
      %dma_start3A_439 = tpu.memref_slice %arg2[%mul3A_433] : memref<5529600xf32, #tpu.memory_space<hbm>> -> memref<640xf32, #tpu.memory_space<hbm>>
      tpu.enqueue_dma source(%dma_start3A_439 : memref<640xf32, #tpu.memory_space<hbm>>) target(%dma_start3A_438 : memref<640xf32, #tpu.memory_space<vmem>>) target_semaphore(%arg42 : memref<!tpu.dma_semaphore, #tpu.memory_space<semaphore_mem>>)
      %mul3A_440 = arith.constant 640 : i32
      %mul3A_441 = arith.muli %min3A_416, %mul3A_440 : i32
      %dma_start3A_442 = arith.constant 8 : i32
      %dma_start3A_443 = tpu.memref_slice %arg32[%dma_start3A_442] : memref<656xf32, #tpu.memory_space<vmem>> -> memref<640xf32, #tpu.memory_space<vmem>>
      %dma_start3A_444 = tpu.memref_slice %arg2[%mul3A_441] : memref<5529600xf32, #tpu.memory_space<hbm>> -> memref<640xf32, #tpu.memory_space<hbm>>
      %dma_start3A_445 = arith.constant 8 : i32
      %dma_start3A_446 = tpu.memref_slice %arg32[%dma_start3A_445] : memref<656xf32, #tpu.memory_space<vmem>> -> memref<640xf32, #tpu.memory_space<vmem>>
      %dma_start3A_447 = tpu.memref_slice %arg2[%mul3A_441] : memref<5529600xf32, #tpu.memory_space<hbm>> -> memref<640xf32, #tpu.memory_space<hbm>>
      tpu.enqueue_dma source(%dma_start3A_447 : memref<640xf32, #tpu.memory_space<hbm>>) target(%dma_start3A_446 : memref<640xf32, #tpu.memory_space<vmem>>) target_semaphore(%arg42 : memref<!tpu.dma_semaphore, #tpu.memory_space<semaphore_mem>>)
      %mul3A_448 = arith.constant 640 : i32
      %mul3A_449 = arith.muli %select_n3A_426, %mul3A_448 : i32
      %dma_start3A_450 = arith.constant 0 : i32
      %dma_start3A_451 = tpu.memref_slice %arg33[%dma_start3A_450] : memref<656xf32, #tpu.memory_space<vmem>> -> memref<640xf32, #tpu.memory_space<vmem>>
      %dma_start3A_452 = tpu.memref_slice %arg2[%mul3A_449] : memref<5529600xf32, #tpu.memory_space<hbm>> -> memref<640xf32, #tpu.memory_space<hbm>>
      %dma_start3A_453 = arith.constant 0 : i32
      %dma_start3A_454 = tpu.memref_slice %arg33[%dma_start3A_453] : memref<656xf32, #tpu.memory_space<vmem>> -> memref<640xf32, #tpu.memory_space<vmem>>
      %dma_start3A_455 = tpu.memref_slice %arg2[%mul3A_449] : memref<5529600xf32, #tpu.memory_space<hbm>> -> memref<640xf32, #tpu.memory_space<hbm>>
      tpu.enqueue_dma source(%dma_start3A_455 : memref<640xf32, #tpu.memory_space<hbm>>) target(%dma_start3A_454 : memref<640xf32, #tpu.memory_space<vmem>>) target_semaphore(%arg42 : memref<!tpu.dma_semaphore, #tpu.memory_space<semaphore_mem>>)
      %mul3A_456 = arith.constant 640 : i32
      %mul3A_457 = arith.muli %select_n3A_426, %mul3A_456 : i32
      %dma_start3A_458 = arith.constant 8 : i32
      %dma_start3A_459 = tpu.memref_slice %arg34[%dma_start3A_458] : memref<656xf32, #tpu.memory_space<vmem>> -> memref<640xf32, #tpu.memory_space<vmem>>
      %dma_start3A_460 = tpu.memref_slice %arg2[%mul3A_457] : memref<5529600xf32, #tpu.memory_space<hbm>> -> memref<640xf32, #tpu.memory_space<hbm>>
      %dma_start3A_461 = arith.constant 8 : i32
      %dma_start3A_462 = tpu.memref_slice %arg34[%dma_start3A_461] : memref<656xf32, #tpu.memory_space<vmem>> -> memref<640xf32, #tpu.memory_space<vmem>>
      %dma_start3A_463 = tpu.memref_slice %arg2[%mul3A_457] : memref<5529600xf32, #tpu.memory_space<hbm>> -> memref<640xf32, #tpu.memory_space<hbm>>
      tpu.enqueue_dma source(%dma_start3A_463 : memref<640xf32, #tpu.memory_space<hbm>>) target(%dma_start3A_462 : memref<640xf32, #tpu.memory_space<vmem>>) target_semaphore(%arg42 : memref<!tpu.dma_semaphore, #tpu.memory_space<semaphore_mem>>)
      %mul3A_464 = arith.constant 640 : i32
      %mul3A_465 = arith.muli %select_n3A_431, %mul3A_464 : i32
      %dma_start3A_466 = arith.constant 0 : i32
      %dma_start3A_467 = tpu.memref_slice %arg35[%dma_start3A_466] : memref<656xf32, #tpu.memory_space<vmem>> -> memref<640xf32, #tpu.memory_space<vmem>>
      %dma_start3A_468 = tpu.memref_slice %arg2[%mul3A_465] : memref<5529600xf32, #tpu.memory_space<hbm>> -> memref<640xf32, #tpu.memory_space<hbm>>
      %dma_start3A_469 = arith.constant 0 : i32
      %dma_start3A_470 = tpu.memref_slice %arg35[%dma_start3A_469] : memref<656xf32, #tpu.memory_space<vmem>> -> memref<640xf32, #tpu.memory_space<vmem>>
      %dma_start3A_471 = tpu.memref_slice %arg2[%mul3A_465] : memref<5529600xf32, #tpu.memory_space<hbm>> -> memref<640xf32, #tpu.memory_space<hbm>>
      tpu.enqueue_dma source(%dma_start3A_471 : memref<640xf32, #tpu.memory_space<hbm>>) target(%dma_start3A_470 : memref<640xf32, #tpu.memory_space<vmem>>) target_semaphore(%arg42 : memref<!tpu.dma_semaphore, #tpu.memory_space<semaphore_mem>>)
      %mul3A_472 = arith.constant 640 : i32
      %mul3A_473 = arith.muli %select_n3A_431, %mul3A_472 : i32
      %dma_start3A_474 = arith.constant 8 : i32
      %dma_start3A_475 = tpu.memref_slice %arg36[%dma_start3A_474] : memref<656xf32, #tpu.memory_space<vmem>> -> memref<640xf32, #tpu.memory_space<vmem>>
      %dma_start3A_476 = tpu.memref_slice %arg2[%mul3A_473] : memref<5529600xf32, #tpu.memory_space<hbm>> -> memref<640xf32, #tpu.memory_space<hbm>>
      %dma_start3A_477 = arith.constant 8 : i32
      %dma_start3A_478 = tpu.memref_slice %arg36[%dma_start3A_477] : memref<656xf32, #tpu.memory_space<vmem>> -> memref<640xf32, #tpu.memory_space<vmem>>
      %dma_start3A_479 = tpu.memref_slice %arg2[%mul3A_473] : memref<5529600xf32, #tpu.memory_space<hbm>> -> memref<640xf32, #tpu.memory_space<hbm>>
      tpu.enqueue_dma source(%dma_start3A_479 : memref<640xf32, #tpu.memory_space<hbm>>) target(%dma_start3A_478 : memref<640xf32, #tpu.memory_space<vmem>>) target_semaphore(%arg42 : memref<!tpu.dma_semaphore, #tpu.memory_space<semaphore_mem>>)
      %dma_wait3A_480 = arith.constant 0 : i32
      %dma_wait3A_481 = tpu.memref_slice %arg3[%dma_wait3A_480] : memref<1048576xi32, #tpu.memory_space<hbm>> -> memref<10240xi32, #tpu.memory_space<hbm>>
      %dma_wait3A_482 = arith.constant 0 : i32
      %dma_wait3A_483 = tpu.memref_slice %arg3[%dma_wait3A_482] : memref<1048576xi32, #tpu.memory_space<hbm>> -> memref<10240xi32, #tpu.memory_space<hbm>>
      tpu.wait_dma2 semaphore(%arg38 : memref<!tpu.dma_semaphore, #tpu.memory_space<semaphore_mem>>) src(%dma_wait3A_483 : memref<10240xi32, #tpu.memory_space<hbm>>) dst(%arg6 : memref<10240xi32, #tpu.memory_space<vmem>>)
      %gt3A_484 = arith.constant 0 : i32
      %gt3A_485 = arith.cmpi sgt, %scan3A_219, %gt3A_484 : i32
      %convert_element_type3A_486 = arith.extui %gt3A_485 : i1 to i32
      %cond3A_487 = arith.constant 0 : i32
      %cond3A_488 = arith.cmpi ne, %convert_element_type3A_486, %cond3A_487 : i32
      scf.if %cond3A_488 {
        %dma_wait3A_506 = arith.constant 0 : i32
        %dma_wait3A_507 = tpu.memref_slice %arg2[%dma_wait3A_506] : memref<5529600xf32, #tpu.memory_space<hbm>> -> memref<2560xf32, #tpu.memory_space<hbm>>
        %dma_wait3A_508 = arith.constant 0 : i32
        %dma_wait3A_509 = tpu.memref_slice %arg2[%dma_wait3A_508] : memref<5529600xf32, #tpu.memory_space<hbm>> -> memref<2560xf32, #tpu.memory_space<hbm>>
        tpu.wait_dma2 semaphore(%arg40 : memref<!tpu.dma_semaphore, #tpu.memory_space<semaphore_mem>>) src(%dma_wait3A_509 : memref<2560xf32, #tpu.memory_space<hbm>>) dst(%arg24 : memref<2560xf32, #tpu.memory_space<vmem>>)
      } else {
      }
      %add3A_489 = arith.constant 1 : i32
      %add3A_490 = arith.addi %add3A_222, %add3A_489 : i32
      %parallel_loop3A_491 = arith.constant 0 : i32
      %parallel_loop3A_492 = arith.constant 40 : i32
      %parallel_loop3A_493 = arith.constant 1 : i32
      scf.for %parallel_loop3A_506 = %parallel_loop3A_491 to %parallel_loop3A_492 step %parallel_loop3A_493  : i32 {
        %parallel_loop3A_507 = arith.constant 16 : i32
        %parallel_loop3A_508 = arith.muli %parallel_loop3A_506, %parallel_loop3A_507 : i32
        %parallel_loop3A_509 = arith.index_cast %parallel_loop3A_508 : i32 to index
        %parallel_loop3A_510 = tpu.vector_load %arg59[%parallel_loop3A_509] {strides = array<i32>} : memref<640xi32, #tpu.memory_space<vmem>>, vector<16xi32>,
        %parallel_loop3A_511 = vector.bitcast %parallel_loop3A_510 : vector<16xi32> to vector<32xbf16>
        %parallel_loop3A_512 = arith.index_cast %parallel_loop3A_508 : i32 to index
        %parallel_loop3A_513 = tpu.vector_load %arg60[%parallel_loop3A_512] {strides = array<i32>} : memref<640xi32, #tpu.memory_space<vmem>>, vector<16xi32>,
        %parallel_loop3A_514 = vector.bitcast %parallel_loop3A_513 : vector<16xi32> to vector<32xbf16>
        %parallel_loop3A_515 = arith.index_cast %parallel_loop3A_508 : i32 to index
        %parallel_loop3A_516 = tpu.vector_load %arg61[%parallel_loop3A_515] {strides = array<i32>} : memref<640xi32, #tpu.memory_space<vmem>>, vector<16xi32>,
        %parallel_loop3A_517 = vector.bitcast %parallel_loop3A_516 : vector<16xi32> to vector<32xbf16>
        %parallel_loop3A_518 = arith.index_cast %parallel_loop3A_508 : i32 to index
        %parallel_loop3A_519 = tpu.vector_load %arg62[%parallel_loop3A_518] {strides = array<i32>} : memref<640xi32, #tpu.memory_space<vmem>>, vector<16xi32>,
        %parallel_loop3A_520 = vector.bitcast %parallel_loop3A_519 : vector<16xi32> to vector<32xbf16>
        %parallel_loop3A_521 = arith.addf %parallel_loop3A_511, %parallel_loop3A_517 : vector<32xbf16>
        %parallel_loop3A_522 = arith.addf %parallel_loop3A_514, %parallel_loop3A_520 : vector<32xbf16>
        %parallel_loop3A_523 = arith.index_cast %parallel_loop3A_508 : i32 to index
        %parallel_loop3A_524 = tpu.vector_load %arg63[%parallel_loop3A_523] {strides = array<i32>} : memref<640xi32, #tpu.memory_space<vmem>>, vector<16xi32>,
        %parallel_loop3A_525 = vector.bitcast %parallel_loop3A_524 : vector<16xi32> to vector<32xbf16>
        %parallel_loop3A_526 = arith.index_cast %parallel_loop3A_508 : i32 to index
        %parallel_loop3A_527 = tpu.vector_load %arg64[%parallel_loop3A_526] {strides = array<i32>} : memref<640xi32, #tpu.memory_space<vmem>>, vector<16xi32>,
        %parallel_loop3A_528 = vector.bitcast %parallel_loop3A_527 : vector<16xi32> to vector<32xbf16>
        %parallel_loop3A_529 = arith.addf %parallel_loop3A_521, %parallel_loop3A_525 : vector<32xbf16>
        %parallel_loop3A_530 = arith.addf %parallel_loop3A_522, %parallel_loop3A_528 : vector<32xbf16>
        %parallel_loop3A_531 = arith.index_cast %parallel_loop3A_508 : i32 to index
        %parallel_loop3A_532 = tpu.vector_load %arg65[%parallel_loop3A_531] {strides = array<i32>} : memref<640xi32, #tpu.memory_space<vmem>>, vector<16xi32>,
        %parallel_loop3A_533 = vector.bitcast %parallel_loop3A_532 : vector<16xi32> to vector<32xbf16>
        %parallel_loop3A_534 = arith.index_cast %parallel_loop3A_508 : i32 to index
        %parallel_loop3A_535 = tpu.vector_load %arg66[%parallel_loop3A_534] {strides = array<i32>} : memref<640xi32, #tpu.memory_space<vmem>>, vector<16xi32>,
        %parallel_loop3A_536 = vector.bitcast %parallel_loop3A_535 : vector<16xi32> to vector<32xbf16>
        %parallel_loop3A_537 = arith.addf %parallel_loop3A_529, %parallel_loop3A_533 : vector<32xbf16>
        %parallel_loop3A_538 = arith.addf %parallel_loop3A_530, %parallel_loop3A_536 : vector<32xbf16>
        %parallel_loop3A_539 = arith.index_cast %parallel_loop3A_508 : i32 to index
        %parallel_loop3A_540 = tpu.vector_load %arg67[%parallel_loop3A_539] {strides = array<i32>} : memref<640xi32, #tpu.memory_space<vmem>>, vector<16xi32>,
        %parallel_loop3A_541 = vector.bitcast %parallel_loop3A_540 : vector<16xi32> to vector<32xbf16>
        %parallel_loop3A_542 = arith.index_cast %parallel_loop3A_508 : i32 to index
        %parallel_loop3A_543 = tpu.vector_load %arg68[%parallel_loop3A_542] {strides = array<i32>} : memref<640xi32, #tpu.memory_space<vmem>>, vector<16xi32>,
        %parallel_loop3A_544 = vector.bitcast %parallel_loop3A_543 : vector<16xi32> to vector<32xbf16>
        %parallel_loop3A_545 = arith.addf %parallel_loop3A_537, %parallel_loop3A_541 : vector<32xbf16>
        %parallel_loop3A_546 = arith.addf %parallel_loop3A_538, %parallel_loop3A_544 : vector<32xbf16>
        %parallel_loop3A_547 = arith.index_cast %parallel_loop3A_508 : i32 to index
        %parallel_loop3A_548 = tpu.vector_load %arg69[%parallel_loop3A_547] {strides = array<i32>} : memref<640xi32, #tpu.memory_space<vmem>>, vector<16xi32>,
        %parallel_loop3A_549 = vector.bitcast %parallel_loop3A_548 : vector<16xi32> to vector<32xbf16>
        %parallel_loop3A_550 = arith.index_cast %parallel_loop3A_508 : i32 to index
        %parallel_loop3A_551 = tpu.vector_load %arg70[%parallel_loop3A_550] {strides = array<i32>} : memref<640xi32, #tpu.memory_space<vmem>>, vector<16xi32>,
        %parallel_loop3A_552 = vector.bitcast %parallel_loop3A_551 : vector<16xi32> to vector<32xbf16>
        %parallel_loop3A_553 = arith.addf %parallel_loop3A_545, %parallel_loop3A_549 : vector<32xbf16>
        %parallel_loop3A_554 = arith.addf %parallel_loop3A_546, %parallel_loop3A_552 : vector<32xbf16>
        %parallel_loop3A_555 = arith.index_cast %parallel_loop3A_508 : i32 to index
        %parallel_loop3A_556 = tpu.vector_load %arg71[%parallel_loop3A_555] {strides = array<i32>} : memref<640xi32, #tpu.memory_space<vmem>>, vector<16xi32>,
        %parallel_loop3A_557 = vector.bitcast %parallel_loop3A_556 : vector<16xi32> to vector<32xbf16>
        %parallel_loop3A_558 = arith.index_cast %parallel_loop3A_508 : i32 to index
        %parallel_loop3A_559 = tpu.vector_load %arg72[%parallel_loop3A_558] {strides = array<i32>} : memref<640xi32, #tpu.memory_space<vmem>>, vector<16xi32>,
        %parallel_loop3A_560 = vector.bitcast %parallel_loop3A_559 : vector<16xi32> to vector<32xbf16>
        %parallel_loop3A_561 = arith.addf %parallel_loop3A_553, %parallel_loop3A_557 : vector<32xbf16>
        %parallel_loop3A_562 = arith.addf %parallel_loop3A_554, %parallel_loop3A_560 : vector<32xbf16>
        %parallel_loop3A_563 = arith.index_cast %parallel_loop3A_508 : i32 to index
        %parallel_loop3A_564 = tpu.vector_load %arg73[%parallel_loop3A_563] {strides = array<i32>} : memref<640xi32, #tpu.memory_space<vmem>>, vector<16xi32>,
        %parallel_loop3A_565 = vector.bitcast %parallel_loop3A_564 : vector<16xi32> to vector<32xbf16>
        %parallel_loop3A_566 = arith.index_cast %parallel_loop3A_508 : i32 to index
        %parallel_loop3A_567 = tpu.vector_load %arg74[%parallel_loop3A_566] {strides = array<i32>} : memref<640xi32, #tpu.memory_space<vmem>>, vector<16xi32>,
        %parallel_loop3A_568 = vector.bitcast %parallel_loop3A_567 : vector<16xi32> to vector<32xbf16>
        %parallel_loop3A_569 = arith.addf %parallel_loop3A_561, %parallel_loop3A_565 : vector<32xbf16>
        %parallel_loop3A_570 = arith.addf %parallel_loop3A_562, %parallel_loop3A_568 : vector<32xbf16>
        %parallel_loop3A_571 = vector.bitcast %parallel_loop3A_569 : vector<32xbf16> to vector<16xi32>
        %parallel_loop3A_572 = vector.bitcast %parallel_loop3A_570 : vector<32xbf16> to vector<16xi32>
        %parallel_loop3A_573 = arith.shli %parallel_loop3A_571, %broadcast_in_dim3A_23 : vector<16xi32>
        %parallel_loop3A_574 = vector.bitcast %parallel_loop3A_573 : vector<16xi32> to vector<16xf32>
        %parallel_loop3A_575 = arith.andi %parallel_loop3A_571, %broadcast_in_dim3A_21 : vector<16xi32>
        %parallel_loop3A_576 = vector.bitcast %parallel_loop3A_575 : vector<16xi32> to vector<16xf32>
        %parallel_loop3A_577 = arith.shli %parallel_loop3A_572, %broadcast_in_dim3A_23 : vector<16xi32>
        %parallel_loop3A_578 = vector.bitcast %parallel_loop3A_577 : vector<16xi32> to vector<16xf32>
        %parallel_loop3A_579 = arith.andi %parallel_loop3A_572, %broadcast_in_dim3A_21 : vector<16xi32>
        %parallel_loop3A_580 = vector.bitcast %parallel_loop3A_579 : vector<16xi32> to vector<16xf32>
        %parallel_loop3A_581 = arith.constant 32 : i32
        %parallel_loop3A_582 = arith.muli %parallel_loop3A_506, %parallel_loop3A_581 : i32
        %parallel_loop3A_583 = vector.broadcast %parallel_loop3A_582 : i32 to vector<16xi32>
        %parallel_loop3A_584 = arith.addi %mul3A_19, %parallel_loop3A_583 : vector<16xi32>
        tpu.vector_store_idx %arg24[%parallel_loop3A_584], %parallel_loop3A_574 : memref<2560xf32, #tpu.memory_space<vmem>>[vector<16xi32>], vector<16xf32>,
        %parallel_loop3A_585 = arith.constant 1 : i32
        %parallel_loop3A_586 = vector.broadcast %parallel_loop3A_585 : i32 to vector<16xi32>
        %parallel_loop3A_587 = arith.addi %parallel_loop3A_584, %parallel_loop3A_586 : vector<16xi32>
        tpu.vector_store_idx %arg24[%parallel_loop3A_587], %parallel_loop3A_576 : memref<2560xf32, #tpu.memory_space<vmem>>[vector<16xi32>], vector<16xf32>,
        %parallel_loop3A_588 = arith.constant 1280 : i32
        %parallel_loop3A_589 = vector.broadcast %parallel_loop3A_588 : i32 to vector<16xi32>
        %parallel_loop3A_590 = arith.addi %parallel_loop3A_584, %parallel_loop3A_589 : vector<16xi32>
        tpu.vector_store_idx %arg24[%parallel_loop3A_590], %parallel_loop3A_578 : memref<2560xf32, #tpu.memory_space<vmem>>[vector<16xi32>], vector<16xf32>,
        %parallel_loop3A_591 = arith.constant 1280 : i32
        %parallel_loop3A_592 = vector.broadcast %parallel_loop3A_591 : i32 to vector<16xi32>
        %parallel_loop3A_593 = arith.addi %parallel_loop3A_584, %parallel_loop3A_592 : vector<16xi32>
        %parallel_loop3A_594 = arith.constant 1 : i32
        %parallel_loop3A_595 = vector.broadcast %parallel_loop3A_594 : i32 to vector<16xi32>
        %parallel_loop3A_596 = arith.addi %parallel_loop3A_593, %parallel_loop3A_595 : vector<16xi32>
        tpu.vector_store_idx %arg24[%parallel_loop3A_596], %parallel_loop3A_580 : memref<2560xf32, #tpu.memory_space<vmem>>[vector<16xi32>], vector<16xf32>,
      } {sc.loop_unroll_factor = 4 : i64, sc.parallel_access}
      %div3A_494 = arith.constant 360 : i32
      %div3A_495 = arith.divsi %add3A_490, %div3A_494 : i32
      %mul3A_496 = arith.constant 360 : i32
      %mul3A_497 = arith.muli %div3A_495, %mul3A_496 : i32
      %sub3A_498 = arith.subi %add3A_490, %mul3A_497 : i32
      %mul3A_499 = arith.constant 921600 : i32
      %mul3A_500 = arith.muli %div3A_495, %mul3A_499 : i32
      %mul3A_501 = arith.constant 2560 : i32
      %mul3A_502 = arith.muli %sub3A_498, %mul3A_501 : i32
      %add3A_503 = arith.addi %mul3A_500, %mul3A_502 : i32
      %dma_start3A_504 = tpu.memref_slice %arg4[%add3A_503] : memref<22118400xf32, #tpu.memory_space<hbm>> -> memref<2560xf32, #tpu.memory_space<hbm>>
      %dma_start3A_505 = tpu.memref_slice %arg4[%add3A_503] : memref<22118400xf32, #tpu.memory_space<hbm>> -> memref<2560xf32, #tpu.memory_space<hbm>>
      tpu.enqueue_dma source(%arg24 : memref<2560xf32, #tpu.memory_space<vmem>>) target(%dma_start3A_505 : memref<2560xf32, #tpu.memory_space<hbm>>) target_semaphore(%arg40 : memref<!tpu.dma_semaphore, #tpu.memory_space<semaphore_mem>>)
    }
    %scan3A_202 = arith.constant 135 : i32
    %dma_wait3A_203 = arith.constant 0 : i32
    %dma_wait3A_204 = tpu.memref_slice %arg3[%dma_wait3A_203] : memref<1048576xi32, #tpu.memory_space<hbm>> -> memref<10240xi32, #tpu.memory_space<hbm>>
    %dma_wait3A_205 = arith.constant 0 : i32
    %dma_wait3A_206 = tpu.memref_slice %arg3[%dma_wait3A_205] : memref<1048576xi32, #tpu.memory_space<hbm>> -> memref<10240xi32, #tpu.memory_space<hbm>>
    tpu.wait_dma2 semaphore(%arg37 : memref<!tpu.dma_semaphore, #tpu.memory_space<semaphore_mem>>) src(%dma_wait3A_206 : memref<10240xi32, #tpu.memory_space<hbm>>) dst(%arg6 : memref<10240xi32, #tpu.memory_space<vmem>>)
    %dma_wait3A_207 = arith.constant 0 : i32
    %dma_wait3A_208 = tpu.memref_slice %arg2[%dma_wait3A_207] : memref<5529600xf32, #tpu.memory_space<hbm>> -> memref<3840xf32, #tpu.memory_space<hbm>>
    %dma_wait3A_209 = arith.constant 0 : i32
    %dma_wait3A_210 = tpu.memref_slice %arg2[%dma_wait3A_209] : memref<5529600xf32, #tpu.memory_space<hbm>> -> memref<3840xf32, #tpu.memory_space<hbm>>
    tpu.wait_dma2 semaphore(%arg42 : memref<!tpu.dma_semaphore, #tpu.memory_space<semaphore_mem>>) src(%dma_wait3A_210 : memref<3840xf32, #tpu.memory_space<hbm>>) dst(%arg5 : memref<3840xf32, #tpu.memory_space<vmem>>)
    %dma_wait3A_211 = arith.constant 0 : i32
    %dma_wait3A_212 = tpu.memref_slice %arg2[%dma_wait3A_211] : memref<5529600xf32, #tpu.memory_space<hbm>> -> memref<2560xf32, #tpu.memory_space<hbm>>
    %dma_wait3A_213 = arith.constant 0 : i32
    %dma_wait3A_214 = tpu.memref_slice %arg2[%dma_wait3A_213] : memref<5529600xf32, #tpu.memory_space<hbm>> -> memref<2560xf32, #tpu.memory_space<hbm>>
    tpu.wait_dma2 semaphore(%arg39 : memref<!tpu.dma_semaphore, #tpu.memory_space<semaphore_mem>>) src(%dma_wait3A_214 : memref<2560xf32, #tpu.memory_space<hbm>>) dst(%arg23 : memref<2560xf32, #tpu.memory_space<vmem>>)
    %dma_wait3A_215 = arith.constant 0 : i32
    %dma_wait3A_216 = tpu.memref_slice %arg2[%dma_wait3A_215] : memref<5529600xf32, #tpu.memory_space<hbm>> -> memref<2560xf32, #tpu.memory_space<hbm>>
    %dma_wait3A_217 = arith.constant 0 : i32
    %dma_wait3A_218 = tpu.memref_slice %arg2[%dma_wait3A_217] : memref<5529600xf32, #tpu.memory_space<hbm>> -> memref<2560xf32, #tpu.memory_space<hbm>>
    tpu.wait_dma2 semaphore(%arg40 : memref<!tpu.dma_semaphore, #tpu.memory_space<semaphore_mem>>) src(%dma_wait3A_218 : memref<2560xf32, #tpu.memory_space<hbm>>) dst(%arg24 : memref<2560xf32, #tpu.memory_space<vmem>>)
    return
  }
}

</mosaic_0001>

<sc_bundles>
// kernel: _sc_call.3.cloned.1.call-start
scs
__scs_entry_jumppad:
0x0: {  	(pc) =	sbr.rel $0x88, $3  }
0x1: {  	(tag) =	ssettag $0x0;
	lr =	simm.s32 $0x1  }
0x2: {  	[smem:$0x3F9F] =	sst lr;
	_ =	strace $0xD0000000  }
0x3: {  	_ = 	snop  }
0x4: {  	_ = 	snop  }
0x5: {  	_ = 	snop  }
0x6: {  	_ = 	snop  }
0x7: {  	_ = 	snop  }
__scs_overlays_trampoline_lowered:
0x8: {  	[smem:$0x3FAE] =	sst s0  }
0x9: {  	[smem:$0x3FAF] =	sst s1  }
0xa: {  	[smem:$0x3FB0] =	sst s2  }
0xb: {  	[smem:$0x3FB1] =	sst s3  }
0xc: {  	[smem:$0x3FB2] =	sst s4  }
0xd: {  	[smem:$0x3FB3] =	sst s5  }
0xe: {  	[smem:$0x3FB4] =	sst s6  }
0xf: {  	[smem:$0x3FB5] =	sst s7  }
0x10: {  	[smem:$0x3FB6] =	sst s8  }
0x11: {  	[smem:$0x3FB7] =	sst s9;
	s0 =	simm.s32 @!p0 $0x0  }
0x12: {  	s1 =	sld [smem:$0x3F9D];
	s0 =	simm.s32 @p0 $0x1  }
0x13: {  	[smem:$0x3FB8] =	sst s0;
	s0 =	simm.s32 @!p1 $0x0  }
0x14: {  	s2 =	sld [smem:$0x3F9C];
	s0 =	simm.s32 @p1 $0x1  }
0x15: {  	[smem:$0x3FB9] =	sst s0;
	s0 =	simm.s32 @!p2 $0x0  }
0x16: {  	s3 =	sld [smem:$0x3FDB];
	s0 =	simm.s32 @p2 $0x1  }
0x17: {  	s4 =	simm.s32 $0x1BF5;
	[smem:$0x3FBB] =	sst s0  }
0x18: {  	s0 =	sld [smem:$0x3F9E];
	_ =	swait.ge [sflag:s4], $0x0  }
0x19: {  	s7 =	sld [smem:$0x3F9F]  }
0x1a: {  	s8 =	sadd.s32 $0xFFFFE003, lr  }
0x1b: {  	s9 =	sadd.s32 $0xFFFFFEF7, lr;
	s5 =	simm.s32 $0xFFFFFFFF;
	p2 =	slt.u32 s8, $0xFFFFF086  }
0x1c: {  	p1 =	slt.u32 s9, $0xF7A;
	s5 =	simm.s32 @!p2 $0x0  }
0x1d: {  	s5 =	simm.s32 @p1 $0x1;
	p0 =	seq.s32 s7, s2  }
0x1e: {  	s7 =	smul.u32 @!p0 $0xF7A, s2;
	p2 =	seq.s32 @!p0 s5, $0x0  }
0x1f: {  	s9 =	smul.u32 $0xF7A, s1;
	s8 =	simm.s32 @!p0 $0x1BF5;
	p2 =	por !p2, p0  }
0x20: {  	[sflag:s8] =	ssyncset.s32 @!p0 $0xFFFFF086;
	s6 =	sadd.s32 @!p0 s3, s7;
	s7 =	simm.s32 @!p0 $0x108  }
0x21: {  	s3 =	sadd.s32 s3, s9;
	s6 =	sadd.s32 @!p0 $0x88, s6;
	s7 =	simm.s32 @p2 $0x1082  }
0x22: {  	[simem:s7], [sflag:s8] =	dma.local @!p0 [hbm:s6], $0xF7A  }
0x23: {  	s9 =	sor.u32 $0xD0000000, s2;
	s6 =	simm.s32 $0x108;
	_ =	swait.ge @!p0 [sflag:s8], $0x0  }
0x24: {  	s3 =	sadd.s32 $0x88, s3;
	s6 =	simm.s32 @!p1 $0x1082;
	[sflag:s4] =	ssyncset.s32 $0xFFFFF086  }
0x25: {  	[simem:s6], [sflag:s4] =	dma.local [hbm:s3], $0xF7A  }
0x26: {  	[smem:$0x3F9F] =	sst s1;
	(tag) =	ssettag s2;
	_ =	strace s9  }
0x27: {  	s1 =	sld [smem:$0x3FAF]  }
0x28: {  	s2 =	sld [smem:$0x3FB0]  }
0x29: {  	s4 =	sld [smem:$0x3FB2]  }
0x2a: {  	p0 =	seq.s32 s5, $0x0;
	s5 =	sld [smem:$0x3FB3]  }
0x2b: {  	s6 =	sld [smem:$0x3FB4]  }
0x2c: {  	s7 =	sld [smem:$0x3FB5]  }
0x2d: {  	s3 =	simm.s32 $0x108;
	s8 =	sld [smem:$0x3FB6]  }
0x2e: {  	s3 =	simm.s32 @!p0 $0x1082;
	s9 =	sld [smem:$0x3FB7]  }
0x2f: {  	lr =	sadd.s32 s0, s3;
	s0 =	sld [smem:$0x3FAE]  }
0x30: {  	s3 =	sld [smem:$0x3FB1]  }
0x31: {  	[smem:$0x3FBA] =	sst s10  }
0x32: {  	s10 =	sld [smem:$0x3FB8];
	_ =	sdelay $0x3  }
0x33: {  	p0 =	seq.s32 s10, $0x1;
	s10 =	sld [smem:$0x3FBA];
	_ =	sdelay $0x3  }
0x34: {  	[smem:$0x3FBA] =	sst s10  }
0x35: {  	s10 =	sld [smem:$0x3FB9];
	_ =	sdelay $0x3  }
0x36: {  	p1 =	seq.s32 s10, $0x1;
	s10 =	sld [smem:$0x3FBA];
	_ =	sdelay $0x3  }
0x37: {  	[smem:$0x3FBA] =	sst s10  }
0x38: {  	s10 =	sld [smem:$0x3FBB]  }
0x39: {  	_ = 	snop;
	(pc) =	sbr.ind lr, $3  }
0x3a: {  	_ = 	snop  }
0x3b: {  	_ = 	snop  }
0x3c: {  	p2 =	seq.s32 s10, $0x1;
	s10 =	sld [smem:$0x3FBA]  }
0x3d: {  	_ =	shalt  }
0x3e: {  	_ =	shalt  }
0x3f: {  	_ =	shalt  }
0x40: {  	_ =	shalt  }
0x41: {  	_ =	shalt  }
0x42: {  	_ =	shalt  }
0x43: {  	_ =	shalt  }
0x44: {  	_ =	shalt  }
0x45: {  	_ =	shalt  }
0x46: {  	_ =	shalt  }
0x47: {  	_ =	shalt  }
0x48: {  	_ =	shalt  }
0x49: {  	_ =	shalt  }
0x4a: {  	_ =	shalt  }
0x4b: {  	_ =	shalt  }
0x4c: {  	_ =	shalt  }
0x4d: {  	_ =	shalt  }
0x4e: {  	_ =	shalt  }
0x4f: {  	_ =	shalt  }
0x50: {  	_ =	shalt  }
0x51: {  	_ =	shalt  }
0x52: {  	_ =	shalt  }
0x53: {  	_ =	shalt  }
0x54: {  	_ =	shalt  }
0x55: {  	_ =	shalt  }
0x56: {  	_ =	shalt  }
0x57: {  	_ =	shalt  }
0x58: {  	_ =	shalt  }
0x59: {  	_ =	shalt  }
0x5a: {  	_ =	shalt  }
0x5b: {  	_ =	shalt  }
0x5c: {  	_ =	shalt  }
0x5d: {  	_ =	shalt  }
0x5e: {  	_ =	shalt  }
0x5f: {  	_ =	shalt  }
0x60: {  	_ =	shalt  }
0x61: {  	_ =	shalt  }
0x62: {  	_ =	shalt  }
0x63: {  	_ =	shalt  }
0x64: {  	_ =	shalt  }
0x65: {  	_ =	shalt  }
0x66: {  	_ =	shalt  }
0x67: {  	_ =	shalt  }
0x68: {  	_ =	shalt  }
0x69: {  	_ =	shalt  }
0x6a: {  	_ =	shalt  }
0x6b: {  	_ =	shalt  }
0x6c: {  	_ =	shalt  }
0x6d: {  	_ =	shalt  }
0x6e: {  	_ =	shalt  }
0x6f: {  	_ =	shalt  }
0x70: {  	_ =	shalt  }
0x71: {  	_ =	shalt  }
0x72: {  	_ =	shalt  }
0x73: {  	_ =	shalt  }
0x74: {  	_ =	shalt  }
0x75: {  	_ =	shalt  }
0x76: {  	_ =	shalt  }
0x77: {  	_ =	shalt  }
0x78: {  	_ =	shalt  }
0x79: {  	_ =	shalt  }
0x7a: {  	_ =	shalt  }
0x7b: {  	_ =	shalt  }
0x7c: {  	_ =	shalt  }
0x7d: {  	_ =	shalt  }
0x7e: {  	_ =	shalt  }
0x7f: {  	_ =	shalt  }
0x80: {  	_ =	shalt  }
0x81: {  	_ =	shalt  }
0x82: {  	_ =	shalt  }
0x83: {  	_ =	shalt  }
0x84: {  	_ =	shalt  }
0x85: {  	_ =	shalt  }
0x86: {  	_ =	shalt  }
0x87: {  	_ =	shalt  }
.Lfunc_end0:
.L_simem_size_0:
called_computation_lowered:
.L_overlay_start_0:
0x88: {  	s2 =	sld [smem:$0x3FD9]  }
0x89: {  	s3 =	sld [smem:$0x3FFE];
	_ =	sdelay $0x1  }
0x8a: {  	s1 =	srdreg.scid  }
0x8b: {  	s0 =	sand.u32 $0x1, s1  }
0x8c: {  	s12 =	sshll.u32 s0, $0xA;
	s2 =	sadd.s32 s3, s2  }
0x8d: {  	s2 =	sadd.s32 s2, s12  }
0x8e: {  	[smem:$0x3FC6] =	sst s2  }
0x8f: {  	_ = 	snop  }
0x90: {  	s13 =	sld [smem:$0x3FC9]  }
0x91: {  	s4 =	sld [smem:$0x3FC8]  }
0x92: {  	s5 =	sld [smem:$0x3FD0];
	(tm) =	ssettm $0x1  }
0x93: {  	s14 =	sld [smem:$0x3FFB];
	_ =	sdelay $0x3  }
0x94: {  	_ =	strace s14  }
0x95: {  	s2 =	sld [smem:$0x3FFC];
	_ =	sdelay $0x3  }
0x96: {  	_ =	strace s2  }
0x97: {  	s2 =	sld [smem:$0x3FFD];
	_ =	sdelay $0x3  }
0x98: {  	_ =	strace s2  }
0x99: {  	_ =	strace $0x8FFFFFFF  }
0x9a: {  	s15 =	sld [smem:$0x3FDB];
	_ =	sdelay $0x1  }
0x9b: {  	s6 =	simm.s32 $_scs_section_size  }
0x9c: {  	s7 =	simm.s32 $_size__tile_task_arg_handler_lowered;
	s8 =	simm.s32 $_tile_task_arg_handler_lowered  }
0x9d: {  	s18 =	simm.s32 $0x1BFF;
	s17 =	sshll.u32 s8, $0x1;
	s6 =	sadd.s32 s6, s15  }
0x9e: {  	s9 =	simm.s32 $0x60;
	s16 =	sshll.u32 s7, $0x1;
	s7 =	sadd.s32 s17, s6  }
0x9f: {  	[timem:s9], [sflag:s18] =	dma.local [hbm:s7], s16  }
0xa0: {  	_ =	swait.ge [sflag:s18], s16  }
0xa1: {  	s19 =	simm.s32 $_tile_overlayer_lowered;
	s2 =	ssub.s32 $0x0, s16;
	[sflag:s18] =	ssyncset.done $0x0  }
0xa2: {  	s20 =	simm.s32 $_size__tile_overlayer_lowered;
	s7 =	sshll.u32 s19, $0x1;
	[sflag:s18] =	ssyncadd.s32 s2  }
0xa3: {  	s22 =	simm.s32 $0x0;
	s21 =	sshll.u32 s20, $0x1;
	s7 =	sadd.s32 s7, s6  }
0xa4: {  	[timem:s22], [sflag:s18] =	dma.local [hbm:s7], s21  }
0xa5: {  	_ =	swait.ge [sflag:s18], s21  }
0xa6: {  	s23 =	ssub.s32 $0x0, s21;
	[sflag:s18] =	ssyncset.done $0x0  }
0xa7: {  	[sflag:s18] =	ssyncadd.s32 s23;
	_ =	sdelay $0x1  }
0xa8: {  	s24 =	simm.s32 $0x1B8B  }
0xa9: {  	_ =	swait.ge [sflag:s24], $0x1  }
0xaa: {  	[sflag:s24] =	ssyncset.done $0x0  }
0xab: {  	s25 =	simm.s32 $0x1B8E;
	[sflag:s24] =	ssyncadd.s32 $0xFFFFFFFF  }
0xac: {  	s26 =	simm.s32 $execute0_lowered;
	[smem:$0x3FD2] =	sst s25  }
0xad: {  	s7 =	sshll.u32 s26, $0x1;
	_ =	strace $0x80000046;
	[dreg:$0x1] =	wrdreg $0xFFFFFFFF  }
0xae: {  	s28 =	simm.s32 $_size_execute0_lowered;
	s6 =	sadd.s32 s6, s7;
	[dreg:$0x0] =	wrdreg $0x0  }
0xaf: {  	s7 =	sshll.u32 s28, $0x1;
	[dreg:$0x2] =	wrdreg s6  }
0xb0: {  	[dreg:$0x3] =	wrdreg s7  }
0xb1: {  	[dreg:$0x4] =	wrdreg $0xC0  }
0xb2: {  	_ =	task [dreg:s22], $0x5FFFF  }
0xb3: {  	[dreg:$0x1] =	wrdreg $0xFFFFFFFF  }
0xb4: {  	[dreg:$0x0] =	wrdreg $0x30  }
0xb5: {  	[dreg:$0x2] =	wrdreg $0x0  }
0xb6: {  	[dreg:$0x3] =	wrdreg $0x15AC00  }
0xb7: {  	[dreg:$0x4] =	wrdreg $0x16AC00  }
0xb8: {  	[dreg:$0x5] =	wrdreg $0x17AC00  }
0xb9: {  	[dreg:$0x6] =	wrdreg $0x18AC00  }
0xba: {  	[dreg:$0x7] =	wrdreg $0x19AC00  }
0xbb: {  	[dreg:$0x8] =	wrdreg $0x9  }
0xbc: {  	_ =	task [dreg:s22], $0x9FFFF  }
0xbd: {  	[dreg:$0x1] =	wrdreg $0xFFFFFFFF  }
0xbe: {  	[dreg:$0x0] =	wrdreg $0x60  }
0xbf: {  	[dreg:$0x2] =	wrdreg s13  }
0xc0: {  	[dreg:$0x3] =	wrdreg s4  }
0xc1: {  	[dreg:$0x4] =	wrdreg s5  }
0xc2: {  	[dreg:$0x5] =	wrdreg $0xAAC00  }
0xc3: {  	[dreg:$0x6] =	wrdreg $0xBAC00  }
0xc4: {  	[dreg:$0x7] =	wrdreg $0xCAC00  }
0xc5: {  	[dreg:$0x8] =	wrdreg $0xDAC00  }
0xc6: {  	[dreg:$0x9] =	wrdreg $0xEAC00  }
0xc7: {  	[dreg:$0xa] =	wrdreg $0xFAC00  }
0xc8: {  	[dreg:$0xb] =	wrdreg $0x10AC00  }
0xc9: {  	[dreg:$0xc] =	wrdreg $0x11AC00  }
0xca: {  	[dreg:$0xd] =	wrdreg $0x12AC00  }
0xcb: {  	[dreg:$0xe] =	wrdreg $0x13AC00  }
0xcc: {  	[dreg:$0xf] =	wrdreg $0x14AC00  }
0xcd: {  	_ =	task.clear_ibuf [dreg:s22], $0x10FFFF;
	_ =	strace $0x90000046  }
0xce: {  	s29 =	simm.s32 $0x9;
	_ =	strace $0x80000048  }
0xcf: {  	_ =	swait.ge [sflag:s29], $0x1  }
0xd0: {  	[sflag:s29] =	ssyncadd.s32 $0xFFFFFFFF  }
0xd1: {  	_ =	strace $0x90000048  }
0xd2: {  	_ =	sfence  }
0xd3: {  	s30 =	sld [smem:$0x0];
	_ =	sdelay $0x2  }
0xd4: {  	s31 =	sshll.u32 s1, $0xD;
	s1 =	sshrl.u32 s1, $0x2  }
0xd5: {  	s4 =	sand.u32 $0x4000, s31;
	s1 =	sadd.s32 s1, s30  }
0xd6: {  	s0 =	sor.u32 s4, s0;
	s1 =	sshll.u32 s1, $0x11  }
0xd7: {  	s0 =	sor.u32 s1, s0  }
0xd8: {  	s0 =	sadd.s32 $0x8F2B, s0  }
0xd9: {  	[sflag:s0] =	ssyncadd.remote.s32 $0x1  }
0xda: {  	_ =	sfence.sel $0xFFFF  }
0xdb: {  	[dreg:$0x0] =	wrdreg $0xFFFFFFFF;
	(pc) =	sbr.abs _section_cstart, $3  }
0xdc: {  	[dreg:$0x1] =	wrdreg $0xFFFFFFFF  }
0xdd: {  	_ =	task.clear_ibuf [dreg:s22], $0x2FFFF;
	_ =	strace $0x9FFFFFFF  }
0xde: {  	(tm) =	ssettm $0x7FFFFFFF  }
0xdf: {  	_ =	shalt  }
tec
_tile_task_arg_handler_lowered:
.L_overlay_start_1:
0x0: {  	(tag) =	ssettag $0x1  }
0x1: {  	s0 =	rddreg [dreg:$0x0]  }
0x2: {  	s1 =	rddreg [dreg:$0x1]  }
0x3: {  	s2 =	rddreg [dreg:$0x2]  }
0x4: {  	s3 =	rddreg [dreg:$0x3]  }
0x5: {  	s4 =	rddreg [dreg:$0x4]  }
0x6: {  	s5 =	rddreg [dreg:$0x5]  }
0x7: {  	s6 =	rddreg [dreg:$0x6]  }
0x8: {  	s7 =	rddreg [dreg:$0x7]  }
0x9: {  	s8 =	rddreg [dreg:$0x8]  }
0xa: {  	s9 =	rddreg [dreg:$0x9]  }
0xb: {  	s10 =	rddreg [dreg:$0xa]  }
0xc: {  	s11 =	rddreg [dreg:$0xb]  }
0xd: {  	s12 =	rddreg [dreg:$0xc]  }
0xe: {  	s13 =	rddreg [dreg:$0xd]  }
0xf: {  	[smem:s0] =	sst s1  }
0x10: {  	[smem:s0+$0x1] =	sst s2  }
0x11: {  	[smem:s0+$0x2] =	sst s3  }
0x12: {  	[smem:s0+$0x3] =	sst s4  }
0x13: {  	[smem:s0+$0x4] =	sst s5  }
0x14: {  	[smem:s0+$0x5] =	sst s6  }
0x15: {  	[smem:s0+$0x6] =	sst s7  }
0x16: {  	[smem:s0+$0x7] =	sst s8  }
0x17: {  	[smem:s0+$0x8] =	sst s9  }
0x18: {  	[smem:s0+$0x9] =	sst s10  }
0x19: {  	[smem:s0+$0xA] =	sst s11  }
0x1a: {  	[smem:s0+$0xB] =	sst s12  }
0x1b: {  	[smem:s0+$0xC] =	sst s13;
	_ =	shalt  }
.Lfunc_end2:
execute0_lowered:
.L_overlay_start_2:
0x1c: {  	(tag) =	ssettag $0x2  }
0x1d: {  	s0 =	rddreg [dreg:$0x0]  }
0x1e: {  	s8 =	rddreg [dreg:$0x1]  }
0x1f: {  	s26 =	rddreg [dreg:$0x2];
	s16 =	simm.s32 $0x0  }
0x20: {  	[smem:$0x7FF] =	sst s16  }
0x21: {  	s1 =	srdreg.scid;
	s17 =	sld [smem:$0x0]  }
0x22: {  	s2 =	stileid.u32;
	s29 =	simm.s32 $0x5;
	s18 =	sld [smem:$0x1]  }
0x23: {  	s1 =	sand.u32 $0x1, s1;
	s3 =	sshll.u32 s2, $0x1;
	s19 =	sld [smem:$0x2]  }
0x24: {  	s31 =	simm.s32 $0x4120;
	s3 =	sor.u32 s1, s3;
	s20 =	sld [smem:$0x3]  }
0x25: {  	s1 =	ssub.s32 $0x2, s1;
	s22 =	sld [smem:$0x4];
	s9 =	smul.u32 $0x10E, s3  }
0x26: {  	s15 =	sld [smem:$0x5];
	s7 =	smul.u32 $0x6, s3;
	s12 =	sshrl.u32 s1, $0x1  }
0x27: {  	s3 =	smul.u32 $0x2A300, s3;
	s1 =	ssub.s32 s1, s12;
	s12 =	sadd.s32 $0xC000, s8  }
0x28: {  	s11 =	sadd.s32 $0x10D, s9;
	s4 =	sor.u32 $0x1, s9;
	[dreg:$0xe] =	wrdreg s9  }
0x29: {  	s28 =	sadd.s32 $0x2D82D80, s7;
	[dreg:$0xf] =	wrdreg s15;
	s21 =	sshrl.u32 s3, $0x3  }
0x2a: {  	s1 =	smax.u32 s1, $0x1;
	p0 =	slt.s32 s4, s11;
	s5 =	smov.u32 s11  }
0x2b: {  	s7 =	sadd.s32 $0x6000, s8;
	_ =	strace $0x80000047;
	s5 =	smov.u32 @p0 s4  }
0x2c: {  	[dreg:$0x16] =	wrdreg s1;
	s4 =	smulhi.u32 $0xB60B60B7, s5;
	s6 =	sshra.s32 s5, $0x1F  }
0x2d: {  	s23 =	sadd.s32 $0x280, s3;
	[dreg:$0x19] =	wrdreg s7;
	s6 =	smul.u32 $0xB60B60B7, s6  }
0x2e: {  	s15 =	sadd.s32 $0x12000, s8;
	[dreg:$0x1c] =	wrdreg s12;
	s4 =	ssub.s32 s4, s5  }
0x2f: {  	s10 =	sshll.u32 s28, $0x1D;
	[dreg:$0x1f] =	wrdreg s15;
	s4 =	sadd.s32 s6, s4  }
0x30: {  	s12 =	simm.s32 $0x3200;
	s6 =	sshrl.u32 s28, $0x3;
	s4 =	sadd.s32 s5, s4  }
0x31: {  	s6 =	sor.u32 s10, s6;
	s10 =	sadd.s32 $0xA000, s8;
	s30 =	sshrl.u32 s4, $0x1F  }
0x32: {  	s4 =	sshra.s32 s4, $0x8;
	p0 =	sgt.u32 s6, $0xB60B60;
	s6 =	simm.s32 $0x1  }
0x33: {  	[dreg:$0x1b] =	wrdreg s10;
	s10 =	simm.s32 $0x2;
	s6 =	simm.s32 @!p0 $0x0  }
0x34: {  	s4 =	sadd.s32 s30, s4;
	s13 =	ssub.s32 s9, s6;
	s6 =	sadd.s32 s0, s21  }
0x35: {  	p0 =	sne.s32 s2, $0x0;
	s9 =	sadd.s32 $0x8000, s8;
	[dreg:$0x10] =	wrdreg s6  }
0x36: {  	s4 =	smul.u32 $0x168, s4;
	s21 =	sadd.s32 $0x14000, s8;
	[dreg:$0x1a] =	wrdreg s9  }
0x37: {  	s14 =	smul.u32 $0x280, s13;
	s6 =	sadd.s32 $0x4000, s8;
	[smem:$0x7F8] =	sst s21  }
0x38: {  	s13 =	sadd.s32 $0xE000, s8;
	s21 =	simm.s32 $0x1;
	[dreg:$0x18] =	wrdreg s6  }
0x39: {  	s9 =	simm.s32 $0x2800;
	s4 =	ssub.s32 s5, s4;
	[dreg:$0x1d] =	wrdreg s13  }
0x3a: {  	p1 =	sne.s32 s4, $0x167;
	s4 =	simm.s32 $0x1;
	s2 =	sshrl.u32 s14, $0x3  }
0x3b: {  	s14 =	sadd.s32 $0x10000, s8;
	s4 =	simm.s32 @!p1 $0x0;
	s2 =	sadd.s32 s0, s2  }
0x3c: {  	[dreg:$0x1e] =	wrdreg s14;
	s4 =	sadd.s32 s4, s5;
	s5 =	smul.u32 $0x280, s5  }
0x3d: {  	[dreg:$0x11] =	wrdreg s2;
	s2 =	sshrl.u32 s23, $0x3;
	s23 =	sadd.s32 $0x16000, s8  }
0x3e: {  	s2 =	sadd.s32 s0, s2;
	[smem:$0x7F9] =	sst s23;
	s25 =	sadd.s32 $0xFFFFFD80, s5  }
0x3f: {  	[dreg:$0x12] =	wrdreg s2;
	s28 =	sshrl.u32 s5, $0x3;
	s5 =	sadd.s32 $0x2000, s8  }
0x40: {  	s24 =	smul.u32 $0x280, s4;
	s2 =	sadd.s32 s0, s28;
	[dreg:$0x17] =	wrdreg s5  }
0x41: {  	s4 =	sshrl.u32 s25, $0x3;
	s25 =	sadd.s32 $0x1A000, s8;
	[dreg:$0x13] =	wrdreg s2  }
0x42: {  	v0 =	vlaneseq.u32;
	s6 =	simm.s32 $0x6;
	s28 =	sadd.s32 $0x1C000, s8;
	[smem:$0x7FB] =	sst s25  }
0x43: {  	v1 =	vand.u32 $0x3, v0;
	v0 =	vmul.u32 $0x2, v0;
	s23 =	simm.s32 $0x3C00;
	s30 =	sadd.s32 s0, s4;
	[smem:$0x7FC] =	sst s28  }
0x44: {  	v2 =	vimm.s32 $0x280;
	vm0 =	vcmask $0x3F3C;
	v1 =	vmul.u32 $0x2, v1;
	s4 =	sshrl.u32 s24, $0x3;
	s24 =	sadd.s32 $0x18000, s8;
	[dreg:$0x14] =	wrdreg s30  }
0x45: {  	v3 =	vimm.s32 $0x7;
	v5 =	vor.u32 $0x1, v0;
	v6 =	vor.u32 $0x500, v0;
	s25 =	simm.s32 $0x280;
	s2 =	sadd.s32 s0, s4;
	[smem:$0x7FA] =	sst s24  }
0x46: {  	v7 =	vor.u32 $0x501, v0;
	v4 =	vor.u32 $0xFFFFFF98, v1;
	v8 =	vor.u32 $0x1, v1;
	s30 =	sadd.s32 $0x1E000, s8;
	s8 =	simm.s32 $0x1180;
	[dreg:$0x15] =	wrdreg s2  }
0x47: {  	v9 =	vor.u32 $0xFFFFFFB8, v1;
	v10 =	vor.u32 $0xFFFFFFD8, v1;
	v11 =	vor.u32 $0xFFFFFFF8, v1;
	s4 =	simm.s32 $0x0;
	[smem:$0x7FD] =	sst s30;
	s2 =	simm.s32 $0xF00  }
.LBB3_1:
.Ltmp0:
0x48: {  	(pc) =	sbr.rel @p0 .LBB3_3-.Ltmp0, $2  }
0x49: {  	_ =	sdelay $0x2  }
0x4a: {  	[smem:$0x7F7] =	sst s4  }
0x4b: {  	s3 =	rddreg [dreg:$0x3]  }
0x4c: {  	s4 =	rddreg [dreg:$0x1]  }
0x4d: {  	s5 =	simm.s32 $0x1C07;
	s7 =	simm.s32 $0x7;
	s3 =	sshrl.u32 s3, $0x3  }
0x4e: {  	[spmem:s3], [sflag:s5] =	dma.local [hbm:s4], $0x2000  }
0x4f: {  	_ =	swait.ge [sflag:s7], $0x2000  }
0x50: {  	[sflag:s7] =	ssyncset.done $0x0  }
0x51: {  	[sflag:s7] =	ssyncadd.s32 $0xFFFFE000  }
0x52: {  	s4 =	rddreg [dreg:$0x4]  }
0x53: {  	s13 =	rddreg [dreg:$0x17];
	s3 =	sshrl.u32 s4, $0x3  }
0x54: {  	[spmem:s3], [sflag:s5] =	dma.local [hbm:s13], $0x2000  }
0x55: {  	_ =	swait.ge [sflag:s7], $0x2000  }
0x56: {  	[sflag:s7] =	ssyncset.done $0x0  }
0x57: {  	[sflag:s7] =	ssyncadd.s32 $0xFFFFE000  }
0x58: {  	s14 =	rddreg [dreg:$0x5]  }
0x59: {  	s15 =	rddreg [dreg:$0x18];
	s3 =	sshrl.u32 s14, $0x3  }
0x5a: {  	[spmem:s3], [sflag:s5] =	dma.local [hbm:s15], $0x2000  }
0x5b: {  	_ =	swait.ge [sflag:s7], $0x2000  }
0x5c: {  	[sflag:s7] =	ssyncset.done $0x0  }
0x5d: {  	[sflag:s7] =	ssyncadd.s32 $0xFFFFE000  }
0x5e: {  	s24 =	rddreg [dreg:$0x6]  }
0x5f: {  	s28 =	rddreg [dreg:$0x19];
	s3 =	sshrl.u32 s24, $0x3  }
0x60: {  	[spmem:s3], [sflag:s5] =	dma.local [hbm:s28], $0x2000  }
0x61: {  	_ =	swait.ge [sflag:s7], $0x2000  }
0x62: {  	[sflag:s7] =	ssyncset.done $0x0  }
0x63: {  	[sflag:s7] =	ssyncadd.s32 $0xFFFFE000  }
0x64: {  	s30 =	rddreg [dreg:$0x7]  }
0x65: {  	s1 =	rddreg [dreg:$0x1a];
	s3 =	sshrl.u32 s30, $0x3  }
0x66: {  	[spmem:s3], [sflag:s5] =	dma.local [hbm:s1], $0x2000  }
0x67: {  	_ =	swait.ge [sflag:s7], $0x2000  }
0x68: {  	[sflag:s7] =	ssyncset.done $0x0  }
0x69: {  	[sflag:s7] =	ssyncadd.s32 $0xFFFFE000  }
0x6a: {  	s4 =	rddreg [dreg:$0x8]  }
0x6b: {  	s13 =	rddreg [dreg:$0x1b];
	s3 =	sshrl.u32 s4, $0x3  }
0x6c: {  	[spmem:s3], [sflag:s5] =	dma.local [hbm:s13], $0x2000  }
0x6d: {  	_ =	swait.ge [sflag:s7], $0x2000  }
0x6e: {  	[sflag:s7] =	ssyncset.done $0x0  }
0x6f: {  	[sflag:s7] =	ssyncadd.s32 $0xFFFFE000  }
0x70: {  	s14 =	rddreg [dreg:$0x9]  }
0x71: {  	s15 =	rddreg [dreg:$0x1c];
	s3 =	sshrl.u32 s14, $0x3  }
0x72: {  	[spmem:s3], [sflag:s5] =	dma.local [hbm:s15], $0x2000  }
0x73: {  	_ =	swait.ge [sflag:s7], $0x2000  }
0x74: {  	[sflag:s7] =	ssyncset.done $0x0  }
0x75: {  	[sflag:s7] =	ssyncadd.s32 $0xFFFFE000  }
0x76: {  	s24 =	rddreg [dreg:$0xa]  }
0x77: {  	s28 =	rddreg [dreg:$0x1d];
	s3 =	sshrl.u32 s24, $0x3  }
0x78: {  	[spmem:s3], [sflag:s5] =	dma.local [hbm:s28], $0x2000  }
0x79: {  	_ =	swait.ge [sflag:s7], $0x2000  }
0x7a: {  	[sflag:s7] =	ssyncset.done $0x0  }
0x7b: {  	[sflag:s7] =	ssyncadd.s32 $0xFFFFE000  }
0x7c: {  	s30 =	rddreg [dreg:$0xb]  }
0x7d: {  	s1 =	rddreg [dreg:$0x1e];
	s3 =	sshrl.u32 s30, $0x3  }
0x7e: {  	[spmem:s3], [sflag:s5] =	dma.local [hbm:s1], $0x2000  }
0x7f: {  	_ =	swait.ge [sflag:s7], $0x2000  }
0x80: {  	[sflag:s7] =	ssyncset.done $0x0  }
0x81: {  	[sflag:s7] =	ssyncadd.s32 $0xFFFFE000  }
0x82: {  	s4 =	rddreg [dreg:$0xc]  }
0x83: {  	s13 =	rddreg [dreg:$0x1f];
	s3 =	sshrl.u32 s4, $0x3  }
0x84: {  	[spmem:s3], [sflag:s5] =	dma.local [hbm:s13], $0x2000  }
0x85: {  	_ =	swait.ge [sflag:s7], $0x2000  }
0x86: {  	[sflag:s7] =	ssyncset.done $0x0  }
0x87: {  	s15 =	sld [smem:$0x7F8];
	[sflag:s7] =	ssyncadd.s32 $0xFFFFE000  }
0x88: {  	s14 =	rddreg [dreg:$0xd]  }
0x89: {  	s3 =	sshrl.u32 s14, $0x3  }
0x8a: {  	[spmem:s3], [sflag:s5] =	dma.local [hbm:s15], $0x2000  }
0x8b: {  	_ =	swait.ge [sflag:s7], $0x2000  }
0x8c: {  	s28 =	sld [smem:$0x7F9]  }
0x8d: {  	[sflag:s7] =	ssyncset.done $0x0  }
0x8e: {  	s24 =	sshrl.u32 s17, $0x3;
	[sflag:s7] =	ssyncadd.s32 $0xFFFFE000  }
0x8f: {  	[spmem:s24], [sflag:s5] =	dma.local [hbm:s28], $0x2000  }
0x90: {  	_ =	swait.ge [sflag:s7], $0x2000  }
0x91: {  	s1 =	sld [smem:$0x7FA]  }
0x92: {  	[sflag:s7] =	ssyncset.done $0x0  }
0x93: {  	s30 =	sshrl.u32 s18, $0x3;
	[sflag:s7] =	ssyncadd.s32 $0xFFFFE000  }
0x94: {  	[spmem:s30], [sflag:s5] =	dma.local [hbm:s1], $0x2000  }
0x95: {  	_ =	swait.ge [sflag:s7], $0x2000  }
0x96: {  	s14 =	sld [smem:$0x7FB]  }
0x97: {  	[sflag:s7] =	ssyncset.done $0x0  }
0x98: {  	s13 =	sshrl.u32 s19, $0x3;
	[sflag:s7] =	ssyncadd.s32 $0xFFFFE000  }
0x99: {  	[spmem:s13], [sflag:s5] =	dma.local [hbm:s14], $0x2000  }
0x9a: {  	_ =	swait.ge [sflag:s7], $0x2000  }
0x9b: {  	s24 =	sld [smem:$0x7FC]  }
0x9c: {  	[sflag:s7] =	ssyncset.done $0x0  }
0x9d: {  	s15 =	sshrl.u32 s20, $0x3;
	[sflag:s7] =	ssyncadd.s32 $0xFFFFE000  }
0x9e: {  	[spmem:s15], [sflag:s5] =	dma.local [hbm:s24], $0x2000  }
0x9f: {  	_ =	swait.ge [sflag:s7], $0x2000  }
0xa0: {  	s30 =	sld [smem:$0x7FD]  }
0xa1: {  	[sflag:s7] =	ssyncset.done $0x0  }
0xa2: {  	s28 =	sshrl.u32 s22, $0x3;
	[sflag:s7] =	ssyncadd.s32 $0xFFFFE000  }
0xa3: {  	[spmem:s28], [sflag:s5] =	dma.local [hbm:s30], $0x2000  }
0xa4: {  	_ =	swait.ge [sflag:s7], $0x2000  }
0xa5: {  	[sflag:s7] =	ssyncset.done $0x0  }
0xa6: {  	[sflag:s7] =	ssyncadd.s32 $0xFFFFE000  }
.LBB3_3:
0xa7: {  	[bflag:$0x0] =	sbarrier.arrive $0xFFFF  }
0xa8: {  	s3 =	simm.s32 $0x0;
	s5 =	simm.s32 $0x3C00;
	s4 =	rddreg [dreg:$0x10]  }
0xa9: {  	[tilespmem:s5], [sflag:$0x5] =	stream.linear.gather [hbm4b:s4+s3], $0x280, $0x38;
	[tilespmem:$0x1AAC0] =	vst v63  }
0xaa: {  	s7 =	simm.s32 $0x3E98  }
0xab: {  	[tilespmem:s7], [sflag:$0x5] =	stream.linear.gather [hbm4b:s4+s3], $0x280, $0x38;
	[tilespmem:$0x1AAC0] =	vst v63  }
0xac: {  	s30 =	simm.s32 $0x4120;
	s28 =	rddreg [dreg:$0x11]  }
0xad: {  	[tilespmem:s30], [sflag:$0x5] =	stream.linear.gather [hbm4b:s28+s3], $0x280, $0x38;
	[tilespmem:$0x1AAC0] =	vst v63  }
0xae: {  	s13 =	simm.s32 $0x43B8  }
0xaf: {  	[tilespmem:s13], [sflag:$0x5] =	stream.linear.gather [hbm4b:s28+s3], $0x280, $0x38;
	[tilespmem:$0x1AAC0] =	vst v63  }
0xb0: {  	s15 =	simm.s32 $0x4640;
	s14 =	rddreg [dreg:$0x12]  }
0xb1: {  	[tilespmem:s15], [sflag:$0x5] =	stream.linear.gather [hbm4b:s14+s3], $0x280, $0x38;
	[tilespmem:$0x1AAC0] =	vst v63  }
0xb2: {  	s1 =	simm.s32 $0x48D8  }
0xb3: {  	[tilespmem:s1], [sflag:$0x5] =	stream.linear.gather [hbm4b:s14+s3], $0x280, $0x38;
	[tilespmem:$0x1AAC0] =	vst v63  }
0xb4: {  	_ =	swait.ge [sflag:s29], $0xF00  }
0xb5: {  	[sflag:s29] =	ssyncset.done $0x0  }
0xb6: {  	[sflag:s29] =	ssyncadd.s32 $0xFFFFF100  }
0xb7: {  	v12 =	vld [tilespmem:$0x3E70];
	_ =	sdelay $0x4  }
0xb8: {  	[tilespmem:v2+s5+$0x0] =	vst.idx.msk vm0, v12  }
0xb9: {  	v12 =	vld [tilespmem:$0x4390];
	_ =	sdelay $0x4  }
0xba: {  	[tilespmem:v2+s30+$0x0] =	vst.idx.msk vm0, v12  }
0xbb: {  	v12 =	vld [tilespmem:$0x48B0];
	_ =	sdelay $0x4  }
0xbc: {  	[tilespmem:v2+s15+$0x0] =	vst.idx.msk vm0, v12  }
0xbd: {  	v12 =	vld [tilespmem:$0x3E98];
	_ =	sdelay $0x3  }
0xbe: {  	s24 =	simm.s32 $0x3E90  }
0xbf: {  	[tilespmem:v3+s24+$0x0] =	vst.idx.msk $0x1, v12  }
0xc0: {  	v12 =	vld [tilespmem:$0x43B8];
	_ =	sdelay $0x3  }
0xc1: {  	s28 =	simm.s32 $0x43B0  }
0xc2: {  	[tilespmem:v3+s28+$0x0] =	vst.idx.msk $0x1, v12  }
0xc3: {  	v12 =	vld [tilespmem:$0x48D8];
	_ =	sdelay $0x3  }
0xc4: {  	s30 =	simm.s32 $0x48D0  }
0xc5: {  	s3 =	simm.s32 $0x0;
	[tilespmem:v3+s30+$0x0] =	vst.idx.msk $0x1, v12  }
0xc6: {  	v12 =	vld [tilespmem:s3+$0x3C30]  }
0xc7: {  	v13 =	vld [tilespmem:s3+$0x3C00]  }
0xc8: {  	v14 =	vld [tilespmem:s3+$0x4151]  }
0xc9: {  	v15 =	vld [tilespmem:s3+$0x3C10]  }
0xca: {  	v16 =	vld [tilespmem:s3+$0x3C20]  }
0xcb: {  	v17 =	vld [tilespmem:s3+$0x3C01]  }
0xcc: {  	v18 =	vld [tilespmem:s3+$0x3E97]  }
0xcd: {  	v19 =	vld [tilespmem:s3+$0x4640];
	v12 =	vmul.f32 $2.560000000e+02, v12  }
0xce: {  	v20 =	vld [tilespmem:s3+$0x4120];
	v13 =	vmul.f32 $2.560000000e+02, v13  }
0xcf: {  	v21 =	vld [tilespmem:s3+$0x4641];
	v14 =	vadd.f32 v14, v12  }
0xd0: {  	v22 =	vld [tilespmem:s3+$0x48D7];
	v15 =	vmul.f32 $2.560000000e+02, v15;
	v17 =	vadd.f32 v17, v13  }
0xd1: {  	v23 =	vmul.f32 $2.560000000e+02, v16;
	v16 =	vadd.f32 v18, v13;
	v18 =	vld [tilespmem:s3+$0x43B7];
	v14 =	vtrunc.f32 v14  }
0xd2: {  	v24 =	vld [tilespmem:s3+$0x4121];
	v19 =	vadd.f32 v19, v13;
	v17 =	vtrunc.f32 v17;
	v14 =	vcvt.f32.s32 v14  }
0xd3: {  	v25 =	vld [tilespmem:s3+$0x3C11];
	v20 =	vadd.f32 v20, v13;
	v16 =	vtrunc.f32 v16;
	v17 =	vcvt.f32.s32 v17  }
0xd4: {  	[tilespmem:s3+$0x11B0] =	vst v14;
	v14 =	vcvt.f32.s32 v16;
	v16 =	vtrunc.f32 v19;
	v19 =	vadd.f32 v21, v13;
	v21 =	vld [tilespmem:s3+$0x3EA7]  }
0xd5: {  	[tilespmem:s3+$0x0] =	vst v17;
	v17 =	vtrunc.f32 v20;
	v20 =	vadd.f32 v22, v13;
	v22 =	vld [tilespmem:s3+$0x4650];
	v16 =	vcvt.f32.s32 v16  }
0xd6: {  	v18 =	vadd.f32 v18, v13;
	[tilespmem:s3+$0x280] =	vst v14;
	v14 =	vcvt.f32.s32 v17;
	v17 =	vtrunc.f32 v19;
	v19 =	vld [tilespmem:s3+$0x4130]  }
0xd7: {  	v13 =	vadd.f32 v24, v13;
	[tilespmem:s3+$0x500] =	vst v16;
	v16 =	vcvt.f32.s32 v17;
	v17 =	vtrunc.f32 v20;
	v20 =	vld [tilespmem:s3+$0x4651]  }
0xd8: {  	v60 =	vld [tilespmem:s3+$0x48E7];
	[tilespmem:s3+$0x780] =	vst v14;
	v14 =	vcvt.f32.s32 v17;
	v17 =	vtrunc.f32 v18;
	v18 =	vadd.f32 v25, v15  }
0xd9: {  	v13 =	vtrunc.f32 v13;
	[tilespmem:s3+$0xA00] =	vst v16;
	v16 =	vcvt.f32.s32 v17;
	v17 =	vadd.f32 v21, v15;
	v21 =	vld [tilespmem:s3+$0x43C7]  }
0xda: {  	v13 =	vcvt.f32.s32 v13;
	[tilespmem:s3+$0xC80] =	vst v14;
	v14 =	vtrunc.f32 v18;
	v18 =	vadd.f32 v22, v15;
	v22 =	vld [tilespmem:s3+$0x4131]  }
0xdb: {  	[tilespmem:s3+$0xF00] =	vst v16;
	v14 =	vcvt.f32.s32 v14;
	v16 =	vtrunc.f32 v17;
	v17 =	vadd.f32 v19, v15;
	v19 =	vld [tilespmem:s3+$0x3C21]  }
0xdc: {  	[tilespmem:s3+$0x1180] =	vst v13;
	v13 =	vcvt.f32.s32 v16;
	v16 =	vtrunc.f32 v18;
	v18 =	vadd.f32 v20, v15;
	v20 =	vld [tilespmem:s3+$0x3EB7]  }
0xdd: {  	v61 =	vld [tilespmem:s3+$0x4660];
	[tilespmem:s3+$0x10] =	vst v14;
	v14 =	vcvt.f32.s32 v16;
	v16 =	vtrunc.f32 v17;
	v17 =	vadd.f32 v60, v15  }
0xde: {  	[tilespmem:s3+$0x290] =	vst v13;
	v13 =	vcvt.f32.s32 v16;
	v16 =	vtrunc.f32 v18;
	v18 =	vadd.f32 v21, v15;
	v21 =	vld [tilespmem:s3+$0x4140]  }
0xdf: {  	[tilespmem:s3+$0x510] =	vst v14;
	v14 =	vcvt.f32.s32 v16;
	v16 =	vtrunc.f32 v17;
	v15 =	vadd.f32 v22, v15;
	v17 =	vld [tilespmem:s3+$0x4661]  }
0xe0: {  	[tilespmem:s3+$0x790] =	vst v13;
	v13 =	vcvt.f32.s32 v16;
	v16 =	vtrunc.f32 v18;
	v18 =	vadd.f32 v19, v23;
	v19 =	vld [tilespmem:s3+$0x48F7]  }
0xe1: {  	[tilespmem:s3+$0xA10] =	vst v14;
	v14 =	vcvt.f32.s32 v16;
	v15 =	vtrunc.f32 v15;
	v16 =	vadd.f32 v20, v23;
	v20 =	vld [tilespmem:s3+$0x43D7]  }
0xe2: {  	v22 =	vld [tilespmem:s3+$0x4141];
	[tilespmem:s3+$0xC90] =	vst v13;
	v13 =	vcvt.f32.s32 v15;
	v15 =	vtrunc.f32 v18;
	v18 =	vadd.f32 v61, v23  }
0xe3: {  	v62 =	vld [tilespmem:s3+$0x3C31];
	[tilespmem:s3+$0xF10] =	vst v14;
	v14 =	vcvt.f32.s32 v15;
	v15 =	vtrunc.f32 v16;
	v21 =	vadd.f32 v21, v23  }
0xe4: {  	v16 =	vld [tilespmem:s3+$0x3EC7];
	[tilespmem:s3+$0x1190] =	vst v13;
	v13 =	vcvt.f32.s32 v15;
	v15 =	vtrunc.f32 v18;
	v17 =	vadd.f32 v17, v23  }
0xe5: {  	[tilespmem:s3+$0x20] =	vst v14;
	v18 =	vcvt.f32.s32 v15;
	v15 =	vtrunc.f32 v21;
	v19 =	vadd.f32 v19, v23;
	v14 =	vld [tilespmem:s3+$0x4670]  }
0xe6: {  	[tilespmem:s3+$0x2A0] =	vst v13;
	v63 =	vcvt.f32.s32 v15;
	v13 =	vtrunc.f32 v17;
	v17 =	vadd.f32 v20, v23;
	v15 =	vld [tilespmem:s3+$0x4150]  }
0xe7: {  	v21 =	vadd.f32 v22, v23;
	[tilespmem:s3+$0x520] =	vst v18;
	v20 =	vcvt.f32.s32 v13;
	v18 =	vtrunc.f32 v19;
	v13 =	vld [tilespmem:s3+$0x4671]  }
0xe8: {  	s4 =	simm.s32 $0x0;
	s1 =	simm.s32 $0x4640;
	s5 =	simm.s32 $0x100;
	v19 =	vadd.f32 v62, v12;
	[tilespmem:s3+$0x7A0] =	vst v63;
	v18 =	vcvt.f32.s32 v18;
	v22 =	vtrunc.f32 v17;
	v17 =	vld [tilespmem:s3+$0x4907]  }
.LBB3_4:
0xe9: {  	s7 =	sshra.s32 s5, $0x2;
	s4 =	sadd.s32 $0x4, s4;
	[tilespmem:s3+$0xA20] =	vst v20;
	v20 =	vcvt.f32.s32 v22;
	v21 =	vtrunc.f32 v21;
	v16 =	vadd.f32 v16, v12;
	v22 =	vld [tilespmem:s3+$0x43E7]  }
0xea: {  	v23 =	vld [tilespmem:s7+$0x3C30];
	p1 =	slt.u32 s4, $0x24;
	[tilespmem:s3+$0xCA0] =	vst v18;
	v18 =	vcvt.f32.s32 v21;
	v19 =	vtrunc.f32 v19;
	v14 =	vadd.f32 v14, v12  }
0xeb: {  	v21 =	vld [tilespmem:s7+$0x3C00];
	[tilespmem:s3+$0xF20] =	vst v20;
	v19 =	vcvt.f32.s32 v19;
	v16 =	vtrunc.f32 v16;
	v15 =	vadd.f32 v15, v12  }
0xec: {  	v20 =	vld [tilespmem:s7+$0x4151];
	[tilespmem:s3+$0x11A0] =	vst v18;
	v16 =	vcvt.f32.s32 v16;
	v14 =	vtrunc.f32 v14;
	v13 =	vadd.f32 v13, v12  }
0xed: {  	v18 =	vld [tilespmem:s7+$0x3C10];
	[tilespmem:s3+$0x30] =	vst v19;
	v14 =	vcvt.f32.s32 v14;
	v15 =	vtrunc.f32 v15;
	v17 =	vadd.f32 v17, v12  }
0xee: {  	v19 =	vld [tilespmem:s7+$0x3C20];
	[tilespmem:s3+$0x2B0] =	vst v16;
	v15 =	vcvt.f32.s32 v15;
	v13 =	vtrunc.f32 v13;
	v16 =	vadd.f32 v22, v12  }
0xef: {  	v22 =	vld [tilespmem:s7+$0x3C01];
	v12 =	vmul.f32 $2.560000000e+02, v23;
	[tilespmem:s3+$0x530] =	vst v14;
	v14 =	vtrunc.f32 v17  }
0xf0: {  	v17 =	vmul.f32 $2.560000000e+02, v21;
	v21 =	vld [tilespmem:s7+$0x3E97];
	[tilespmem:s3+$0x7B0] =	vst v15;
	v15 =	vtrunc.f32 v16  }
0xf1: {  	v23 =	vcvt.f32.s32 v13;
	v14 =	vcvt.f32.s32 v14;
	v16 =	vld [tilespmem:s7+$0x4640];
	v20 =	vadd.f32 v20, v12  }
0xf2: {  	v15 =	vcvt.f32.s32 v15;
	v24 =	vld [tilespmem:s7+$0x4120];
	v18 =	vmul.f32 $2.560000000e+02, v18  }
0xf3: {  	v25 =	vld [tilespmem:s7+$0x4641];
	v13 =	vmul.f32 $2.560000000e+02, v19;
	v19 =	vtrunc.f32 v20;
	[tilespmem:s3+$0xA30] =	vst v23  }
0xf4: {  	v20 =	vadd.f32 v22, v17;
	v22 =	vld [tilespmem:s7+$0x48D7];
	v19 =	vcvt.f32.s32 v19;
	[tilespmem:s3+$0xCB0] =	vst v14  }
0xf5: {  	v14 =	vadd.f32 v21, v17;
	v21 =	vld [tilespmem:s7+$0x43B7];
	[tilespmem:s3+$0xF30] =	vst v15;
	s3 =	smov.u32 s7  }
0xf6: {  	v15 =	vtrunc.f32 v20;
	v16 =	vadd.f32 v16, v17;
	v20 =	vld [tilespmem:s3+$0x4121];
	[tilespmem:s3+$0x11B0] =	vst v19  }
0xf7: {  	v15 =	vcvt.f32.s32 v15;
	v14 =	vtrunc.f32 v14;
	v19 =	vadd.f32 v24, v17;
	v23 =	vld [tilespmem:s3+$0x3C11]  }
0xf8: {  	v14 =	vcvt.f32.s32 v14;
	v16 =	vtrunc.f32 v16;
	v24 =	vadd.f32 v25, v17;
	v25 =	vld [tilespmem:s3+$0x3EA7]  }
0xf9: {  	[tilespmem:s3+$0x0] =	vst v15;
	v15 =	vcvt.f32.s32 v16;
	v16 =	vtrunc.f32 v19;
	v19 =	vadd.f32 v22, v17;
	v22 =	vld [tilespmem:s3+$0x4650]  }
0xfa: {  	[tilespmem:s3+$0x280] =	vst v14;
	v14 =	vcvt.f32.s32 v16;
	v16 =	vtrunc.f32 v24;
	v21 =	vadd.f32 v21, v17;
	v24 =	vld [tilespmem:s3+$0x4130]  }
0xfb: {  	[tilespmem:s3+$0x500] =	vst v15;
	v15 =	vcvt.f32.s32 v16;
	v16 =	vtrunc.f32 v19;
	v17 =	vadd.f32 v20, v17;
	v19 =	vld [tilespmem:s3+$0x4651]  }
0xfc: {  	[tilespmem:s3+$0x780] =	vst v14;
	v14 =	vcvt.f32.s32 v16;
	v16 =	vtrunc.f32 v21;
	v20 =	vadd.f32 v23, v18;
	v21 =	vld [tilespmem:s3+$0x48E7]  }
0xfd: {  	[tilespmem:s3+$0xA00] =	vst v15;
	v15 =	vcvt.f32.s32 v16;
	v16 =	vtrunc.f32 v17;
	v17 =	vadd.f32 v25, v18;
	v23 =	vld [tilespmem:s3+$0x43C7]  }
0xfe: {  	[tilespmem:s3+$0xC80] =	vst v14;
	v14 =	vcvt.f32.s32 v16;
	v16 =	vtrunc.f32 v20;
	v20 =	vadd.f32 v22, v18;
	v22 =	vld [tilespmem:s3+$0x4131]  }
0xff: {  	[tilespmem:s3+$0xF00] =	vst v15;
	v15 =	vcvt.f32.s32 v16;
	v16 =	vtrunc.f32 v17;
	v17 =	vadd.f32 v24, v18;
	v24 =	vld [tilespmem:s3+$0x3C21]  }
0x100: {  	[tilespmem:s3+$0x1180] =	vst v14;
	v14 =	vcvt.f32.s32 v16;
	v16 =	vtrunc.f32 v20;
	v19 =	vadd.f32 v19, v18;
	v20 =	vld [tilespmem:s3+$0x3EB7]  }
0x101: {  	[tilespmem:s3+$0x10] =	vst v15;
	v15 =	vcvt.f32.s32 v16;
	v16 =	vtrunc.f32 v17;
	v17 =	vadd.f32 v21, v18;
	v21 =	vld [tilespmem:s3+$0x4660]  }
0x102: {  	[tilespmem:s3+$0x290] =	vst v14;
	v14 =	vcvt.f32.s32 v16;
	v16 =	vtrunc.f32 v19;
	v19 =	vadd.f32 v23, v18;
	v23 =	vld [tilespmem:s3+$0x4140]  }
0x103: {  	[tilespmem:s3+$0x510] =	vst v15;
	v15 =	vcvt.f32.s32 v16;
	v16 =	vtrunc.f32 v17;
	v17 =	vadd.f32 v22, v18;
	v18 =	vld [tilespmem:s3+$0x4661]  }
0x104: {  	[tilespmem:s3+$0x790] =	vst v14;
	v14 =	vcvt.f32.s32 v16;
	v16 =	vtrunc.f32 v19;
	v19 =	vadd.f32 v24, v13;
	v22 =	vld [tilespmem:s3+$0x48F7]  }
0x105: {  	[tilespmem:s3+$0xA10] =	vst v15;
	v15 =	vcvt.f32.s32 v16;
	v16 =	vtrunc.f32 v17;
	v17 =	vadd.f32 v20, v13;
	v20 =	vld [tilespmem:s3+$0x43D7]  }
0x106: {  	[tilespmem:s3+$0xC90] =	vst v14;
	v14 =	vcvt.f32.s32 v16;
	v16 =	vtrunc.f32 v19;
	v19 =	vadd.f32 v21, v13;
	v21 =	vld [tilespmem:s3+$0x4141]  }
0x107: {  	[tilespmem:s3+$0xF10] =	vst v15;
	v15 =	vcvt.f32.s32 v16;
	v16 =	vtrunc.f32 v17;
	v17 =	vadd.f32 v23, v13;
	v23 =	vld [tilespmem:s3+$0x3C31]  }
.Ltmp1:
0x108: {  	[tilespmem:s3+$0x1190] =	vst v14;
	v24 =	vcvt.f32.s32 v16;
	v14 =	vtrunc.f32 v19;
	v18 =	vadd.f32 v18, v13;
	v16 =	vld [tilespmem:s3+$0x3EC7];
	(pc) =	sbr.rel @p1 .LBB3_4-.Ltmp1, $4  }
0x109: {  	[tilespmem:s3+$0x20] =	vst v15;
	v19 =	vcvt.f32.s32 v14;
	v15 =	vtrunc.f32 v17;
	v17 =	vadd.f32 v22, v13;
	v14 =	vld [tilespmem:s3+$0x4670]  }
0x10a: {  	[tilespmem:s3+$0x2A0] =	vst v24;
	v22 =	vcvt.f32.s32 v15;
	v18 =	vtrunc.f32 v18;
	v24 =	vadd.f32 v20, v13;
	v15 =	vld [tilespmem:s3+$0x4150]  }
0x10b: {  	[tilespmem:s3+$0x520] =	vst v19;
	v20 =	vcvt.f32.s32 v18;
	v17 =	vtrunc.f32 v17;
	v21 =	vadd.f32 v21, v13;
	v13 =	vld [tilespmem:s3+$0x4671]  }
0x10c: {  	s5 =	sadd.s32 $0x100, s5;
	[tilespmem:s3+$0x7A0] =	vst v22;
	v18 =	vcvt.f32.s32 v17;
	v22 =	vtrunc.f32 v24;
	v19 =	vadd.f32 v23, v12;
	v17 =	vld [tilespmem:s3+$0x4907]  }
0x10d: {  	[tilespmem:s3+$0xA20] =	vst v20;
	v59 =	vcvt.f32.s32 v22;
	v21 =	vtrunc.f32 v21;
	v16 =	vadd.f32 v16, v12;
	v60 =	vld [tilespmem:s3+$0x43E7]  }
0x10e: {  	[tilespmem:s3+$0xCA0] =	vst v18;
	v61 =	vcvt.f32.s32 v21;
	v19 =	vtrunc.f32 v19;
	v14 =	vadd.f32 v14, v12  }
0x10f: {  	[tilespmem:s3+$0xF20] =	vst v59;
	v19 =	vcvt.f32.s32 v19;
	v16 =	vtrunc.f32 v16;
	v15 =	vadd.f32 v15, v12  }
0x110: {  	[tilespmem:s3+$0x11A0] =	vst v61;
	v16 =	vcvt.f32.s32 v16;
	v14 =	vtrunc.f32 v14;
	v13 =	vadd.f32 v13, v12  }
0x111: {  	[tilespmem:s3+$0x30] =	vst v19;
	v14 =	vcvt.f32.s32 v14;
	v15 =	vtrunc.f32 v15;
	v17 =	vadd.f32 v17, v12  }
0x112: {  	[tilespmem:s3+$0x2B0] =	vst v16;
	v15 =	vcvt.f32.s32 v15;
	v13 =	vtrunc.f32 v13;
	v62 =	vadd.f32 v60, v12  }
0x113: {  	[tilespmem:s3+$0x530] =	vst v14;
	v63 =	vtrunc.f32 v17;
	v13 =	vcvt.f32.s32 v13  }
0x114: {  	[tilespmem:s3+$0x7B0] =	vst v15;
	v12 =	vtrunc.f32 v62;
	v14 =	vcvt.f32.s32 v63  }
0x115: {  	v12 =	vcvt.f32.s32 v12;
	[tilespmem:s3+$0xA30] =	vst v13  }
0x116: {  	[tilespmem:s3+$0xCB0] =	vst v14  }
0x117: {  	s13 =	simm.s32 $0x0;
	s24 =	rddreg [dreg:$0x3];
	s4 =	simm.s32 $0x5AC0;
	[tilespmem:s3+$0xF30] =	vst v12  }
0x118: {  	[tilespmem:s4], [sflag:$0x1] =	stream.indirect.gather [spmem:s24], $0x1, s13, s25, $0xb8;
	[tilespmem:$0x1AAC0] =	vst v63  }
0x119: {  	s28 =	rddreg [dreg:$0x4];
	s30 =	simm.s32 $0x5D40  }
0x11a: {  	[tilespmem:s30], [sflag:$0x1] =	stream.indirect.gather [spmem:s28], $0x1, s13, s25, $0xb8;
	[tilespmem:$0x1AAC0] =	vst v63  }
0x11b: {  	s5 =	simm.s32 $0x5FC0;
	s4 =	rddreg [dreg:$0x5]  }
0x11c: {  	[tilespmem:s5], [sflag:$0x1] =	stream.indirect.gather [spmem:s4], $0x1, s25, s25, $0xb8;
	[tilespmem:$0x1AAC0] =	vst v63  }
0x11d: {  	s7 =	rddreg [dreg:$0x6];
	s14 =	simm.s32 $0x6240  }
0x11e: {  	[tilespmem:s14], [sflag:$0x1] =	stream.indirect.gather [spmem:s7], $0x1, s25, s25, $0xb8;
	[tilespmem:$0x1AAC0] =	vst v63  }
0x11f: {  	s15 =	rddreg [dreg:$0x7];
	s24 =	simm.s32 $0x500;
	s5 =	simm.s32 $0x64C0  }
0x120: {  	[tilespmem:s5], [sflag:$0x1] =	stream.indirect.gather [spmem:s15], $0x1, s24, s25, $0xb8;
	[tilespmem:$0x1AAC0] =	vst v63  }
0x121: {  	s28 =	rddreg [dreg:$0x8];
	s30 =	simm.s32 $0x6740  }
0x122: {  	[tilespmem:s30], [sflag:$0x1] =	stream.indirect.gather [spmem:s28], $0x1, s24, s25, $0xb8;
	[tilespmem:$0x1AAC0] =	vst v63  }
0x123: {  	s7 =	simm.s32 $0x780;
	s14 =	simm.s32 $0x69C0;
	s5 =	rddreg [dreg:$0x9]  }
0x124: {  	[tilespmem:s14], [sflag:$0x1] =	stream.indirect.gather [spmem:s5], $0x1, s7, s25, $0xb8;
	[tilespmem:$0x1AAC0] =	vst v63  }
0x125: {  	s15 =	rddreg [dreg:$0xa];
	s24 =	simm.s32 $0x6C40  }
0x126: {  	[tilespmem:s24], [sflag:$0x1] =	stream.indirect.gather [spmem:s15], $0x1, s7, s25, $0xb8;
	[tilespmem:$0x1AAC0] =	vst v63  }
0x127: {  	s28 =	rddreg [dreg:$0xb];
	s30 =	simm.s32 $0xA00;
	s7 =	simm.s32 $0x6EC0  }
0x128: {  	[tilespmem:s7], [sflag:$0x1] =	stream.indirect.gather [spmem:s28], $0x1, s30, s25, $0xb8;
	[tilespmem:$0x1AAC0] =	vst v63  }
0x129: {  	s14 =	rddreg [dreg:$0xc];
	s15 =	simm.s32 $0x7140  }
0x12a: {  	[tilespmem:s15], [sflag:$0x1] =	stream.indirect.gather [spmem:s14], $0x1, s30, s25, $0xb8;
	[tilespmem:$0x1AAC0] =	vst v63  }
0x12b: {  	s24 =	rddreg [dreg:$0xd];
	s28 =	simm.s32 $0xC80;
	s30 =	simm.s32 $0x73C0  }
0x12c: {  	[tilespmem:s30], [sflag:$0x1] =	stream.indirect.gather [spmem:s24], $0x1, s28, s25, $0xb8;
	[tilespmem:$0x1AAC0] =	vst v63  }
0x12d: {  	s5 =	simm.s32 $0x7640  }
0x12e: {  	[tilespmem:s5], [sflag:$0x1] =	stream.indirect.gather [spmem:s17], $0x1, s28, s25, $0xb8;
	[tilespmem:$0x1AAC0] =	vst v63  }
0x12f: {  	s7 =	simm.s32 $0x78C0  }
0x130: {  	[tilespmem:s7], [sflag:$0x1] =	stream.indirect.gather [spmem:s18], $0x1, s2, s25, $0xb8;
	[tilespmem:$0x1AAC0] =	vst v63  }
0x131: {  	s14 =	simm.s32 $0x7B40  }
0x132: {  	[tilespmem:s14], [sflag:$0x1] =	stream.indirect.gather [spmem:s19], $0x1, s2, s25, $0xb8;
	[tilespmem:$0x1AAC0] =	vst v63  }
0x133: {  	s15 =	simm.s32 $0x7DC0  }
0x134: {  	[tilespmem:s15], [sflag:$0x1] =	stream.indirect.gather [spmem:s20], $0x1, s8, s25, $0xb8;
	[tilespmem:$0x1AAC0] =	vst v63  }
0x135: {  	s24 =	simm.s32 $0x8040  }
0x136: {  	[tilespmem:s24], [sflag:$0x1] =	stream.indirect.gather [spmem:s22], $0x1, s8, s25, $0xb8;
	[tilespmem:$0x1AAC0] =	vst v63  }
0x137: {  	s30 =	simm.s32 $0x4B60;
	s28 =	rddreg [dreg:$0x13]  }
0x138: {  	[tilespmem:s30], [sflag:$0x6] =	stream.linear.gather [hbm4b:s28+s13], $0x280, $0x38;
	[tilespmem:$0x1AAC0] =	vst v63  }
0x139: {  	s5 =	simm.s32 $0x4DF8  }
0x13a: {  	[tilespmem:s5], [sflag:$0x6] =	stream.linear.gather [hbm4b:s28+s13], $0x280, $0x38;
	[tilespmem:$0x1AAC0] =	vst v63  }
0x13b: {  	s7 =	rddreg [dreg:$0x14];
	s14 =	simm.s32 $0x5080  }
0x13c: {  	[tilespmem:s14], [sflag:$0x6] =	stream.linear.gather [hbm4b:s7+s13], $0x280, $0x38;
	[tilespmem:$0x1AAC0] =	vst v63  }
0x13d: {  	s15 =	simm.s32 $0x5318  }
0x13e: {  	[tilespmem:s15], [sflag:$0x6] =	stream.linear.gather [hbm4b:s7+s13], $0x280, $0x38;
	[tilespmem:$0x1AAC0] =	vst v63  }
0x13f: {  	s24 =	rddreg [dreg:$0x15];
	s28 =	simm.s32 $0x55A0  }
0x140: {  	[tilespmem:s28], [sflag:$0x6] =	stream.linear.gather [hbm4b:s24+s13], $0x280, $0x38;
	[tilespmem:$0x1AAC0] =	vst v63  }
0x141: {  	s30 =	simm.s32 $0x5838  }
0x142: {  	[tilespmem:s30], [sflag:$0x6] =	stream.linear.gather [hbm4b:s24+s13], $0x280, $0x38;
	[tilespmem:$0x1AAC0] =	vst v63  }
.LBB3_6:
0x143: {  	_ =	swait.ge [sflag:s6], $0xF00  }
0x144: {  	[sflag:s6] =	ssyncset.done $0x0  }
0x145: {  	[sflag:s6] =	ssyncadd.s32 $0xFFFFF100  }
0x146: {  	v12 =	vld [tilespmem:$0x4DD0];
	_ =	sdelay $0x3  }
0x147: {  	s3 =	simm.s32 $0x4B60  }
0x148: {  	[tilespmem:v2+s3+$0x0] =	vst.idx.msk vm0, v12  }
0x149: {  	v12 =	vld [tilespmem:$0x52F0];
	_ =	sdelay $0x3  }
0x14a: {  	s14 =	simm.s32 $0x5080  }
0x14b: {  	[tilespmem:v2+s14+$0x0] =	vst.idx.msk vm0, v12  }
0x14c: {  	v12 =	vld [tilespmem:$0x5810];
	_ =	sdelay $0x3  }
0x14d: {  	s15 =	simm.s32 $0x55A0  }
0x14e: {  	[tilespmem:v2+s15+$0x0] =	vst.idx.msk vm0, v12  }
0x14f: {  	v12 =	vld [tilespmem:$0x4DF8];
	_ =	sdelay $0x3  }
0x150: {  	s24 =	simm.s32 $0x4DF0  }
0x151: {  	[tilespmem:v3+s24+$0x0] =	vst.idx.msk $0x1, v12  }
0x152: {  	v12 =	vld [tilespmem:$0x5318];
	_ =	sdelay $0x3  }
0x153: {  	s28 =	simm.s32 $0x5310  }
0x154: {  	[tilespmem:v3+s28+$0x0] =	vst.idx.msk $0x1, v12  }
0x155: {  	v12 =	vld [tilespmem:$0x5838];
	_ =	sdelay $0x3  }
0x156: {  	s30 =	simm.s32 $0x5830  }
0x157: {  	s3 =	simm.s32 $0x0;
	[tilespmem:v3+s30+$0x0] =	vst.idx.msk $0x1, v12  }
0x158: {  	v12 =	vld [tilespmem:s3+$0x4B90]  }
0x159: {  	v13 =	vld [tilespmem:s3+$0x4B60]  }
0x15a: {  	v14 =	vld [tilespmem:s3+$0x50B1]  }
0x15b: {  	v15 =	vld [tilespmem:s3+$0x4B70]  }
0x15c: {  	v16 =	vld [tilespmem:s3+$0x4B80]  }
0x15d: {  	v17 =	vld [tilespmem:s3+$0x4B61]  }
0x15e: {  	v18 =	vld [tilespmem:s3+$0x4DF7]  }
0x15f: {  	v19 =	vld [tilespmem:s3+$0x55A0];
	v12 =	vmul.f32 $2.560000000e+02, v12  }
0x160: {  	v20 =	vld [tilespmem:s3+$0x5080];
	v13 =	vmul.f32 $2.560000000e+02, v13  }
0x161: {  	v21 =	vld [tilespmem:s3+$0x55A1];
	v14 =	vadd.f32 v14, v12  }
0x162: {  	v22 =	vld [tilespmem:s3+$0x5837];
	v15 =	vmul.f32 $2.560000000e+02, v15;
	v17 =	vadd.f32 v17, v13  }
0x163: {  	v23 =	vmul.f32 $2.560000000e+02, v16;
	v16 =	vadd.f32 v18, v13;
	v18 =	vld [tilespmem:s3+$0x5317];
	v14 =	vtrunc.f32 v14  }
0x164: {  	v24 =	vld [tilespmem:s3+$0x5081];
	v19 =	vadd.f32 v19, v13;
	v17 =	vtrunc.f32 v17;
	v14 =	vcvt.f32.s32 v14  }
0x165: {  	v25 =	vld [tilespmem:s3+$0x4B71];
	v20 =	vadd.f32 v20, v13;
	v16 =	vtrunc.f32 v16;
	v17 =	vcvt.f32.s32 v17  }
0x166: {  	[tilespmem:s3+$0x25B0] =	vst v14;
	v14 =	vcvt.f32.s32 v16;
	v16 =	vtrunc.f32 v19;
	v19 =	vadd.f32 v21, v13;
	v21 =	vld [tilespmem:s3+$0x4E07]  }
0x167: {  	[tilespmem:s3+$0x1400] =	vst v17;
	v17 =	vtrunc.f32 v20;
	v20 =	vadd.f32 v22, v13;
	v22 =	vld [tilespmem:s3+$0x55B0];
	v16 =	vcvt.f32.s32 v16  }
0x168: {  	v18 =	vadd.f32 v18, v13;
	[tilespmem:s3+$0x1680] =	vst v14;
	v14 =	vcvt.f32.s32 v17;
	v17 =	vtrunc.f32 v19;
	v19 =	vld [tilespmem:s3+$0x5090]  }
0x169: {  	v13 =	vadd.f32 v24, v13;
	[tilespmem:s3+$0x1900] =	vst v16;
	v16 =	vcvt.f32.s32 v17;
	v17 =	vtrunc.f32 v20;
	v20 =	vld [tilespmem:s3+$0x55B1]  }
0x16a: {  	v60 =	vld [tilespmem:s3+$0x5847];
	[tilespmem:s3+$0x1B80] =	vst v14;
	v14 =	vcvt.f32.s32 v17;
	v17 =	vtrunc.f32 v18;
	v18 =	vadd.f32 v25, v15  }
0x16b: {  	v13 =	vtrunc.f32 v13;
	[tilespmem:s3+$0x1E00] =	vst v16;
	v16 =	vcvt.f32.s32 v17;
	v17 =	vadd.f32 v21, v15;
	v21 =	vld [tilespmem:s3+$0x5327]  }
0x16c: {  	v13 =	vcvt.f32.s32 v13;
	[tilespmem:s3+$0x2080] =	vst v14;
	v14 =	vtrunc.f32 v18;
	v18 =	vadd.f32 v22, v15;
	v22 =	vld [tilespmem:s3+$0x5091]  }
0x16d: {  	[tilespmem:s3+$0x2300] =	vst v16;
	v14 =	vcvt.f32.s32 v14;
	v16 =	vtrunc.f32 v17;
	v17 =	vadd.f32 v19, v15;
	v19 =	vld [tilespmem:s3+$0x4B81]  }
0x16e: {  	[tilespmem:s3+$0x2580] =	vst v13;
	v13 =	vcvt.f32.s32 v16;
	v16 =	vtrunc.f32 v18;
	v18 =	vadd.f32 v20, v15;
	v20 =	vld [tilespmem:s3+$0x4E17]  }
0x16f: {  	v61 =	vld [tilespmem:s3+$0x55C0];
	[tilespmem:s3+$0x1410] =	vst v14;
	v14 =	vcvt.f32.s32 v16;
	v16 =	vtrunc.f32 v17;
	v17 =	vadd.f32 v60, v15  }
0x170: {  	[tilespmem:s3+$0x1690] =	vst v13;
	v13 =	vcvt.f32.s32 v16;
	v16 =	vtrunc.f32 v18;
	v18 =	vadd.f32 v21, v15;
	v21 =	vld [tilespmem:s3+$0x50A0]  }
0x171: {  	[tilespmem:s3+$0x1910] =	vst v14;
	v14 =	vcvt.f32.s32 v16;
	v16 =	vtrunc.f32 v17;
	v15 =	vadd.f32 v22, v15;
	v17 =	vld [tilespmem:s3+$0x55C1]  }
0x172: {  	[tilespmem:s3+$0x1B90] =	vst v13;
	v13 =	vcvt.f32.s32 v16;
	v16 =	vtrunc.f32 v18;
	v18 =	vadd.f32 v19, v23;
	v19 =	vld [tilespmem:s3+$0x5857]  }
0x173: {  	[tilespmem:s3+$0x1E10] =	vst v14;
	v14 =	vcvt.f32.s32 v16;
	v15 =	vtrunc.f32 v15;
	v16 =	vadd.f32 v20, v23;
	v20 =	vld [tilespmem:s3+$0x5337]  }
0x174: {  	v22 =	vld [tilespmem:s3+$0x50A1];
	[tilespmem:s3+$0x2090] =	vst v13;
	v13 =	vcvt.f32.s32 v15;
	v15 =	vtrunc.f32 v18;
	v18 =	vadd.f32 v61, v23  }
0x175: {  	v62 =	vld [tilespmem:s3+$0x4B91];
	[tilespmem:s3+$0x2310] =	vst v14;
	v14 =	vcvt.f32.s32 v15;
	v15 =	vtrunc.f32 v16;
	v21 =	vadd.f32 v21, v23  }
0x176: {  	v16 =	vld [tilespmem:s3+$0x4E27];
	[tilespmem:s3+$0x2590] =	vst v13;
	v13 =	vcvt.f32.s32 v15;
	v15 =	vtrunc.f32 v18;
	v17 =	vadd.f32 v17, v23  }
0x177: {  	[tilespmem:s3+$0x1420] =	vst v14;
	v18 =	vcvt.f32.s32 v15;
	v15 =	vtrunc.f32 v21;
	v19 =	vadd.f32 v19, v23;
	v14 =	vld [tilespmem:s3+$0x55D0]  }
0x178: {  	[tilespmem:s3+$0x16A0] =	vst v13;
	v63 =	vcvt.f32.s32 v15;
	v13 =	vtrunc.f32 v17;
	v17 =	vadd.f32 v20, v23;
	v15 =	vld [tilespmem:s3+$0x50B0]  }
0x179: {  	v21 =	vadd.f32 v22, v23;
	[tilespmem:s3+$0x1920] =	vst v18;
	v20 =	vcvt.f32.s32 v13;
	v18 =	vtrunc.f32 v19;
	v13 =	vld [tilespmem:s3+$0x55D1]  }
0x17a: {  	s4 =	simm.s32 $0x0;
	s5 =	simm.s32 $0x100;
	v19 =	vadd.f32 v62, v12;
	[tilespmem:s3+$0x1BA0] =	vst v63;
	v18 =	vcvt.f32.s32 v18;
	v22 =	vtrunc.f32 v17;
	v17 =	vld [tilespmem:s3+$0x5867]  }
.LBB3_7:
0x17b: {  	s7 =	sshra.s32 s5, $0x2;
	s4 =	sadd.s32 $0x4, s4;
	[tilespmem:s3+$0x1E20] =	vst v20;
	v20 =	vcvt.f32.s32 v22;
	v21 =	vtrunc.f32 v21;
	v16 =	vadd.f32 v16, v12;
	v22 =	vld [tilespmem:s3+$0x5347]  }
0x17c: {  	v23 =	vld [tilespmem:s7+$0x4B90];
	p1 =	slt.u32 s4, $0x24;
	[tilespmem:s3+$0x20A0] =	vst v18;
	v18 =	vcvt.f32.s32 v21;
	v19 =	vtrunc.f32 v19;
	v14 =	vadd.f32 v14, v12  }
0x17d: {  	v21 =	vld [tilespmem:s7+$0x4B60];
	[tilespmem:s3+$0x2320] =	vst v20;
	v19 =	vcvt.f32.s32 v19;
	v16 =	vtrunc.f32 v16;
	v15 =	vadd.f32 v15, v12  }
0x17e: {  	v20 =	vld [tilespmem:s7+$0x50B1];
	[tilespmem:s3+$0x25A0] =	vst v18;
	v16 =	vcvt.f32.s32 v16;
	v14 =	vtrunc.f32 v14;
	v13 =	vadd.f32 v13, v12  }
0x17f: {  	v18 =	vld [tilespmem:s7+$0x4B70];
	[tilespmem:s3+$0x1430] =	vst v19;
	v14 =	vcvt.f32.s32 v14;
	v15 =	vtrunc.f32 v15;
	v17 =	vadd.f32 v17, v12  }
0x180: {  	v19 =	vld [tilespmem:s7+$0x4B80];
	[tilespmem:s3+$0x16B0] =	vst v16;
	v15 =	vcvt.f32.s32 v15;
	v13 =	vtrunc.f32 v13;
	v16 =	vadd.f32 v22, v12  }
0x181: {  	v22 =	vld [tilespmem:s7+$0x4B61];
	v12 =	vmul.f32 $2.560000000e+02, v23;
	[tilespmem:s3+$0x1930] =	vst v14;
	v14 =	vtrunc.f32 v17  }
0x182: {  	v17 =	vmul.f32 $2.560000000e+02, v21;
	v21 =	vld [tilespmem:s7+$0x4DF7];
	[tilespmem:s3+$0x1BB0] =	vst v15;
	v15 =	vtrunc.f32 v16  }
0x183: {  	v23 =	vcvt.f32.s32 v13;
	v14 =	vcvt.f32.s32 v14;
	v16 =	vld [tilespmem:s7+$0x55A0];
	v20 =	vadd.f32 v20, v12  }
0x184: {  	v15 =	vcvt.f32.s32 v15;
	v24 =	vld [tilespmem:s7+$0x5080];
	v18 =	vmul.f32 $2.560000000e+02, v18  }
0x185: {  	v25 =	vld [tilespmem:s7+$0x55A1];
	v13 =	vmul.f32 $2.560000000e+02, v19;
	v19 =	vtrunc.f32 v20;
	[tilespmem:s3+$0x1E30] =	vst v23  }
0x186: {  	v20 =	vadd.f32 v22, v17;
	v22 =	vld [tilespmem:s7+$0x5837];
	v19 =	vcvt.f32.s32 v19;
	[tilespmem:s3+$0x20B0] =	vst v14  }
0x187: {  	v14 =	vadd.f32 v21, v17;
	v21 =	vld [tilespmem:s7+$0x5317];
	[tilespmem:s3+$0x2330] =	vst v15;
	s3 =	smov.u32 s7  }
0x188: {  	v15 =	vtrunc.f32 v20;
	v16 =	vadd.f32 v16, v17;
	v20 =	vld [tilespmem:s3+$0x5081];
	[tilespmem:s3+$0x25B0] =	vst v19  }
0x189: {  	v15 =	vcvt.f32.s32 v15;
	v14 =	vtrunc.f32 v14;
	v19 =	vadd.f32 v24, v17;
	v23 =	vld [tilespmem:s3+$0x4B71]  }
0x18a: {  	v14 =	vcvt.f32.s32 v14;
	v16 =	vtrunc.f32 v16;
	v24 =	vadd.f32 v25, v17;
	v25 =	vld [tilespmem:s3+$0x4E07]  }
0x18b: {  	[tilespmem:s3+$0x1400] =	vst v15;
	v15 =	vcvt.f32.s32 v16;
	v16 =	vtrunc.f32 v19;
	v19 =	vadd.f32 v22, v17;
	v22 =	vld [tilespmem:s3+$0x55B0]  }
0x18c: {  	[tilespmem:s3+$0x1680] =	vst v14;
	v14 =	vcvt.f32.s32 v16;
	v16 =	vtrunc.f32 v24;
	v21 =	vadd.f32 v21, v17;
	v24 =	vld [tilespmem:s3+$0x5090]  }
0x18d: {  	[tilespmem:s3+$0x1900] =	vst v15;
	v15 =	vcvt.f32.s32 v16;
	v16 =	vtrunc.f32 v19;
	v17 =	vadd.f32 v20, v17;
	v19 =	vld [tilespmem:s3+$0x55B1]  }
0x18e: {  	[tilespmem:s3+$0x1B80] =	vst v14;
	v14 =	vcvt.f32.s32 v16;
	v16 =	vtrunc.f32 v21;
	v20 =	vadd.f32 v23, v18;
	v21 =	vld [tilespmem:s3+$0x5847]  }
0x18f: {  	[tilespmem:s3+$0x1E00] =	vst v15;
	v15 =	vcvt.f32.s32 v16;
	v16 =	vtrunc.f32 v17;
	v17 =	vadd.f32 v25, v18;
	v23 =	vld [tilespmem:s3+$0x5327]  }
0x190: {  	[tilespmem:s3+$0x2080] =	vst v14;
	v14 =	vcvt.f32.s32 v16;
	v16 =	vtrunc.f32 v20;
	v20 =	vadd.f32 v22, v18;
	v22 =	vld [tilespmem:s3+$0x5091]  }
0x191: {  	[tilespmem:s3+$0x2300] =	vst v15;
	v15 =	vcvt.f32.s32 v16;
	v16 =	vtrunc.f32 v17;
	v17 =	vadd.f32 v24, v18;
	v24 =	vld [tilespmem:s3+$0x4B81]  }
0x192: {  	[tilespmem:s3+$0x2580] =	vst v14;
	v14 =	vcvt.f32.s32 v16;
	v16 =	vtrunc.f32 v20;
	v19 =	vadd.f32 v19, v18;
	v20 =	vld [tilespmem:s3+$0x4E17]  }
0x193: {  	[tilespmem:s3+$0x1410] =	vst v15;
	v15 =	vcvt.f32.s32 v16;
	v16 =	vtrunc.f32 v17;
	v17 =	vadd.f32 v21, v18;
	v21 =	vld [tilespmem:s3+$0x55C0]  }
0x194: {  	[tilespmem:s3+$0x1690] =	vst v14;
	v14 =	vcvt.f32.s32 v16;
	v16 =	vtrunc.f32 v19;
	v19 =	vadd.f32 v23, v18;
	v23 =	vld [tilespmem:s3+$0x50A0]  }
0x195: {  	[tilespmem:s3+$0x1910] =	vst v15;
	v15 =	vcvt.f32.s32 v16;
	v16 =	vtrunc.f32 v17;
	v17 =	vadd.f32 v22, v18;
	v18 =	vld [tilespmem:s3+$0x55C1]  }
0x196: {  	[tilespmem:s3+$0x1B90] =	vst v14;
	v14 =	vcvt.f32.s32 v16;
	v16 =	vtrunc.f32 v19;
	v19 =	vadd.f32 v24, v13;
	v22 =	vld [tilespmem:s3+$0x5857]  }
0x197: {  	[tilespmem:s3+$0x1E10] =	vst v15;
	v15 =	vcvt.f32.s32 v16;
	v16 =	vtrunc.f32 v17;
	v17 =	vadd.f32 v20, v13;
	v20 =	vld [tilespmem:s3+$0x5337]  }
0x198: {  	[tilespmem:s3+$0x2090] =	vst v14;
	v14 =	vcvt.f32.s32 v16;
	v16 =	vtrunc.f32 v19;
	v19 =	vadd.f32 v21, v13;
	v21 =	vld [tilespmem:s3+$0x50A1]  }
0x199: {  	[tilespmem:s3+$0x2310] =	vst v15;
	v15 =	vcvt.f32.s32 v16;
	v16 =	vtrunc.f32 v17;
	v17 =	vadd.f32 v23, v13;
	v23 =	vld [tilespmem:s3+$0x4B91]  }
.Ltmp2:
0x19a: {  	[tilespmem:s3+$0x2590] =	vst v14;
	v24 =	vcvt.f32.s32 v16;
	v14 =	vtrunc.f32 v19;
	v18 =	vadd.f32 v18, v13;
	v16 =	vld [tilespmem:s3+$0x4E27];
	(pc) =	sbr.rel @p1 .LBB3_7-.Ltmp2, $4  }
0x19b: {  	[tilespmem:s3+$0x1420] =	vst v15;
	v19 =	vcvt.f32.s32 v14;
	v15 =	vtrunc.f32 v17;
	v17 =	vadd.f32 v22, v13;
	v14 =	vld [tilespmem:s3+$0x55D0]  }
0x19c: {  	[tilespmem:s3+$0x16A0] =	vst v24;
	v22 =	vcvt.f32.s32 v15;
	v18 =	vtrunc.f32 v18;
	v24 =	vadd.f32 v20, v13;
	v15 =	vld [tilespmem:s3+$0x50B0]  }
0x19d: {  	[tilespmem:s3+$0x1920] =	vst v19;
	v20 =	vcvt.f32.s32 v18;
	v17 =	vtrunc.f32 v17;
	v21 =	vadd.f32 v21, v13;
	v13 =	vld [tilespmem:s3+$0x55D1]  }
0x19e: {  	s5 =	sadd.s32 $0x100, s5;
	[tilespmem:s3+$0x1BA0] =	vst v22;
	v18 =	vcvt.f32.s32 v17;
	v22 =	vtrunc.f32 v24;
	v19 =	vadd.f32 v23, v12;
	v17 =	vld [tilespmem:s3+$0x5867]  }
0x19f: {  	[tilespmem:s3+$0x1E20] =	vst v20;
	v20 =	vcvt.f32.s32 v22;
	v21 =	vtrunc.f32 v21;
	v16 =	vadd.f32 v16, v12;
	v22 =	vld [tilespmem:s3+$0x5347]  }
0x1a0: {  	[tilespmem:s3+$0x20A0] =	vst v18;
	v18 =	vcvt.f32.s32 v21;
	v19 =	vtrunc.f32 v19;
	v14 =	vadd.f32 v14, v12  }
0x1a1: {  	[tilespmem:s3+$0x2320] =	vst v20;
	v19 =	vcvt.f32.s32 v19;
	v16 =	vtrunc.f32 v16;
	v15 =	vadd.f32 v15, v12  }
0x1a2: {  	[tilespmem:s3+$0x25A0] =	vst v18;
	v16 =	vcvt.f32.s32 v16;
	v14 =	vtrunc.f32 v14;
	v13 =	vadd.f32 v13, v12  }
0x1a3: {  	[tilespmem:s3+$0x1430] =	vst v19;
	v14 =	vcvt.f32.s32 v14;
	v15 =	vtrunc.f32 v15;
	v17 =	vadd.f32 v17, v12  }
0x1a4: {  	[tilespmem:s3+$0x16B0] =	vst v16;
	v15 =	vcvt.f32.s32 v15;
	v13 =	vtrunc.f32 v13;
	v12 =	vadd.f32 v22, v12  }
0x1a5: {  	[tilespmem:s3+$0x1930] =	vst v14;
	v14 =	vtrunc.f32 v17;
	v13 =	vcvt.f32.s32 v13  }
0x1a6: {  	[tilespmem:s3+$0x1BB0] =	vst v15;
	v12 =	vtrunc.f32 v12;
	v14 =	vcvt.f32.s32 v14  }
0x1a7: {  	v12 =	vcvt.f32.s32 v12;
	[tilespmem:s3+$0x1E30] =	vst v13  }
0x1a8: {  	[tilespmem:s3+$0x20B0] =	vst v14  }
0x1a9: {  	s30 =	rddreg [dreg:$0x3];
	s4 =	simm.s32 $0x1400;
	s5 =	simm.s32 $0x82C0;
	[tilespmem:s3+$0x2330] =	vst v12  }
0x1aa: {  	[tilespmem:s5], [sflag:$0x2] =	stream.indirect.gather [spmem:s30], $0x1, s4, s25, $0xb8;
	[tilespmem:$0x1AAC0] =	vst v63  }
0x1ab: {  	s7 =	simm.s32 $0x8540;
	s5 =	rddreg [dreg:$0x4]  }
0x1ac: {  	[tilespmem:s7], [sflag:$0x2] =	stream.indirect.gather [spmem:s5], $0x1, s4, s25, $0xb8;
	[tilespmem:$0x1AAC0] =	vst v63  }
0x1ad: {  	s14 =	rddreg [dreg:$0x5];
	s15 =	simm.s32 $0x1680;
	s24 =	simm.s32 $0x87C0  }
0x1ae: {  	[tilespmem:s24], [sflag:$0x2] =	stream.indirect.gather [spmem:s14], $0x1, s15, s25, $0xb8;
	[tilespmem:$0x1AAC0] =	vst v63  }
0x1af: {  	s28 =	rddreg [dreg:$0x6];
	s30 =	simm.s32 $0x8A40  }
0x1b0: {  	[tilespmem:s30], [sflag:$0x2] =	stream.indirect.gather [spmem:s28], $0x1, s15, s25, $0xb8;
	[tilespmem:$0x1AAC0] =	vst v63  }
0x1b1: {  	s5 =	rddreg [dreg:$0x7];
	s7 =	simm.s32 $0x1900;
	s14 =	simm.s32 $0x8CC0  }
0x1b2: {  	[tilespmem:s14], [sflag:$0x2] =	stream.indirect.gather [spmem:s5], $0x1, s7, s25, $0xb8;
	[tilespmem:$0x1AAC0] =	vst v63  }
0x1b3: {  	s24 =	simm.s32 $0x8F40;
	s15 =	rddreg [dreg:$0x8]  }
0x1b4: {  	[tilespmem:s24], [sflag:$0x2] =	stream.indirect.gather [spmem:s15], $0x1, s7, s25, $0xb8;
	[tilespmem:$0x1AAC0] =	vst v63  }
0x1b5: {  	s28 =	rddreg [dreg:$0x9];
	s30 =	simm.s32 $0x1B80;
	s7 =	simm.s32 $0x91C0  }
0x1b6: {  	[tilespmem:s7], [sflag:$0x2] =	stream.indirect.gather [spmem:s28], $0x1, s30, s25, $0xb8;
	[tilespmem:$0x1AAC0] =	vst v63  }
0x1b7: {  	s14 =	rddreg [dreg:$0xa];
	s15 =	simm.s32 $0x9440  }
0x1b8: {  	[tilespmem:s15], [sflag:$0x2] =	stream.indirect.gather [spmem:s14], $0x1, s30, s25, $0xb8;
	[tilespmem:$0x1AAC0] =	vst v63  }
0x1b9: {  	s24 =	rddreg [dreg:$0xb];
	s28 =	simm.s32 $0x1E00;
	s30 =	simm.s32 $0x96C0  }
0x1ba: {  	[tilespmem:s30], [sflag:$0x2] =	stream.indirect.gather [spmem:s24], $0x1, s28, s25, $0xb8;
	[tilespmem:$0x1AAC0] =	vst v63  }
0x1bb: {  	s7 =	rddreg [dreg:$0xc];
	s14 =	simm.s32 $0x9940  }
0x1bc: {  	[tilespmem:s14], [sflag:$0x2] =	stream.indirect.gather [spmem:s7], $0x1, s28, s25, $0xb8;
	[tilespmem:$0x1AAC0] =	vst v63  }
0x1bd: {  	s15 =	rddreg [dreg:$0xd];
	s24 =	simm.s32 $0x2080;
	s28 =	simm.s32 $0x9BC0  }
0x1be: {  	[tilespmem:s28], [sflag:$0x2] =	stream.indirect.gather [spmem:s15], $0x1, s24, s25, $0xb8;
	[tilespmem:$0x1AAC0] =	vst v63  }
0x1bf: {  	s30 =	simm.s32 $0x9E40  }
0x1c0: {  	[tilespmem:s30], [sflag:$0x2] =	stream.indirect.gather [spmem:s17], $0x1, s24, s25, $0xb8;
	[tilespmem:$0x1AAC0] =	vst v63  }
0x1c1: {  	s5 =	simm.s32 $0x2300;
	s7 =	simm.s32 $0xA0C0  }
0x1c2: {  	[tilespmem:s7], [sflag:$0x2] =	stream.indirect.gather [spmem:s18], $0x1, s5, s25, $0xb8;
	[tilespmem:$0x1AAC0] =	vst v63  }
0x1c3: {  	s14 =	simm.s32 $0xA340;
	s15 =	sshll.u32 s13, $0x1;
	s30 =	rddreg [dreg:$0xe]  }
0x1c4: {  	[tilespmem:s14], [sflag:$0x2] =	stream.indirect.gather [spmem:s19], $0x1, s5, s25, $0xb8;
	[tilespmem:$0x1AAC0] =	vst v63  }
0x1c5: {  	s14 =	sadd.s32 s30, s15  }
0x1c6: {  	s28 =	simm.s32 $0xA5C0;
	s24 =	simm.s32 $0x2580;
	s3 =	sadd.s32 $0x2, s14  }
0x1c7: {  	[tilespmem:s28], [sflag:$0x2] =	stream.indirect.gather [spmem:s20], $0x1, s24, s25, $0xb8;
	[tilespmem:$0x1AAC0] =	vst v63  }
0x1c8: {  	s4 =	smov.u32 s11;
	p1 =	slt.s32 s3, s11  }
0x1c9: {  	s7 =	simm.s32 $0xA840;
	s4 =	smov.u32 @p1 s3  }
0x1ca: {  	[tilespmem:s7], [sflag:$0x2] =	stream.indirect.gather [spmem:s22], $0x1, s24, s25, $0xb8;
	[tilespmem:$0x1AAC0] =	vst v63  }
0x1cb: {  	s3 =	smulhi.u32 $0xB60B60B7, s4;
	s15 =	sshra.s32 s4, $0x1F  }
0x1cc: {  	s5 =	smul.u32 $0xB60B60B7, s15  }
0x1cd: {  	s28 =	smul.u32 $0x280, s4;
	s3 =	ssub.s32 s3, s4  }
0x1ce: {  	s3 =	sadd.s32 s5, s3  }
0x1cf: {  	s5 =	sshrl.u32 s28, $0x3;
	s3 =	sadd.s32 s4, s3  }
0x1d0: {  	s5 =	sadd.s32 s0, s5;
	s24 =	sshrl.u32 s3, $0x1F;
	s3 =	sshra.s32 s3, $0x8  }
0x1d1: {  	[tilespmem:s23], [sflag:$0x5] =	stream.linear.gather [hbm4b:s5+s16], $0x280, $0x38;
	[tilespmem:$0x1AAC0] =	vst v63  }
0x1d2: {  	s3 =	sadd.s32 s24, s3  }
0x1d3: {  	s15 =	simm.s32 $0x3E98;
	s3 =	smul.u32 $0x168, s3  }
0x1d4: {  	[tilespmem:s15], [sflag:$0x5] =	stream.linear.gather [hbm4b:s5+s16], $0x280, $0x38;
	[tilespmem:$0x1AAC0] =	vst v63  }
0x1d5: {  	s3 =	ssub.s32 s4, s3  }
0x1d6: {  	s7 =	simm.s32 $0x1;
	p1 =	sne.s32 s3, $0x0  }
0x1d7: {  	s7 =	simm.s32 @!p1 $0x0  }
0x1d8: {  	s7 =	ssub.s32 s4, s7  }
0x1d9: {  	p1 =	sne.s32 s3, $0x167;
	s3 =	simm.s32 $0x1;
	s7 =	smul.u32 $0x280, s7  }
0x1da: {  	s3 =	simm.s32 @!p1 $0x0  }
0x1db: {  	s3 =	sadd.s32 s3, s4;
	s30 =	sshrl.u32 s7, $0x3  }
0x1dc: {  	s3 =	smul.u32 $0x280, s3;
	s5 =	sadd.s32 s0, s30  }
0x1dd: {  	[tilespmem:s31], [sflag:$0x5] =	stream.linear.gather [hbm4b:s5+s16], $0x280, $0x38;
	[tilespmem:$0x1AAC0] =	vst v63  }
0x1de: {  	s7 =	simm.s32 $0x43B8;
	s3 =	sshrl.u32 s3, $0x3  }
0x1df: {  	[tilespmem:s7], [sflag:$0x5] =	stream.linear.gather [hbm4b:s5+s16], $0x280, $0x38;
	[tilespmem:$0x1AAC0] =	vst v63  }
0x1e0: {  	s3 =	sadd.s32 s0, s3  }
0x1e1: {  	[tilespmem:s1], [sflag:$0x5] =	stream.linear.gather [hbm4b:s3+s16], $0x280, $0x38;
	[tilespmem:$0x1AAC0] =	vst v63  }
0x1e2: {  	s15 =	simm.s32 $0x48D8  }
0x1e3: {  	[tilespmem:s15], [sflag:$0x5] =	stream.linear.gather [hbm4b:s3+s16], $0x280, $0x38;
	[tilespmem:$0x1AAC0] =	vst v63  }
0x1e4: {  	_ =	swait.ge [sflag:s21], $0x2800  }
0x1e5: {  	p1 =	seq.s32 s13, $0x0;
	[sflag:s21] =	ssyncset.done $0x0  }
0x1e6: {  	s3 =	simm.s32 @!p1 $0x3;
	[sflag:s21] =	ssyncadd.s32 $0xFFFFD800  }
0x1e7: {  	_ =	swait.ge @!p1 [sflag:s3], $0xA00  }
0x1e8: {  	[sflag:s3] =	ssyncset.done @!p1 $0x0  }
0x1e9: {  	[sflag:s3] =	ssyncadd.s32 @!p1 $0xFFFFF600;
	s3 =	simm.s32 $0x0  }
0x1ea: {  	v12 =	vld [tilespmem:s3+$0x64F0]  }
0x1eb: {  	v13 =	vld [tilespmem:s3+$0x5AF0]  }
0x1ec: {  	v14 =	vld [tilespmem:s3+$0x5FF0]  }
0x1ed: {  	v15 =	vld [tilespmem:s3+$0x5D70]  }
0x1ee: {  	v16 =	vld [tilespmem:s3+$0x6270]  }
0x1ef: {  	v17 =	vld [tilespmem:s3+$0x69F0]  }
0x1f0: {  	v18 =	vld [tilespmem:s3+$0x6770]  }
0x1f1: {  	v19 =	vld [tilespmem:s3+$0x6EF0]  }
0x1f2: {  	v20 =	vld [tilespmem:s3+$0x6C70]  }
0x1f3: {  	v21 =	vld [tilespmem:s3+$0x73F0]  }
0x1f4: {  	v22 =	vld [tilespmem:s3+$0x7170]  }
0x1f5: {  	v23 =	vld [tilespmem:s3+$0x78F0]  }
0x1f6: {  	v24 =	vld [tilespmem:s3+$0x7670]  }
0x1f7: {  	v25 =	vld [tilespmem:s3+$0x7DF0]  }
0x1f8: {  	v26 =	vld [tilespmem:s3+$0x7B70]  }
0x1f9: {  	v27 =	vld [tilespmem:s3+$0x5AC0]  }
0x1fa: {  	v28 =	vld [tilespmem:s3+$0x8070]  }
0x1fb: {  	v29 =	vld [tilespmem:s3+$0x5D40]  }
0x1fc: {  	v30 =	vld [tilespmem:s3+$0x5FC0]  }
0x1fd: {  	v31 =	vld [tilespmem:s3+$0x6240]  }
0x1fe: {  	v32 =	vld [tilespmem:s3+$0x5AD0]  }
0x1ff: {  	v33 =	vld [tilespmem:s3+$0x5D50]  }
0x200: {  	v34 =	vld [tilespmem:s3+$0x5FD0]  }
0x201: {  	v35 =	vld [tilespmem:s3+$0x6250]  }
0x202: {  	v36 =	vld [tilespmem:s3+$0x5AE0]  }
0x203: {  	v37 =	vld [tilespmem:s3+$0x5D60]  }
0x204: {  	v50 =	vld [tilespmem:s3+$0x7140]  }
0x205: {  	v52 =	vld [tilespmem:s3+$0x6ED0]  }
0x206: {  	v54 =	vld [tilespmem:s3+$0x6EE0]  }
0x207: {  	v56 =	vld [tilespmem:s3+$0x73E0]  }
0x208: {  	v42 =	vld [tilespmem:s3+$0x7660]  }
0x209: {  	s28 =	simm.s32 $0x20;
	v58 =	vld [tilespmem:s3+$0x78C0]  }
0x20a: {  	v53 =	vadd.s32 s28, v6;
	v60 =	vld [tilespmem:s3+$0x7B40]  }
0x20b: {  	v59 =	vand.u32 $0xFB8, v53;
	s24 =	simm.s32 $0x0;
	v13 =	vadd.bf16 v14, v13;
	v14 =	vld [tilespmem:s3+$0x5FE0]  }
0x20c: {  	v51 =	vadd.s32 s24, v7;
	v55 =	vor.u32 s24, v0;
	s15 =	simm.s32 $0x60;
	v15 =	vadd.bf16 v16, v15;
	v16 =	vld [tilespmem:s3+$0x6260]  }
0x20d: {  	v38 =	vor.u32 s15, v0;
	v27 =	vadd.bf16 v30, v27;
	v12 =	vadd.bf16 v12, v13;
	v13 =	vld [tilespmem:s3+$0x64C0]  }
0x20e: {  	v39 =	vadd.s32 s15, v6;
	v29 =	vadd.bf16 v31, v29;
	v15 =	vadd.bf16 v18, v15;
	v18 =	vld [tilespmem:s3+$0x6740]  }
0x20f: {  	v40 =	vadd.s32 s15, v7;
	v32 =	vadd.bf16 v34, v32;
	v12 =	vadd.bf16 v17, v12;
	v17 =	vld [tilespmem:s3+$0x64D0]  }
0x210: {  	v41 =	vor.u32 s15, v5;
	v33 =	vadd.bf16 v35, v33;
	v15 =	vadd.bf16 v20, v15;
	v20 =	vld [tilespmem:s3+$0x6750]  }
0x211: {  	v38 =	vand.u32 v11, v38;
	v14 =	vadd.bf16 v14, v36;
	v12 =	vadd.bf16 v19, v12;
	v19 =	vld [tilespmem:s3+$0x64E0]  }
0x212: {  	v39 =	vand.u32 $0xFF8, v39;
	v16 =	vadd.bf16 v16, v37;
	v15 =	vadd.bf16 v22, v15;
	v22 =	vld [tilespmem:s3+$0x6760]  }
0x213: {  	v40 =	vand.u32 $0xFF8, v40;
	v13 =	vadd.bf16 v13, v27;
	v12 =	vadd.bf16 v21, v12;
	v21 =	vld [tilespmem:s3+$0x69C0]  }
0x214: {  	v39 =	vor.u32 v1, v39;
	v18 =	vadd.bf16 v18, v29;
	v15 =	vadd.bf16 v24, v15;
	v24 =	vld [tilespmem:s3+$0x6C40]  }
0x215: {  	v40 =	vor.u32 v8, v40;
	v30 =	vld [tilespmem:s3+$0x6EC0];
	v17 =	vadd.bf16 v17, v32;
	v20 =	vadd.bf16 v20, v33  }
0x216: {  	v31 =	vadd.s32 s24, v6;
	v12 =	vadd.bf16 v23, v12;
	v23 =	vld [tilespmem:s3+$0x69D0];
	v15 =	vadd.bf16 v26, v15  }
0x217: {  	v31 =	vand.u32 $0xF98, v31;
	v26 =	vld [tilespmem:s3+$0x6C50];
	v14 =	vadd.bf16 v19, v14;
	v22 =	vadd.bf16 v22, v16  }
0x218: {  	v16 =	vor.u32 s24, v5;
	v12 =	vadd.bf16 v25, v12;
	v25 =	vld [tilespmem:s3+$0x69E0];
	v15 =	vadd.bf16 v28, v15  }
0x219: {  	v28 =	vld [tilespmem:s3+$0x6C60];
	v13 =	vadd.bf16 v21, v13;
	v18 =	vadd.bf16 v24, v18;
	v24 =	vadd.s32 s28, v7  }
0x21a: {  	v27 =	vld [tilespmem:s3+$0x7150];
	v29 =	vshll.u32 v12, $0x10;
	v12 =	vand.u32 $0xFFFF0000, v12;
	v57 =	vshll.u32 v15, $0x10  }
0x21b: {  	s30 =	simm.s32 $0x40;
	v21 =	vld [tilespmem:s3+$0x73C0];
	v43 =	vand.u32 $0xFFFF0000, v15;
	v15 =	vand.u32 $0xF98, v51;
	v24 =	vand.u32 $0xFB8, v24  }
0x21c: {  	v19 =	vld [tilespmem:s3+$0x7160];
	v17 =	vadd.bf16 v23, v17;
	v20 =	vadd.bf16 v26, v20;
	v26 =	vadd.s32 s30, v6  }
0x21d: {  	v44 =	vld [tilespmem:s3+$0x78D0];
	v13 =	vadd.bf16 v30, v13;
	v30 =	vadd.s32 s30, v7;
	v18 =	vadd.bf16 v50, v18  }
0x21e: {  	v23 =	vld [tilespmem:s3+$0x7640];
	[tilespmem:v38+s9+$0x0] =	vst.idx.msk $0xffff, v29;
	v26 =	vand.u32 $0xFD8, v26;
	v14 =	vadd.bf16 v25, v14;
	v22 =	vadd.bf16 v28, v22  }
0x21f: {  	v61 =	vld [tilespmem:s3+$0x7B50];
	v30 =	vand.u32 $0xFD8, v30;
	[tilespmem:v41+s9+$0x0] =	vst.idx.msk $0xffff, v12;
	v17 =	vadd.bf16 v52, v17;
	v27 =	vadd.bf16 v27, v20  }
0x220: {  	v25 =	vld [tilespmem:s3+$0x73D0];
	v20 =	vor.u32 v1, v31;
	v12 =	vor.u32 v1, v26;
	v13 =	vadd.bf16 v21, v13  }
0x221: {  	v28 =	vld [tilespmem:s3+$0x7650];
	v21 =	vor.u32 s28, v0;
	v14 =	vadd.bf16 v54, v14;
	v22 =	vadd.bf16 v19, v22  }
0x222: {  	v45 =	vld [tilespmem:s3+$0x7B60];
	v19 =	vor.u32 v8, v15;
	v15 =	vor.u32 v1, v59;
	v21 =	vand.u32 v9, v21  }
0x223: {  	v62 =	vld [tilespmem:s3+$0x78E0];
	v18 =	vadd.bf16 v23, v18;
	v23 =	vand.u32 v4, v55;
	v33 =	vadd.bf16 v58, v13  }
0x224: {  	v34 =	vld [tilespmem:s3+$0x7DC0];
	v13 =	vor.u32 v8, v30;
	v63 =	vadd.bf16 v56, v14;
	v14 =	vor.u32 v8, v24  }
0x225: {  	v32 =	vld [tilespmem:s3+$0x8040];
	v24 =	vadd.bf16 v42, v22;
	v22 =	vor.u32 s28, v5;
	v25 =	vadd.bf16 v25, v17  }
0x226: {  	[tilespmem:v39+s9+$0x0] =	vst.idx.msk $0xffff, v57;
	v30 =	vld [tilespmem:s3+$0x7DD0];
	v17 =	vor.u32 s30, v0;
	v27 =	vadd.bf16 v28, v27;
	v31 =	vadd.bf16 v60, v18  }
0x227: {  	[tilespmem:v40+s9+$0x0] =	vst.idx.msk $0xffff, v43;
	v28 =	vld [tilespmem:s3+$0x8050];
	v18 =	vor.u32 s30, v5;
	v24 =	vadd.bf16 v45, v24;
	v29 =	vadd.bf16 v44, v25  }
0x228: {  	s4 =	simm.s32 $0x100;
	s7 =	simm.s32 $0x0;
	v17 =	vand.u32 v10, v17;
	v26 =	vadd.bf16 v61, v27;
	v25 =	vadd.bf16 v62, v63;
	v27 =	vld [tilespmem:s3+$0x7DE0]  }
.LBB3_9:
0x229: {  	v33 =	vadd.bf16 v34, v33;
	v34 =	vld [tilespmem:s3+$0x8060];
	s3 =	sshra.s32 s4, $0x2  }
0x22a: {  	v35 =	vld [tilespmem:s3+$0x64F0];
	v31 =	vadd.bf16 v32, v31  }
0x22b: {  	v32 =	vld [tilespmem:s3+$0x5AF0];
	v36 =	vshll.u32 v33, $0x10;
	v33 =	vand.u32 $0xFFFF0000, v33;
	v29 =	vadd.bf16 v30, v29  }
0x22c: {  	v30 =	vld [tilespmem:s3+$0x5FF0];
	v37 =	vshll.u32 v31, $0x10;
	v31 =	vand.u32 $0xFFFF0000, v31;
	[tilespmem:v23+s9+$0x0] =	vst.idx.msk $0xffff, v36;
	v23 =	vadd.bf16 v28, v26  }
0x22d: {  	v26 =	vld [tilespmem:s3+$0x5D70];
	[tilespmem:v16+s9+$0x0] =	vst.idx.msk $0xffff, v33;
	v16 =	vshll.u32 v29, $0x10;
	v28 =	vand.u32 $0xFFFF0000, v29;
	v25 =	vadd.bf16 v27, v25  }
0x22e: {  	s7 =	sadd.s32 $0x4, s7;
	v27 =	vld [tilespmem:s3+$0x6270];
	[tilespmem:v20+s9+$0x0] =	vst.idx.msk $0xffff, v37;
	v20 =	vshll.u32 v23, $0x10;
	v23 =	vand.u32 $0xFFFF0000, v23;
	v24 =	vadd.bf16 v34, v24  }
0x22f: {  	p2 =	slt.u32 s7, $0x24;
	v29 =	vld [tilespmem:s3+$0x69F0];
	[tilespmem:v19+s9+$0x0] =	vst.idx.msk $0xffff, v31;
	v19 =	vshll.u32 v25, $0x10;
	v25 =	vand.u32 $0xFFFF0000, v25  }
0x230: {  	v31 =	vld [tilespmem:s3+$0x6770];
	[tilespmem:v21+s9+$0x0] =	vst.idx.msk $0xffff, v16;
	v16 =	vshll.u32 v24, $0x10;
	v21 =	vand.u32 $0xFFFF0000, v24  }
0x231: {  	v24 =	vadd.bf16 v30, v32;
	v30 =	vld [tilespmem:s3+$0x6EF0];
	[tilespmem:v22+s9+$0x0] =	vst.idx.msk $0xffff, v28  }
0x232: {  	v22 =	vld [tilespmem:s3+$0x6C70];
	[tilespmem:v15+s9+$0x0] =	vst.idx.msk $0xffff, v20  }
0x233: {  	v15 =	vadd.bf16 v27, v26;
	v20 =	vadd.bf16 v35, v24;
	v24 =	vld [tilespmem:s3+$0x73F0];
	[tilespmem:v14+s9+$0x0] =	vst.idx.msk $0xffff, v23  }
0x234: {  	v14 =	vld [tilespmem:s3+$0x7170];
	[tilespmem:v17+s9+$0x0] =	vst.idx.msk $0xffff, v19  }
0x235: {  	v15 =	vadd.bf16 v31, v15;
	v17 =	vadd.bf16 v29, v20;
	v19 =	vld [tilespmem:s3+$0x78F0];
	[tilespmem:v18+s9+$0x0] =	vst.idx.msk $0xffff, v25  }
0x236: {  	v18 =	vld [tilespmem:s3+$0x7670];
	[tilespmem:v12+s9+$0x0] =	vst.idx.msk $0xffff, v16  }
0x237: {  	v12 =	vadd.bf16 v22, v15;
	v15 =	vadd.bf16 v30, v17;
	v16 =	vld [tilespmem:s3+$0x7DF0];
	[tilespmem:v13+s9+$0x0] =	vst.idx.msk $0xffff, v21  }
0x238: {  	v13 =	vld [tilespmem:s3+$0x7B70]  }
0x239: {  	s15 =	sadd.s32 $0x80, s15;
	v17 =	vld [tilespmem:s3+$0x5AC0];
	v12 =	vadd.bf16 v14, v12;
	v14 =	vadd.bf16 v24, v15  }
0x23a: {  	s24 =	sadd.s32 $0xFFFFFFA0, s15;
	s30 =	sadd.s32 $0xFFFFFFC0, s15;
	s5 =	sadd.s32 $0xFFFFFFE0, s15;
	v20 =	vor.u32 s15, v0;
	v21 =	vadd.s32 s15, v6;
	v22 =	vadd.s32 s15, v7;
	v15 =	vld [tilespmem:s3+$0x8070]  }
0x23b: {  	v23 =	vld [tilespmem:s3+$0x5D40];
	v12 =	vadd.bf16 v18, v12;
	v14 =	vadd.bf16 v19, v14;
	v18 =	vand.u32 v11, v20  }
0x23c: {  	v21 =	vand.u32 $0xFF8, v21;
	v22 =	vand.u32 $0xFF8, v22;
	v20 =	vor.u32 s15, v5;
	v19 =	vld [tilespmem:s3+$0x5FC0]  }
0x23d: {  	v24 =	vld [tilespmem:s3+$0x6240];
	v12 =	vadd.bf16 v13, v12;
	v13 =	vadd.bf16 v16, v14;
	v14 =	vor.u32 v1, v21  }
0x23e: {  	v22 =	vor.u32 v8, v22;
	v16 =	vadd.s32 s24, v6;
	v21 =	vadd.s32 s24, v7;
	v25 =	vld [tilespmem:s3+$0x5AD0]  }
0x23f: {  	v27 =	vadd.s32 s30, v6;
	v26 =	vld [tilespmem:s3+$0x5D50];
	v12 =	vadd.bf16 v15, v12;
	v15 =	vshll.u32 v13, $0x10  }
0x240: {  	v29 =	vadd.s32 s30, v7;
	v30 =	vadd.s32 s5, v6;
	v13 =	vand.u32 $0xFFFF0000, v13;
	v28 =	vld [tilespmem:s3+$0x5FD0];
	[tilespmem:v18+s9+$0x0] =	vst.idx.msk $0xffff, v15  }
0x241: {  	v31 =	vadd.bf16 v19, v17;
	v15 =	vld [tilespmem:s3+$0x6250];
	v17 =	vadd.s32 s5, v7;
	v18 =	vshll.u32 v12, $0x10;
	[tilespmem:v20+s9+$0x0] =	vst.idx.msk $0xffff, v13  }
0x242: {  	v13 =	vand.u32 $0xF98, v16;
	v12 =	vand.u32 $0xFFFF0000, v12;
	v24 =	vadd.bf16 v24, v23;
	v32 =	vld [tilespmem:s3+$0x5AE0];
	[tilespmem:v14+s9+$0x0] =	vst.idx.msk $0xffff, v18  }
0x243: {  	v16 =	vand.u32 $0xFB8, v27;
	v14 =	vand.u32 $0xF98, v21;
	v18 =	vand.u32 $0xFB8, v29;
	v27 =	vld [tilespmem:s3+$0x5D60];
	[tilespmem:v22+s9+$0x0] =	vst.idx.msk $0xffff, v12  }
0x244: {  	v21 =	vor.u32 s24, v0;
	v17 =	vand.u32 $0xFD8, v17;
	v12 =	vand.u32 $0xFD8, v30;
	v22 =	vld [tilespmem:s3+$0x5FE0]  }
0x245: {  	v30 =	vor.u32 s5, v0;
	v25 =	vadd.bf16 v28, v25;
	v28 =	vor.u32 s30, v0;
	v29 =	vld [tilespmem:s3+$0x6260]  }
0x246: {  	v20 =	vor.u32 v1, v13;
	v19 =	vor.u32 v8, v14;
	v33 =	vld [tilespmem:s3+$0x64C0];
	v26 =	vadd.bf16 v15, v26  }
0x247: {  	v14 =	vor.u32 v8, v18;
	v12 =	vor.u32 v1, v12;
	v15 =	vor.u32 v1, v16;
	v34 =	vld [tilespmem:s3+$0x6740]  }
0x248: {  	v23 =	vand.u32 v4, v21;
	v13 =	vor.u32 v8, v17;
	v21 =	vand.u32 v9, v28;
	v35 =	vld [tilespmem:s3+$0x64D0]  }
0x249: {  	v17 =	vand.u32 v10, v30;
	v16 =	vor.u32 s24, v5;
	v28 =	vld [tilespmem:s3+$0x6750];
	v32 =	vadd.bf16 v22, v32  }
0x24a: {  	v18 =	vor.u32 s5, v5;
	v22 =	vor.u32 s30, v5;
	v27 =	vadd.bf16 v29, v27;
	v29 =	vld [tilespmem:s3+$0x64E0]  }
0x24b: {  	v30 =	vadd.bf16 v33, v31;
	v31 =	vld [tilespmem:s3+$0x6760]  }
0x24c: {  	v24 =	vadd.bf16 v34, v24;
	v33 =	vld [tilespmem:s3+$0x69C0]  }
0x24d: {  	v34 =	vld [tilespmem:s3+$0x6C40];
	v25 =	vadd.bf16 v35, v25  }
0x24e: {  	v26 =	vadd.bf16 v28, v26;
	v28 =	vld [tilespmem:s3+$0x69D0]  }
0x24f: {  	v35 =	vld [tilespmem:s3+$0x6C50];
	v29 =	vadd.bf16 v29, v32  }
0x250: {  	v27 =	vadd.bf16 v31, v27;
	v31 =	vld [tilespmem:s3+$0x69E0]  }
0x251: {  	v30 =	vadd.bf16 v33, v30;
	v32 =	vld [tilespmem:s3+$0x6C60]  }
0x252: {  	v24 =	vadd.bf16 v34, v24;
	v33 =	vld [tilespmem:s3+$0x6EC0]  }
0x253: {  	v34 =	vld [tilespmem:s3+$0x7140];
	v25 =	vadd.bf16 v28, v25  }
0x254: {  	v26 =	vadd.bf16 v35, v26;
	v28 =	vld [tilespmem:s3+$0x6ED0]  }
0x255: {  	v35 =	vld [tilespmem:s3+$0x7150];
	v29 =	vadd.bf16 v31, v29  }
0x256: {  	v27 =	vadd.bf16 v32, v27;
	v31 =	vld [tilespmem:s3+$0x6EE0]  }
0x257: {  	v30 =	vadd.bf16 v33, v30;
	v32 =	vld [tilespmem:s3+$0x7160]  }
0x258: {  	v24 =	vadd.bf16 v34, v24;
	v33 =	vld [tilespmem:s3+$0x73C0]  }
0x259: {  	v34 =	vld [tilespmem:s3+$0x7640];
	v25 =	vadd.bf16 v28, v25  }
0x25a: {  	v26 =	vadd.bf16 v35, v26;
	v28 =	vld [tilespmem:s3+$0x73D0]  }
0x25b: {  	v35 =	vld [tilespmem:s3+$0x7650];
	v29 =	vadd.bf16 v31, v29  }
0x25c: {  	v27 =	vadd.bf16 v32, v27;
	v31 =	vld [tilespmem:s3+$0x73E0]  }
0x25d: {  	v30 =	vadd.bf16 v33, v30;
	v32 =	vld [tilespmem:s3+$0x7660]  }
0x25e: {  	v24 =	vadd.bf16 v34, v24;
	v33 =	vld [tilespmem:s3+$0x78C0]  }
0x25f: {  	v34 =	vld [tilespmem:s3+$0x7B40];
	v25 =	vadd.bf16 v28, v25  }
0x260: {  	v26 =	vadd.bf16 v35, v26;
	v28 =	vld [tilespmem:s3+$0x78D0]  }
0x261: {  	v35 =	vld [tilespmem:s3+$0x7B50];
	v36 =	vadd.bf16 v31, v29  }
0x262: {  	v27 =	vadd.bf16 v32, v27;
	v37 =	vld [tilespmem:s3+$0x78E0]  }
0x263: {  	v33 =	vadd.bf16 v33, v30;
	v38 =	vld [tilespmem:s3+$0x7B60]  }
.Ltmp3:
0x264: {  	v31 =	vadd.bf16 v34, v24;
	v34 =	vld [tilespmem:s3+$0x7DC0];
	(pc) =	sbr.rel @p2 .LBB3_9-.Ltmp3, $4  }
0x265: {  	v32 =	vld [tilespmem:s3+$0x8040];
	v29 =	vadd.bf16 v28, v25  }
0x266: {  	v26 =	vadd.bf16 v35, v26;
	v30 =	vld [tilespmem:s3+$0x7DD0]  }
0x267: {  	v28 =	vld [tilespmem:s3+$0x8050];
	v25 =	vadd.bf16 v37, v36  }
0x268: {  	s4 =	sadd.s32 $0x100, s4;
	v24 =	vadd.bf16 v38, v27;
	v27 =	vld [tilespmem:s3+$0x7DE0]  }
0x269: {  	_ = 	snop  }
0x26a: {  	v33 =	vadd.bf16 v34, v33;
	s4 =	smulhi.u32 $0xB60B60B7, s14;
	s5 =	sshra.s32 s14, $0x1F  }
0x26b: {  	s15 =	smul.u32 $0xB60B60B7, s5  }
0x26c: {  	v31 =	vadd.bf16 v32, v31;
	v54 =	vshll.u32 v33, $0x10;
	s4 =	ssub.s32 s4, s14  }
0x26d: {  	v33 =	vand.u32 $0xFFFF0000, v33;
	[tilespmem:v23+s9+$0x0] =	vst.idx.msk $0xffff, v54;
	s4 =	sadd.s32 s15, s4  }
0x26e: {  	v23 =	vadd.bf16 v30, v29;
	v55 =	vshll.u32 v31, $0x10;
	[tilespmem:v16+s9+$0x0] =	vst.idx.msk $0xffff, v33;
	s4 =	sadd.s32 s14, s4  }
0x26f: {  	v56 =	vand.u32 $0xFFFF0000, v31;
	v16 =	vld [tilespmem:s3+$0x8060];
	[tilespmem:v20+s9+$0x0] =	vst.idx.msk $0xffff, v55;
	s5 =	sshrl.u32 s4, $0x1F;
	s4 =	sshra.s32 s4, $0x8  }
0x270: {  	v20 =	vadd.bf16 v28, v26;
	v57 =	vshll.u32 v23, $0x10;
	[tilespmem:v19+s9+$0x0] =	vst.idx.msk $0xffff, v56;
	s3 =	sadd.s32 s5, s4  }
0x271: {  	v19 =	vand.u32 $0xFFFF0000, v23;
	[tilespmem:v21+s9+$0x0] =	vst.idx.msk $0xffff, v57;
	s4 =	smul.u32 $0xFFFFFE98, s3  }
0x272: {  	v21 =	vadd.bf16 v27, v25;
	v23 =	vshll.u32 v20, $0x10;
	[tilespmem:v22+s9+$0x0] =	vst.idx.msk $0xffff, v19  }
0x273: {  	v19 =	vand.u32 $0xFFFF0000, v20;
	s3 =	smul.u32 $0xE1000, s3;
	[tilespmem:v15+s9+$0x0] =	vst.idx.msk $0xffff, v23;
	s4 =	sadd.s32 s14, s4  }
0x274: {  	v15 =	vadd.bf16 v16, v24;
	v16 =	vshll.u32 v21, $0x10;
	[tilespmem:v14+s9+$0x0] =	vst.idx.msk $0xffff, v19;
	s4 =	smul.u32 $0xA00, s4  }
0x275: {  	v14 =	vand.u32 $0xFFFF0000, v21;
	[tilespmem:v17+s9+$0x0] =	vst.idx.msk $0xffff, v16  }
0x276: {  	v16 =	vshll.u32 v15, $0x10;
	[tilespmem:v18+s9+$0x0] =	vst.idx.msk $0xffff, v14;
	s3 =	sadd.s32 s3, s4  }
0x277: {  	v14 =	vand.u32 $0xFFFF0000, v15;
	[tilespmem:v12+s9+$0x0] =	vst.idx.msk $0xffff, v16;
	s3 =	sshrl.u32 s3, $0x3  }
0x278: {  	s7 =	simm.s32 $0x0;
	[tilespmem:v13+s9+$0x0] =	vst.idx.msk $0xffff, v14;
	s3 =	sadd.s32 s26, s3  }
0x279: {  	[hbm4b:s3+s7] =	stream.linear.scatter [tilespmem:s9], [sflag:$0x3], $0xA00, $0x38;
	[tilespmem:$0x1AAC0] =	vst v63  }
0x27a: {  	_ =	swait.ge [sflag:s29], $0xF00  }
0x27b: {  	[sflag:s29] =	ssyncset.done $0x0  }
0x27c: {  	[sflag:s29] =	ssyncadd.s32 $0xFFFFF100  }
0x27d: {  	v12 =	vld [tilespmem:$0x3E70];
	_ =	sdelay $0x4  }
0x27e: {  	[tilespmem:v2+s23+$0x0] =	vst.idx.msk vm0, v12  }
0x27f: {  	v12 =	vld [tilespmem:$0x4390];
	_ =	sdelay $0x4  }
0x280: {  	[tilespmem:v2+s31+$0x0] =	vst.idx.msk vm0, v12  }
0x281: {  	v12 =	vld [tilespmem:$0x48B0];
	_ =	sdelay $0x4  }
0x282: {  	[tilespmem:v2+s1+$0x0] =	vst.idx.msk vm0, v12  }
0x283: {  	v12 =	vld [tilespmem:$0x3E98];
	_ =	sdelay $0x3  }
0x284: {  	s24 =	simm.s32 $0x3E90  }
0x285: {  	[tilespmem:v3+s24+$0x0] =	vst.idx.msk $0x1, v12  }
0x286: {  	v12 =	vld [tilespmem:$0x43B8];
	_ =	sdelay $0x3  }
0x287: {  	s28 =	smov.u32 s26;
	s26 =	simm.s32 $0x43B0  }
0x288: {  	[tilespmem:v3+s26+$0x0] =	vst.idx.msk $0x1, v12  }
0x289: {  	v12 =	vld [tilespmem:$0x48D8];
	_ =	sdelay $0x3  }
0x28a: {  	s30 =	simm.s32 $0x48D0  }
0x28b: {  	s3 =	simm.s32 $0x0;
	[tilespmem:v3+s30+$0x0] =	vst.idx.msk $0x1, v12  }
0x28c: {  	v12 =	vld [tilespmem:s3+$0x3C30]  }
0x28d: {  	v13 =	vld [tilespmem:s3+$0x3C00]  }
0x28e: {  	v14 =	vld [tilespmem:s3+$0x4151]  }
0x28f: {  	v15 =	vld [tilespmem:s3+$0x3C10]  }
0x290: {  	v16 =	vld [tilespmem:s3+$0x3C20]  }
0x291: {  	v17 =	vld [tilespmem:s3+$0x3C01]  }
0x292: {  	v18 =	vld [tilespmem:s3+$0x3E97]  }
0x293: {  	v19 =	vld [tilespmem:s3+$0x4640];
	v12 =	vmul.f32 $2.560000000e+02, v12  }
0x294: {  	v20 =	vld [tilespmem:s3+$0x4120];
	v13 =	vmul.f32 $2.560000000e+02, v13  }
0x295: {  	v21 =	vld [tilespmem:s3+$0x4641];
	v14 =	vadd.f32 v14, v12  }
0x296: {  	v22 =	vld [tilespmem:s3+$0x48D7];
	v15 =	vmul.f32 $2.560000000e+02, v15;
	v17 =	vadd.f32 v17, v13  }
0x297: {  	v23 =	vmul.f32 $2.560000000e+02, v16;
	v16 =	vadd.f32 v18, v13;
	v18 =	vld [tilespmem:s3+$0x43B7];
	v14 =	vtrunc.f32 v14  }
0x298: {  	v58 =	vld [tilespmem:s3+$0x4121];
	v19 =	vadd.f32 v19, v13;
	v17 =	vtrunc.f32 v17;
	v14 =	vcvt.f32.s32 v14  }
0x299: {  	v59 =	vld [tilespmem:s3+$0x3C11];
	v20 =	vadd.f32 v20, v13;
	v16 =	vtrunc.f32 v16;
	v17 =	vcvt.f32.s32 v17  }
0x29a: {  	[tilespmem:s3+$0x11B0] =	vst v14;
	v14 =	vcvt.f32.s32 v16;
	v16 =	vtrunc.f32 v19;
	v19 =	vadd.f32 v21, v13;
	v21 =	vld [tilespmem:s3+$0x3EA7]  }
0x29b: {  	[tilespmem:s3+$0x0] =	vst v17;
	v17 =	vtrunc.f32 v20;
	v20 =	vadd.f32 v22, v13;
	v22 =	vld [tilespmem:s3+$0x4650];
	v16 =	vcvt.f32.s32 v16  }
0x29c: {  	v18 =	vadd.f32 v18, v13;
	[tilespmem:s3+$0x280] =	vst v14;
	v14 =	vcvt.f32.s32 v17;
	v17 =	vtrunc.f32 v19;
	v19 =	vld [tilespmem:s3+$0x4130]  }
0x29d: {  	v13 =	vadd.f32 v58, v13;
	[tilespmem:s3+$0x500] =	vst v16;
	v16 =	vcvt.f32.s32 v17;
	v17 =	vtrunc.f32 v20;
	v20 =	vld [tilespmem:s3+$0x4651]  }
0x29e: {  	v60 =	vld [tilespmem:s3+$0x48E7];
	[tilespmem:s3+$0x780] =	vst v14;
	v14 =	vcvt.f32.s32 v17;
	v17 =	vtrunc.f32 v18;
	v18 =	vadd.f32 v59, v15  }
0x29f: {  	v13 =	vtrunc.f32 v13;
	[tilespmem:s3+$0xA00] =	vst v16;
	v16 =	vcvt.f32.s32 v17;
	v17 =	vadd.f32 v21, v15;
	v21 =	vld [tilespmem:s3+$0x43C7]  }
0x2a0: {  	v13 =	vcvt.f32.s32 v13;
	[tilespmem:s3+$0xC80] =	vst v14;
	v14 =	vtrunc.f32 v18;
	v18 =	vadd.f32 v22, v15;
	v22 =	vld [tilespmem:s3+$0x4131]  }
0x2a1: {  	[tilespmem:s3+$0xF00] =	vst v16;
	v14 =	vcvt.f32.s32 v14;
	v16 =	vtrunc.f32 v17;
	v17 =	vadd.f32 v19, v15;
	v19 =	vld [tilespmem:s3+$0x3C21]  }
0x2a2: {  	[tilespmem:s3+$0x1180] =	vst v13;
	v13 =	vcvt.f32.s32 v16;
	v16 =	vtrunc.f32 v18;
	v18 =	vadd.f32 v20, v15;
	v20 =	vld [tilespmem:s3+$0x3EB7]  }
0x2a3: {  	v61 =	vld [tilespmem:s3+$0x4660];
	[tilespmem:s3+$0x10] =	vst v14;
	v14 =	vcvt.f32.s32 v16;
	v16 =	vtrunc.f32 v17;
	v17 =	vadd.f32 v60, v15  }
0x2a4: {  	[tilespmem:s3+$0x290] =	vst v13;
	v13 =	vcvt.f32.s32 v16;
	v16 =	vtrunc.f32 v18;
	v18 =	vadd.f32 v21, v15;
	v21 =	vld [tilespmem:s3+$0x4140]  }
0x2a5: {  	[tilespmem:s3+$0x510] =	vst v14;
	v14 =	vcvt.f32.s32 v16;
	v16 =	vtrunc.f32 v17;
	v15 =	vadd.f32 v22, v15;
	v17 =	vld [tilespmem:s3+$0x4661]  }
0x2a6: {  	[tilespmem:s3+$0x790] =	vst v13;
	v13 =	vcvt.f32.s32 v16;
	v16 =	vtrunc.f32 v18;
	v18 =	vadd.f32 v19, v23;
	v19 =	vld [tilespmem:s3+$0x48F7]  }
0x2a7: {  	[tilespmem:s3+$0xA10] =	vst v14;
	v14 =	vcvt.f32.s32 v16;
	v15 =	vtrunc.f32 v15;
	v16 =	vadd.f32 v20, v23;
	v20 =	vld [tilespmem:s3+$0x43D7]  }
0x2a8: {  	v22 =	vld [tilespmem:s3+$0x4141];
	[tilespmem:s3+$0xC90] =	vst v13;
	v13 =	vcvt.f32.s32 v15;
	v15 =	vtrunc.f32 v18;
	v18 =	vadd.f32 v61, v23  }
0x2a9: {  	v62 =	vld [tilespmem:s3+$0x3C31];
	[tilespmem:s3+$0xF10] =	vst v14;
	v14 =	vcvt.f32.s32 v15;
	v15 =	vtrunc.f32 v16;
	v21 =	vadd.f32 v21, v23  }
0x2aa: {  	v16 =	vld [tilespmem:s3+$0x3EC7];
	[tilespmem:s3+$0x1190] =	vst v13;
	v13 =	vcvt.f32.s32 v15;
	v15 =	vtrunc.f32 v18;
	v17 =	vadd.f32 v17, v23  }
0x2ab: {  	[tilespmem:s3+$0x20] =	vst v14;
	v18 =	vcvt.f32.s32 v15;
	v15 =	vtrunc.f32 v21;
	v19 =	vadd.f32 v19, v23;
	v14 =	vld [tilespmem:s3+$0x4670]  }
0x2ac: {  	[tilespmem:s3+$0x2A0] =	vst v13;
	v63 =	vcvt.f32.s32 v15;
	v13 =	vtrunc.f32 v17;
	v17 =	vadd.f32 v20, v23;
	v15 =	vld [tilespmem:s3+$0x4150]  }
0x2ad: {  	v21 =	vadd.f32 v22, v23;
	[tilespmem:s3+$0x520] =	vst v18;
	v20 =	vcvt.f32.s32 v13;
	v18 =	vtrunc.f32 v19;
	v13 =	vld [tilespmem:s3+$0x4671]  }
0x2ae: {  	s5 =	simm.s32 $0x100;
	s4 =	simm.s32 $0x0;
	v19 =	vadd.f32 v62, v12;
	[tilespmem:s3+$0x7A0] =	vst v63;
	v18 =	vcvt.f32.s32 v18;
	v22 =	vtrunc.f32 v17;
	v17 =	vld [tilespmem:s3+$0x4907]  }
.LBB3_11:
0x2af: {  	s7 =	sshra.s32 s5, $0x2;
	s4 =	sadd.s32 $0x4, s4;
	[tilespmem:s3+$0xA20] =	vst v20;
	v20 =	vcvt.f32.s32 v22;
	v21 =	vtrunc.f32 v21;
	v16 =	vadd.f32 v16, v12;
	v22 =	vld [tilespmem:s3+$0x43E7]  }
0x2b0: {  	v23 =	vld [tilespmem:s7+$0x3C30];
	p2 =	slt.u32 s4, $0x24;
	[tilespmem:s3+$0xCA0] =	vst v18;
	v18 =	vcvt.f32.s32 v21;
	v19 =	vtrunc.f32 v19;
	v14 =	vadd.f32 v14, v12  }
0x2b1: {  	v21 =	vld [tilespmem:s7+$0x3C00];
	[tilespmem:s3+$0xF20] =	vst v20;
	v19 =	vcvt.f32.s32 v19;
	v16 =	vtrunc.f32 v16;
	v15 =	vadd.f32 v15, v12  }
0x2b2: {  	v20 =	vld [tilespmem:s7+$0x4151];
	[tilespmem:s3+$0x11A0] =	vst v18;
	v16 =	vcvt.f32.s32 v16;
	v14 =	vtrunc.f32 v14;
	v13 =	vadd.f32 v13, v12  }
0x2b3: {  	v18 =	vld [tilespmem:s7+$0x3C10];
	[tilespmem:s3+$0x30] =	vst v19;
	v14 =	vcvt.f32.s32 v14;
	v15 =	vtrunc.f32 v15;
	v17 =	vadd.f32 v17, v12  }
0x2b4: {  	v19 =	vld [tilespmem:s7+$0x3C20];
	[tilespmem:s3+$0x2B0] =	vst v16;
	v15 =	vcvt.f32.s32 v15;
	v13 =	vtrunc.f32 v13;
	v16 =	vadd.f32 v22, v12  }
0x2b5: {  	v22 =	vld [tilespmem:s7+$0x3C01];
	v12 =	vmul.f32 $2.560000000e+02, v23;
	[tilespmem:s3+$0x530] =	vst v14;
	v14 =	vtrunc.f32 v17  }
0x2b6: {  	v17 =	vmul.f32 $2.560000000e+02, v21;
	v21 =	vld [tilespmem:s7+$0x3E97];
	[tilespmem:s3+$0x7B0] =	vst v15;
	v15 =	vtrunc.f32 v16  }
0x2b7: {  	v23 =	vcvt.f32.s32 v13;
	v14 =	vcvt.f32.s32 v14;
	v16 =	vld [tilespmem:s7+$0x4640];
	v20 =	vadd.f32 v20, v12  }
0x2b8: {  	v15 =	vcvt.f32.s32 v15;
	v24 =	vld [tilespmem:s7+$0x4120];
	v18 =	vmul.f32 $2.560000000e+02, v18  }
0x2b9: {  	v25 =	vld [tilespmem:s7+$0x4641];
	v13 =	vmul.f32 $2.560000000e+02, v19;
	v19 =	vtrunc.f32 v20;
	[tilespmem:s3+$0xA30] =	vst v23  }
0x2ba: {  	v20 =	vadd.f32 v22, v17;
	v22 =	vld [tilespmem:s7+$0x48D7];
	v19 =	vcvt.f32.s32 v19;
	[tilespmem:s3+$0xCB0] =	vst v14  }
0x2bb: {  	v14 =	vadd.f32 v21, v17;
	v21 =	vld [tilespmem:s7+$0x43B7];
	[tilespmem:s3+$0xF30] =	vst v15;
	s3 =	smov.u32 s7  }
0x2bc: {  	v15 =	vtrunc.f32 v20;
	v16 =	vadd.f32 v16, v17;
	v20 =	vld [tilespmem:s3+$0x4121];
	[tilespmem:s3+$0x11B0] =	vst v19  }
0x2bd: {  	v15 =	vcvt.f32.s32 v15;
	v14 =	vtrunc.f32 v14;
	v19 =	vadd.f32 v24, v17;
	v23 =	vld [tilespmem:s3+$0x3C11]  }
0x2be: {  	v14 =	vcvt.f32.s32 v14;
	v16 =	vtrunc.f32 v16;
	v24 =	vadd.f32 v25, v17;
	v25 =	vld [tilespmem:s3+$0x3EA7]  }
0x2bf: {  	[tilespmem:s3+$0x0] =	vst v15;
	v15 =	vcvt.f32.s32 v16;
	v16 =	vtrunc.f32 v19;
	v19 =	vadd.f32 v22, v17;
	v22 =	vld [tilespmem:s3+$0x4650]  }
0x2c0: {  	[tilespmem:s3+$0x280] =	vst v14;
	v14 =	vcvt.f32.s32 v16;
	v16 =	vtrunc.f32 v24;
	v21 =	vadd.f32 v21, v17;
	v24 =	vld [tilespmem:s3+$0x4130]  }
0x2c1: {  	[tilespmem:s3+$0x500] =	vst v15;
	v15 =	vcvt.f32.s32 v16;
	v16 =	vtrunc.f32 v19;
	v17 =	vadd.f32 v20, v17;
	v19 =	vld [tilespmem:s3+$0x4651]  }
0x2c2: {  	[tilespmem:s3+$0x780] =	vst v14;
	v14 =	vcvt.f32.s32 v16;
	v16 =	vtrunc.f32 v21;
	v20 =	vadd.f32 v23, v18;
	v21 =	vld [tilespmem:s3+$0x48E7]  }
0x2c3: {  	[tilespmem:s3+$0xA00] =	vst v15;
	v15 =	vcvt.f32.s32 v16;
	v16 =	vtrunc.f32 v17;
	v17 =	vadd.f32 v25, v18;
	v23 =	vld [tilespmem:s3+$0x43C7]  }
0x2c4: {  	[tilespmem:s3+$0xC80] =	vst v14;
	v14 =	vcvt.f32.s32 v16;
	v16 =	vtrunc.f32 v20;
	v20 =	vadd.f32 v22, v18;
	v22 =	vld [tilespmem:s3+$0x4131]  }
0x2c5: {  	[tilespmem:s3+$0xF00] =	vst v15;
	v15 =	vcvt.f32.s32 v16;
	v16 =	vtrunc.f32 v17;
	v17 =	vadd.f32 v24, v18;
	v24 =	vld [tilespmem:s3+$0x3C21]  }
0x2c6: {  	[tilespmem:s3+$0x1180] =	vst v14;
	v14 =	vcvt.f32.s32 v16;
	v16 =	vtrunc.f32 v20;
	v19 =	vadd.f32 v19, v18;
	v20 =	vld [tilespmem:s3+$0x3EB7]  }
0x2c7: {  	[tilespmem:s3+$0x10] =	vst v15;
	v15 =	vcvt.f32.s32 v16;
	v16 =	vtrunc.f32 v17;
	v17 =	vadd.f32 v21, v18;
	v21 =	vld [tilespmem:s3+$0x4660]  }
0x2c8: {  	[tilespmem:s3+$0x290] =	vst v14;
	v14 =	vcvt.f32.s32 v16;
	v16 =	vtrunc.f32 v19;
	v19 =	vadd.f32 v23, v18;
	v23 =	vld [tilespmem:s3+$0x4140]  }
0x2c9: {  	[tilespmem:s3+$0x510] =	vst v15;
	v15 =	vcvt.f32.s32 v16;
	v16 =	vtrunc.f32 v17;
	v17 =	vadd.f32 v22, v18;
	v18 =	vld [tilespmem:s3+$0x4661]  }
0x2ca: {  	[tilespmem:s3+$0x790] =	vst v14;
	v14 =	vcvt.f32.s32 v16;
	v16 =	vtrunc.f32 v19;
	v19 =	vadd.f32 v24, v13;
	v22 =	vld [tilespmem:s3+$0x48F7]  }
0x2cb: {  	[tilespmem:s3+$0xA10] =	vst v15;
	v15 =	vcvt.f32.s32 v16;
	v16 =	vtrunc.f32 v17;
	v17 =	vadd.f32 v20, v13;
	v20 =	vld [tilespmem:s3+$0x43D7]  }
0x2cc: {  	[tilespmem:s3+$0xC90] =	vst v14;
	v14 =	vcvt.f32.s32 v16;
	v16 =	vtrunc.f32 v19;
	v19 =	vadd.f32 v21, v13;
	v21 =	vld [tilespmem:s3+$0x4141]  }
0x2cd: {  	[tilespmem:s3+$0xF10] =	vst v15;
	v15 =	vcvt.f32.s32 v16;
	v16 =	vtrunc.f32 v17;
	v17 =	vadd.f32 v23, v13;
	v23 =	vld [tilespmem:s3+$0x3C31]  }
.Ltmp4:
0x2ce: {  	[tilespmem:s3+$0x1190] =	vst v14;
	v24 =	vcvt.f32.s32 v16;
	v14 =	vtrunc.f32 v19;
	v18 =	vadd.f32 v18, v13;
	v16 =	vld [tilespmem:s3+$0x3EC7];
	(pc) =	sbr.rel @p2 .LBB3_11-.Ltmp4, $4  }
0x2cf: {  	[tilespmem:s3+$0x20] =	vst v15;
	v19 =	vcvt.f32.s32 v14;
	v15 =	vtrunc.f32 v17;
	v17 =	vadd.f32 v22, v13;
	v14 =	vld [tilespmem:s3+$0x4670]  }
0x2d0: {  	[tilespmem:s3+$0x2A0] =	vst v24;
	v22 =	vcvt.f32.s32 v15;
	v18 =	vtrunc.f32 v18;
	v24 =	vadd.f32 v20, v13;
	v15 =	vld [tilespmem:s3+$0x4150]  }
0x2d1: {  	[tilespmem:s3+$0x520] =	vst v19;
	v20 =	vcvt.f32.s32 v18;
	v17 =	vtrunc.f32 v17;
	v21 =	vadd.f32 v21, v13;
	v13 =	vld [tilespmem:s3+$0x4671]  }
0x2d2: {  	s5 =	sadd.s32 $0x100, s5;
	[tilespmem:s3+$0x7A0] =	vst v22;
	v18 =	vcvt.f32.s32 v17;
	v22 =	vtrunc.f32 v24;
	v19 =	vadd.f32 v23, v12;
	v17 =	vld [tilespmem:s3+$0x4907]  }
0x2d3: {  	[tilespmem:s3+$0xA20] =	vst v20;
	v20 =	vcvt.f32.s32 v22;
	v21 =	vtrunc.f32 v21;
	v16 =	vadd.f32 v16, v12;
	v22 =	vld [tilespmem:s3+$0x43E7]  }
0x2d4: {  	[tilespmem:s3+$0xCA0] =	vst v18;
	v18 =	vcvt.f32.s32 v21;
	v19 =	vtrunc.f32 v19;
	v14 =	vadd.f32 v14, v12  }
0x2d5: {  	[tilespmem:s3+$0xF20] =	vst v20;
	v19 =	vcvt.f32.s32 v19;
	v16 =	vtrunc.f32 v16;
	v15 =	vadd.f32 v15, v12  }
0x2d6: {  	[tilespmem:s3+$0x11A0] =	vst v18;
	v16 =	vcvt.f32.s32 v16;
	v14 =	vtrunc.f32 v14;
	v13 =	vadd.f32 v13, v12  }
0x2d7: {  	[tilespmem:s3+$0x30] =	vst v19;
	v14 =	vcvt.f32.s32 v14;
	v15 =	vtrunc.f32 v15;
	v17 =	vadd.f32 v17, v12  }
0x2d8: {  	[tilespmem:s3+$0x2B0] =	vst v16;
	v15 =	vcvt.f32.s32 v15;
	v13 =	vtrunc.f32 v13;
	v12 =	vadd.f32 v22, v12  }
0x2d9: {  	[tilespmem:s3+$0x530] =	vst v14;
	v14 =	vtrunc.f32 v17;
	v13 =	vcvt.f32.s32 v13  }
0x2da: {  	[tilespmem:s3+$0x7B0] =	vst v15;
	v12 =	vtrunc.f32 v12;
	v14 =	vcvt.f32.s32 v14  }
0x2db: {  	v12 =	vcvt.f32.s32 v12;
	[tilespmem:s3+$0xA30] =	vst v13  }
0x2dc: {  	[tilespmem:s3+$0xCB0] =	vst v14  }
0x2dd: {  	s5 =	rddreg [dreg:$0x3];
	s4 =	simm.s32 $0x5AC0;
	[tilespmem:s3+$0xF30] =	vst v12  }
0x2de: {  	[tilespmem:s4], [sflag:$0x1] =	stream.indirect.gather [spmem:s5], $0x1, s16, s25, $0xb8;
	[tilespmem:$0x1AAC0] =	vst v63  }
0x2df: {  	s7 =	rddreg [dreg:$0x4];
	s24 =	simm.s32 $0x5D40  }
0x2e0: {  	[tilespmem:s24], [sflag:$0x1] =	stream.indirect.gather [spmem:s7], $0x1, s16, s25, $0xb8;
	[tilespmem:$0x1AAC0] =	vst v63  }
0x2e1: {  	s26 =	rddreg [dreg:$0x5];
	s30 =	simm.s32 $0x5FC0  }
0x2e2: {  	[tilespmem:s30], [sflag:$0x1] =	stream.indirect.gather [spmem:s26], $0x1, s25, s25, $0xb8;
	[tilespmem:$0x1AAC0] =	vst v63  }
0x2e3: {  	s4 =	rddreg [dreg:$0x6];
	s5 =	simm.s32 $0x6240  }
0x2e4: {  	[tilespmem:s5], [sflag:$0x1] =	stream.indirect.gather [spmem:s4], $0x1, s25, s25, $0xb8;
	[tilespmem:$0x1AAC0] =	vst v63  }
0x2e5: {  	s7 =	rddreg [dreg:$0x7];
	s24 =	simm.s32 $0x500;
	s5 =	simm.s32 $0x64C0  }
0x2e6: {  	[tilespmem:s5], [sflag:$0x1] =	stream.indirect.gather [spmem:s7], $0x1, s24, s25, $0xb8;
	[tilespmem:$0x1AAC0] =	vst v63  }
0x2e7: {  	s26 =	rddreg [dreg:$0x8];
	s30 =	simm.s32 $0x6740  }
0x2e8: {  	[tilespmem:s30], [sflag:$0x1] =	stream.indirect.gather [spmem:s26], $0x1, s24, s25, $0xb8;
	[tilespmem:$0x1AAC0] =	vst v63  }
0x2e9: {  	s5 =	rddreg [dreg:$0x9];
	s7 =	simm.s32 $0x780;
	s24 =	simm.s32 $0x69C0  }
0x2ea: {  	[tilespmem:s24], [sflag:$0x1] =	stream.indirect.gather [spmem:s5], $0x1, s7, s25, $0xb8;
	[tilespmem:$0x1AAC0] =	vst v63  }
0x2eb: {  	s26 =	rddreg [dreg:$0xa];
	s30 =	simm.s32 $0x6C40  }
0x2ec: {  	[tilespmem:s30], [sflag:$0x1] =	stream.indirect.gather [spmem:s26], $0x1, s7, s25, $0xb8;
	[tilespmem:$0x1AAC0] =	vst v63  }
0x2ed: {  	s5 =	rddreg [dreg:$0xb];
	s24 =	simm.s32 $0x6EC0;
	s7 =	simm.s32 $0xA00  }
0x2ee: {  	[tilespmem:s24], [sflag:$0x1] =	stream.indirect.gather [spmem:s5], $0x1, s7, s25, $0xb8;
	[tilespmem:$0x1AAC0] =	vst v63  }
0x2ef: {  	s26 =	rddreg [dreg:$0xc];
	s30 =	simm.s32 $0x7140  }
0x2f0: {  	[tilespmem:s30], [sflag:$0x1] =	stream.indirect.gather [spmem:s26], $0x1, s7, s25, $0xb8;
	[tilespmem:$0x1AAC0] =	vst v63  }
0x2f1: {  	s5 =	rddreg [dreg:$0xd];
	s24 =	simm.s32 $0x73C0;
	s7 =	simm.s32 $0xC80  }
0x2f2: {  	[tilespmem:s24], [sflag:$0x1] =	stream.indirect.gather [spmem:s5], $0x1, s7, s25, $0xb8;
	[tilespmem:$0x1AAC0] =	vst v63  }
0x2f3: {  	s26 =	simm.s32 $0x7640  }
0x2f4: {  	[tilespmem:s26], [sflag:$0x1] =	stream.indirect.gather [spmem:s17], $0x1, s7, s25, $0xb8;
	[tilespmem:$0x1AAC0] =	vst v63  }
0x2f5: {  	s30 =	simm.s32 $0x78C0  }
0x2f6: {  	[tilespmem:s30], [sflag:$0x1] =	stream.indirect.gather [spmem:s18], $0x1, s2, s25, $0xb8;
	[tilespmem:$0x1AAC0] =	vst v63  }
0x2f7: {  	s3 =	sadd.s32 $0x3, s14;
	s4 =	simm.s32 $0x7B40  }
0x2f8: {  	[tilespmem:s4], [sflag:$0x1] =	stream.indirect.gather [spmem:s19], $0x1, s2, s25, $0xb8;
	[tilespmem:$0x1AAC0] =	vst v63  }
0x2f9: {  	p2 =	slt.s32 s3, s11;
	s4 =	smov.u32 s11  }
0x2fa: {  	s5 =	simm.s32 $0x7DC0;
	s4 =	smov.u32 @p2 s3  }
0x2fb: {  	[tilespmem:s5], [sflag:$0x1] =	stream.indirect.gather [spmem:s20], $0x1, s8, s25, $0xb8;
	[tilespmem:$0x1AAC0] =	vst v63  }
0x2fc: {  	s3 =	smulhi.u32 $0xB60B60B7, s4;
	s24 =	sshra.s32 s4, $0x1F  }
0x2fd: {  	s7 =	simm.s32 $0x8040;
	s5 =	smul.u32 $0xB60B60B7, s24  }
0x2fe: {  	[tilespmem:s7], [sflag:$0x1] =	stream.indirect.gather [spmem:s22], $0x1, s8, s25, $0xb8;
	[tilespmem:$0x1AAC0] =	vst v63  }
0x2ff: {  	s3 =	ssub.s32 s3, s4  }
0x300: {  	s3 =	sadd.s32 s5, s3  }
0x301: {  	s5 =	smul.u32 $0x280, s4;
	s3 =	sadd.s32 s4, s3  }
0x302: {  	s7 =	sshrl.u32 s3, $0x1F;
	s3 =	sshra.s32 s3, $0x8  }
0x303: {  	s26 =	sshrl.u32 s5, $0x3;
	s3 =	sadd.s32 s7, s3  }
0x304: {  	s24 =	simm.s32 $0x4B60;
	s7 =	sadd.s32 s0, s26;
	s3 =	smul.u32 $0x168, s3  }
0x305: {  	[tilespmem:s24], [sflag:$0x6] =	stream.linear.gather [hbm4b:s7+s16], $0x280, $0x38;
	[tilespmem:$0x1AAC0] =	vst v63  }
0x306: {  	s30 =	simm.s32 $0x4DF8;
	s5 =	sadd.s32 $0xFFFFFD80, s5;
	s3 =	ssub.s32 s4, s3  }
0x307: {  	[tilespmem:s30], [sflag:$0x6] =	stream.linear.gather [hbm4b:s7+s16], $0x280, $0x38;
	[tilespmem:$0x1AAC0] =	vst v63  }
0x308: {  	s5 =	sshrl.u32 s5, $0x3;
	p2 =	sne.s32 s3, $0x167;
	s3 =	simm.s32 $0x1  }
0x309: {  	s26 =	simm.s32 $0x5080;
	s24 =	sadd.s32 s0, s5;
	s3 =	simm.s32 @!p2 $0x0  }
0x30a: {  	[tilespmem:s26], [sflag:$0x6] =	stream.linear.gather [hbm4b:s24+s16], $0x280, $0x38;
	[tilespmem:$0x1AAC0] =	vst v63  }
0x30b: {  	s3 =	sadd.s32 s3, s4  }
0x30c: {  	s30 =	simm.s32 $0x5318;
	s3 =	smul.u32 $0x280, s3  }
0x30d: {  	[tilespmem:s30], [sflag:$0x6] =	stream.linear.gather [hbm4b:s24+s16], $0x280, $0x38;
	[tilespmem:$0x1AAC0] =	vst v63  }
0x30e: {  	s3 =	sshrl.u32 s3, $0x3  }
0x30f: {  	s5 =	simm.s32 $0x55A0;
	s3 =	sadd.s32 s0, s3  }
0x310: {  	[tilespmem:s5], [sflag:$0x6] =	stream.linear.gather [hbm4b:s3+s16], $0x280, $0x38;
	[tilespmem:$0x1AAC0] =	vst v63  }
0x311: {  	s7 =	simm.s32 $0x5838  }
0x312: {  	[tilespmem:s7], [sflag:$0x6] =	stream.linear.gather [hbm4b:s3+s16], $0x280, $0x38;
	[tilespmem:$0x1AAC0] =	vst v63  }
0x313: {  	_ =	swait.ge [sflag:s10], $0x2800  }
0x314: {  	[sflag:s10] =	ssyncset.done $0x0  }
0x315: {  	s3 =	simm.s32 @!p1 $0x4;
	[sflag:s10] =	ssyncadd.s32 $0xFFFFD800  }
0x316: {  	_ =	swait.ge @!p1 [sflag:s3], $0xA00  }
0x317: {  	[sflag:s3] =	ssyncset.done @!p1 $0x0  }
0x318: {  	[sflag:s3] =	ssyncadd.s32 @!p1 $0xFFFFF600;
	s3 =	simm.s32 $0x0  }
0x319: {  	v12 =	vld [tilespmem:s3+$0x8CF0]  }
0x31a: {  	v13 =	vld [tilespmem:s3+$0x82F0]  }
0x31b: {  	v14 =	vld [tilespmem:s3+$0x87F0]  }
0x31c: {  	v15 =	vld [tilespmem:s3+$0x8570]  }
0x31d: {  	v16 =	vld [tilespmem:s3+$0x8A70]  }
0x31e: {  	v17 =	vld [tilespmem:s3+$0x91F0]  }
0x31f: {  	v18 =	vld [tilespmem:s3+$0x8F70]  }
0x320: {  	v19 =	vld [tilespmem:s3+$0x96F0]  }
0x321: {  	v20 =	vld [tilespmem:s3+$0x9470]  }
0x322: {  	v21 =	vld [tilespmem:s3+$0x9BF0]  }
0x323: {  	v22 =	vld [tilespmem:s3+$0x9970]  }
0x324: {  	v23 =	vld [tilespmem:s3+$0xA0F0]  }
0x325: {  	v24 =	vld [tilespmem:s3+$0x9E70]  }
0x326: {  	v25 =	vld [tilespmem:s3+$0xA5F0]  }
0x327: {  	v26 =	vld [tilespmem:s3+$0xA370]  }
0x328: {  	v27 =	vld [tilespmem:s3+$0x82C0]  }
0x329: {  	v28 =	vld [tilespmem:s3+$0xA870]  }
0x32a: {  	v29 =	vld [tilespmem:s3+$0x8540]  }
0x32b: {  	v30 =	vld [tilespmem:s3+$0x87C0]  }
0x32c: {  	v31 =	vld [tilespmem:s3+$0x8A40]  }
0x32d: {  	v32 =	vld [tilespmem:s3+$0x82D0]  }
0x32e: {  	v33 =	vld [tilespmem:s3+$0x8550]  }
0x32f: {  	v34 =	vld [tilespmem:s3+$0x87D0]  }
0x330: {  	v35 =	vld [tilespmem:s3+$0x8A50]  }
0x331: {  	v36 =	vld [tilespmem:s3+$0x82E0]  }
0x332: {  	v37 =	vld [tilespmem:s3+$0x8560]  }
0x333: {  	v50 =	vld [tilespmem:s3+$0x9940]  }
0x334: {  	v52 =	vld [tilespmem:s3+$0x96D0]  }
0x335: {  	v54 =	vld [tilespmem:s3+$0x96E0]  }
0x336: {  	v56 =	vld [tilespmem:s3+$0x9BE0]  }
0x337: {  	v42 =	vld [tilespmem:s3+$0x9E60]  }
0x338: {  	s26 =	simm.s32 $0x20;
	v58 =	vld [tilespmem:s3+$0xA0C0]  }
0x339: {  	v53 =	vadd.s32 s26, v6;
	v60 =	vld [tilespmem:s3+$0xA340]  }
0x33a: {  	s24 =	simm.s32 $0x0;
	v59 =	vand.u32 $0xFB8, v53;
	v13 =	vadd.bf16 v14, v13;
	v14 =	vld [tilespmem:s3+$0x87E0]  }
0x33b: {  	v51 =	vadd.s32 s24, v7;
	v55 =	vor.u32 s24, v0;
	s7 =	simm.s32 $0x60;
	v15 =	vadd.bf16 v16, v15;
	v16 =	vld [tilespmem:s3+$0x8A60]  }
0x33c: {  	v38 =	vor.u32 s7, v0;
	v27 =	vadd.bf16 v30, v27;
	v12 =	vadd.bf16 v12, v13;
	v13 =	vld [tilespmem:s3+$0x8CC0]  }
0x33d: {  	v39 =	vadd.s32 s7, v6;
	v29 =	vadd.bf16 v31, v29;
	v15 =	vadd.bf16 v18, v15;
	v18 =	vld [tilespmem:s3+$0x8F40]  }
0x33e: {  	v40 =	vadd.s32 s7, v7;
	v32 =	vadd.bf16 v34, v32;
	v12 =	vadd.bf16 v17, v12;
	v17 =	vld [tilespmem:s3+$0x8CD0]  }
0x33f: {  	v41 =	vor.u32 s7, v5;
	v33 =	vadd.bf16 v35, v33;
	v15 =	vadd.bf16 v20, v15;
	v20 =	vld [tilespmem:s3+$0x8F50]  }
0x340: {  	v38 =	vand.u32 v11, v38;
	v14 =	vadd.bf16 v14, v36;
	v12 =	vadd.bf16 v19, v12;
	v19 =	vld [tilespmem:s3+$0x8CE0]  }
0x341: {  	v39 =	vand.u32 $0xFF8, v39;
	v16 =	vadd.bf16 v16, v37;
	v15 =	vadd.bf16 v22, v15;
	v22 =	vld [tilespmem:s3+$0x8F60]  }
0x342: {  	v40 =	vand.u32 $0xFF8, v40;
	v13 =	vadd.bf16 v13, v27;
	v12 =	vadd.bf16 v21, v12;
	v21 =	vld [tilespmem:s3+$0x91C0]  }
0x343: {  	v39 =	vor.u32 v1, v39;
	v18 =	vadd.bf16 v18, v29;
	v15 =	vadd.bf16 v24, v15;
	v24 =	vld [tilespmem:s3+$0x9440]  }
0x344: {  	v40 =	vor.u32 v8, v40;
	v30 =	vld [tilespmem:s3+$0x96C0];
	v17 =	vadd.bf16 v17, v32;
	v20 =	vadd.bf16 v20, v33  }
0x345: {  	v31 =	vadd.s32 s24, v6;
	v12 =	vadd.bf16 v23, v12;
	v23 =	vld [tilespmem:s3+$0x91D0];
	v15 =	vadd.bf16 v26, v15  }
0x346: {  	v31 =	vand.u32 $0xF98, v31;
	v26 =	vld [tilespmem:s3+$0x9450];
	v14 =	vadd.bf16 v19, v14;
	v22 =	vadd.bf16 v22, v16  }
0x347: {  	v16 =	vor.u32 s24, v5;
	v12 =	vadd.bf16 v25, v12;
	v25 =	vld [tilespmem:s3+$0x91E0];
	v15 =	vadd.bf16 v28, v15  }
0x348: {  	v28 =	vld [tilespmem:s3+$0x9460];
	v13 =	vadd.bf16 v21, v13;
	v18 =	vadd.bf16 v24, v18;
	v24 =	vadd.s32 s26, v7  }
0x349: {  	v27 =	vld [tilespmem:s3+$0x9950];
	v29 =	vshll.u32 v12, $0x10;
	v12 =	vand.u32 $0xFFFF0000, v12;
	v57 =	vshll.u32 v15, $0x10  }
0x34a: {  	s30 =	simm.s32 $0x40;
	v21 =	vld [tilespmem:s3+$0x9BC0];
	v43 =	vand.u32 $0xFFFF0000, v15;
	v15 =	vand.u32 $0xF98, v51;
	v24 =	vand.u32 $0xFB8, v24  }
0x34b: {  	v19 =	vld [tilespmem:s3+$0x9960];
	v17 =	vadd.bf16 v23, v17;
	v20 =	vadd.bf16 v26, v20;
	v26 =	vadd.s32 s30, v6  }
0x34c: {  	v44 =	vld [tilespmem:s3+$0xA0D0];
	v13 =	vadd.bf16 v30, v13;
	v30 =	vadd.s32 s30, v7;
	v18 =	vadd.bf16 v50, v18  }
0x34d: {  	v23 =	vld [tilespmem:s3+$0x9E40];
	[tilespmem:v38+s12+$0x0] =	vst.idx.msk $0xffff, v29;
	v26 =	vand.u32 $0xFD8, v26;
	v14 =	vadd.bf16 v25, v14;
	v22 =	vadd.bf16 v28, v22  }
0x34e: {  	v61 =	vld [tilespmem:s3+$0xA350];
	v30 =	vand.u32 $0xFD8, v30;
	[tilespmem:v41+s12+$0x0] =	vst.idx.msk $0xffff, v12;
	v17 =	vadd.bf16 v52, v17;
	v27 =	vadd.bf16 v27, v20  }
0x34f: {  	v25 =	vld [tilespmem:s3+$0x9BD0];
	v20 =	vor.u32 v1, v31;
	v12 =	vor.u32 v1, v26;
	v13 =	vadd.bf16 v21, v13  }
0x350: {  	v28 =	vld [tilespmem:s3+$0x9E50];
	v21 =	vor.u32 s26, v0;
	v14 =	vadd.bf16 v54, v14;
	v22 =	vadd.bf16 v19, v22  }
0x351: {  	v45 =	vld [tilespmem:s3+$0xA360];
	v19 =	vor.u32 v8, v15;
	v15 =	vor.u32 v1, v59;
	v21 =	vand.u32 v9, v21  }
0x352: {  	v62 =	vld [tilespmem:s3+$0xA0E0];
	v18 =	vadd.bf16 v23, v18;
	v23 =	vand.u32 v4, v55;
	v31 =	vadd.bf16 v58, v13  }
0x353: {  	v34 =	vld [tilespmem:s3+$0xA5C0];
	v13 =	vor.u32 v8, v30;
	v63 =	vadd.bf16 v56, v14;
	v14 =	vor.u32 v8, v24  }
0x354: {  	v33 =	vld [tilespmem:s3+$0xA840];
	v24 =	vadd.bf16 v42, v22;
	v22 =	vor.u32 s26, v5;
	v25 =	vadd.bf16 v25, v17  }
0x355: {  	[tilespmem:v39+s12+$0x0] =	vst.idx.msk $0xffff, v57;
	v30 =	vld [tilespmem:s3+$0xA5D0];
	v17 =	vor.u32 s30, v0;
	v27 =	vadd.bf16 v28, v27;
	v32 =	vadd.bf16 v60, v18  }
0x356: {  	[tilespmem:v40+s12+$0x0] =	vst.idx.msk $0xffff, v43;
	v28 =	vld [tilespmem:s3+$0xA850];
	v18 =	vor.u32 s30, v5;
	v24 =	vadd.bf16 v45, v24;
	v29 =	vadd.bf16 v44, v25  }
0x357: {  	s4 =	simm.s32 $0x0;
	s5 =	simm.s32 $0x100;
	v17 =	vand.u32 v10, v17;
	v26 =	vadd.bf16 v61, v27;
	v25 =	vadd.bf16 v62, v63;
	v27 =	vld [tilespmem:s3+$0xA5E0]  }
.LBB3_13:
0x358: {  	v31 =	vadd.bf16 v34, v31;
	v34 =	vld [tilespmem:s3+$0xA860];
	s3 =	sshra.s32 s5, $0x2  }
0x359: {  	v35 =	vld [tilespmem:s3+$0x8CF0];
	v32 =	vadd.bf16 v33, v32  }
0x35a: {  	v33 =	vld [tilespmem:s3+$0x82F0];
	v36 =	vshll.u32 v31, $0x10;
	v31 =	vand.u32 $0xFFFF0000, v31;
	v29 =	vadd.bf16 v30, v29  }
0x35b: {  	v30 =	vld [tilespmem:s3+$0x87F0];
	v37 =	vshll.u32 v32, $0x10;
	v32 =	vand.u32 $0xFFFF0000, v32;
	[tilespmem:v23+s12+$0x0] =	vst.idx.msk $0xffff, v36;
	v23 =	vadd.bf16 v28, v26  }
0x35c: {  	v26 =	vld [tilespmem:s3+$0x8570];
	[tilespmem:v16+s12+$0x0] =	vst.idx.msk $0xffff, v31;
	v16 =	vshll.u32 v29, $0x10;
	v28 =	vand.u32 $0xFFFF0000, v29;
	v25 =	vadd.bf16 v27, v25  }
0x35d: {  	s4 =	sadd.s32 $0x4, s4;
	v27 =	vld [tilespmem:s3+$0x8A70];
	[tilespmem:v20+s12+$0x0] =	vst.idx.msk $0xffff, v37;
	v20 =	vshll.u32 v23, $0x10;
	v23 =	vand.u32 $0xFFFF0000, v23;
	v24 =	vadd.bf16 v34, v24  }
0x35e: {  	p1 =	slt.u32 s4, $0x24;
	v29 =	vld [tilespmem:s3+$0x91F0];
	[tilespmem:v19+s12+$0x0] =	vst.idx.msk $0xffff, v32;
	v19 =	vshll.u32 v25, $0x10;
	v25 =	vand.u32 $0xFFFF0000, v25  }
0x35f: {  	v31 =	vld [tilespmem:s3+$0x8F70];
	[tilespmem:v21+s12+$0x0] =	vst.idx.msk $0xffff, v16;
	v16 =	vshll.u32 v24, $0x10;
	v21 =	vand.u32 $0xFFFF0000, v24  }
0x360: {  	v24 =	vadd.bf16 v30, v33;
	v30 =	vld [tilespmem:s3+$0x96F0];
	[tilespmem:v22+s12+$0x0] =	vst.idx.msk $0xffff, v28  }
0x361: {  	v22 =	vld [tilespmem:s3+$0x9470];
	[tilespmem:v15+s12+$0x0] =	vst.idx.msk $0xffff, v20  }
0x362: {  	v15 =	vadd.bf16 v27, v26;
	v20 =	vadd.bf16 v35, v24;
	v24 =	vld [tilespmem:s3+$0x9BF0];
	[tilespmem:v14+s12+$0x0] =	vst.idx.msk $0xffff, v23  }
0x363: {  	v14 =	vld [tilespmem:s3+$0x9970];
	[tilespmem:v17+s12+$0x0] =	vst.idx.msk $0xffff, v19  }
0x364: {  	v15 =	vadd.bf16 v31, v15;
	v17 =	vadd.bf16 v29, v20;
	v19 =	vld [tilespmem:s3+$0xA0F0];
	[tilespmem:v18+s12+$0x0] =	vst.idx.msk $0xffff, v25  }
0x365: {  	v18 =	vld [tilespmem:s3+$0x9E70];
	[tilespmem:v12+s12+$0x0] =	vst.idx.msk $0xffff, v16  }
0x366: {  	v12 =	vadd.bf16 v22, v15;
	v15 =	vadd.bf16 v30, v17;
	v16 =	vld [tilespmem:s3+$0xA5F0];
	[tilespmem:v13+s12+$0x0] =	vst.idx.msk $0xffff, v21  }
0x367: {  	v13 =	vld [tilespmem:s3+$0xA370]  }
0x368: {  	s7 =	sadd.s32 $0x80, s7;
	v17 =	vld [tilespmem:s3+$0x82C0];
	v12 =	vadd.bf16 v14, v12;
	v14 =	vadd.bf16 v24, v15  }
0x369: {  	s26 =	sadd.s32 $0xFFFFFFA0, s7;
	s24 =	sadd.s32 $0xFFFFFFC0, s7;
	s30 =	sadd.s32 $0xFFFFFFE0, s7;
	v20 =	vor.u32 s7, v0;
	v21 =	vadd.s32 s7, v6;
	v22 =	vadd.s32 s7, v7;
	v15 =	vld [tilespmem:s3+$0xA870]  }
0x36a: {  	v23 =	vld [tilespmem:s3+$0x8540];
	v12 =	vadd.bf16 v18, v12;
	v14 =	vadd.bf16 v19, v14;
	v18 =	vand.u32 v11, v20  }
0x36b: {  	v21 =	vand.u32 $0xFF8, v21;
	v22 =	vand.u32 $0xFF8, v22;
	v20 =	vor.u32 s7, v5;
	v19 =	vld [tilespmem:s3+$0x87C0]  }
0x36c: {  	v24 =	vld [tilespmem:s3+$0x8A40];
	v12 =	vadd.bf16 v13, v12;
	v13 =	vadd.bf16 v16, v14;
	v14 =	vor.u32 v1, v21  }
0x36d: {  	v22 =	vor.u32 v8, v22;
	v16 =	vadd.s32 s26, v6;
	v21 =	vadd.s32 s26, v7;
	v25 =	vld [tilespmem:s3+$0x82D0]  }
0x36e: {  	v27 =	vadd.s32 s24, v6;
	v26 =	vld [tilespmem:s3+$0x8550];
	v12 =	vadd.bf16 v15, v12;
	v15 =	vshll.u32 v13, $0x10  }
0x36f: {  	v29 =	vadd.s32 s24, v7;
	v30 =	vadd.s32 s30, v6;
	v13 =	vand.u32 $0xFFFF0000, v13;
	v28 =	vld [tilespmem:s3+$0x87D0];
	[tilespmem:v18+s12+$0x0] =	vst.idx.msk $0xffff, v15  }
0x370: {  	v31 =	vadd.bf16 v19, v17;
	v15 =	vld [tilespmem:s3+$0x8A50];
	v17 =	vadd.s32 s30, v7;
	v18 =	vshll.u32 v12, $0x10;
	[tilespmem:v20+s12+$0x0] =	vst.idx.msk $0xffff, v13  }
0x371: {  	v13 =	vand.u32 $0xF98, v16;
	v12 =	vand.u32 $0xFFFF0000, v12;
	v24 =	vadd.bf16 v24, v23;
	v32 =	vld [tilespmem:s3+$0x82E0];
	[tilespmem:v14+s12+$0x0] =	vst.idx.msk $0xffff, v18  }
0x372: {  	v16 =	vand.u32 $0xFB8, v27;
	v14 =	vand.u32 $0xF98, v21;
	v18 =	vand.u32 $0xFB8, v29;
	v27 =	vld [tilespmem:s3+$0x8560];
	[tilespmem:v22+s12+$0x0] =	vst.idx.msk $0xffff, v12  }
0x373: {  	v21 =	vor.u32 s26, v0;
	v17 =	vand.u32 $0xFD8, v17;
	v12 =	vand.u32 $0xFD8, v30;
	v22 =	vld [tilespmem:s3+$0x87E0]  }
0x374: {  	v30 =	vor.u32 s30, v0;
	v25 =	vadd.bf16 v28, v25;
	v28 =	vor.u32 s24, v0;
	v29 =	vld [tilespmem:s3+$0x8A60]  }
0x375: {  	v20 =	vor.u32 v1, v13;
	v19 =	vor.u32 v8, v14;
	v33 =	vld [tilespmem:s3+$0x8CC0];
	v26 =	vadd.bf16 v15, v26  }
0x376: {  	v14 =	vor.u32 v8, v18;
	v12 =	vor.u32 v1, v12;
	v15 =	vor.u32 v1, v16;
	v34 =	vld [tilespmem:s3+$0x8F40]  }
0x377: {  	v23 =	vand.u32 v4, v21;
	v13 =	vor.u32 v8, v17;
	v21 =	vand.u32 v9, v28;
	v35 =	vld [tilespmem:s3+$0x8CD0]  }
0x378: {  	v17 =	vand.u32 v10, v30;
	v16 =	vor.u32 s26, v5;
	v28 =	vld [tilespmem:s3+$0x8F50];
	v32 =	vadd.bf16 v22, v32  }
0x379: {  	v18 =	vor.u32 s30, v5;
	v22 =	vor.u32 s24, v5;
	v27 =	vadd.bf16 v29, v27;
	v29 =	vld [tilespmem:s3+$0x8CE0]  }
0x37a: {  	v30 =	vadd.bf16 v33, v31;
	v31 =	vld [tilespmem:s3+$0x8F60]  }
0x37b: {  	v24 =	vadd.bf16 v34, v24;
	v33 =	vld [tilespmem:s3+$0x91C0]  }
0x37c: {  	v34 =	vld [tilespmem:s3+$0x9440];
	v25 =	vadd.bf16 v35, v25  }
0x37d: {  	v26 =	vadd.bf16 v28, v26;
	v28 =	vld [tilespmem:s3+$0x91D0]  }
0x37e: {  	v35 =	vld [tilespmem:s3+$0x9450];
	v29 =	vadd.bf16 v29, v32  }
0x37f: {  	v27 =	vadd.bf16 v31, v27;
	v31 =	vld [tilespmem:s3+$0x91E0]  }
0x380: {  	v30 =	vadd.bf16 v33, v30;
	v32 =	vld [tilespmem:s3+$0x9460]  }
0x381: {  	v24 =	vadd.bf16 v34, v24;
	v33 =	vld [tilespmem:s3+$0x96C0]  }
0x382: {  	v34 =	vld [tilespmem:s3+$0x9940];
	v25 =	vadd.bf16 v28, v25  }
0x383: {  	v26 =	vadd.bf16 v35, v26;
	v28 =	vld [tilespmem:s3+$0x96D0]  }
0x384: {  	v35 =	vld [tilespmem:s3+$0x9950];
	v29 =	vadd.bf16 v31, v29  }
0x385: {  	v27 =	vadd.bf16 v32, v27;
	v31 =	vld [tilespmem:s3+$0x96E0]  }
0x386: {  	v30 =	vadd.bf16 v33, v30;
	v32 =	vld [tilespmem:s3+$0x9960]  }
0x387: {  	v24 =	vadd.bf16 v34, v24;
	v33 =	vld [tilespmem:s3+$0x9BC0]  }
0x388: {  	v34 =	vld [tilespmem:s3+$0x9E40];
	v25 =	vadd.bf16 v28, v25  }
0x389: {  	v26 =	vadd.bf16 v35, v26;
	v28 =	vld [tilespmem:s3+$0x9BD0]  }
0x38a: {  	v35 =	vld [tilespmem:s3+$0x9E50];
	v29 =	vadd.bf16 v31, v29  }
0x38b: {  	v27 =	vadd.bf16 v32, v27;
	v31 =	vld [tilespmem:s3+$0x9BE0]  }
0x38c: {  	v30 =	vadd.bf16 v33, v30;
	v32 =	vld [tilespmem:s3+$0x9E60]  }
0x38d: {  	v24 =	vadd.bf16 v34, v24;
	v33 =	vld [tilespmem:s3+$0xA0C0]  }
0x38e: {  	v34 =	vld [tilespmem:s3+$0xA340];
	v25 =	vadd.bf16 v28, v25  }
0x38f: {  	v26 =	vadd.bf16 v35, v26;
	v28 =	vld [tilespmem:s3+$0xA0D0]  }
0x390: {  	v35 =	vld [tilespmem:s3+$0xA350];
	v36 =	vadd.bf16 v31, v29  }
0x391: {  	v27 =	vadd.bf16 v32, v27;
	v37 =	vld [tilespmem:s3+$0xA0E0]  }
0x392: {  	v31 =	vadd.bf16 v33, v30;
	v38 =	vld [tilespmem:s3+$0xA360]  }
.Ltmp5:
0x393: {  	v32 =	vadd.bf16 v34, v24;
	v34 =	vld [tilespmem:s3+$0xA5C0];
	(pc) =	sbr.rel @p1 .LBB3_13-.Ltmp5, $4  }
0x394: {  	v33 =	vld [tilespmem:s3+$0xA840];
	v29 =	vadd.bf16 v28, v25  }
0x395: {  	v26 =	vadd.bf16 v35, v26;
	v30 =	vld [tilespmem:s3+$0xA5D0]  }
0x396: {  	v28 =	vld [tilespmem:s3+$0xA850];
	v25 =	vadd.bf16 v37, v36  }
0x397: {  	s5 =	sadd.s32 $0x100, s5;
	v24 =	vadd.bf16 v38, v27;
	v27 =	vld [tilespmem:s3+$0xA5E0]  }
0x398: {  	s4 =	sor.u32 $0x1, s14  }
0x399: {  	v31 =	vadd.bf16 v34, v31;
	s5 =	smulhi.u32 $0xB60B60B7, s4;
	_ =	sdelay $0x1  }
0x39a: {  	v32 =	vadd.bf16 v33, v32;
	v48 =	vshll.u32 v31, $0x10;
	s5 =	ssub.s32 s5, s4  }
0x39b: {  	v31 =	vand.u32 $0xFFFF0000, v31;
	v49 =	vadd.bf16 v30, v29;
	[tilespmem:v23+s12+$0x0] =	vst.idx.msk $0xffff, v48;
	s5 =	sadd.s32 s15, s5  }
0x39c: {  	v50 =	vshll.u32 v32, $0x10;
	[tilespmem:v16+s12+$0x0] =	vst.idx.msk $0xffff, v31;
	s5 =	sadd.s32 s4, s5  }
0x39d: {  	v51 =	vld [tilespmem:s3+$0xA860];
	v54 =	vshll.u32 v49, $0x10;
	[tilespmem:v20+s12+$0x0] =	vst.idx.msk $0xffff, v50;
	s30 =	sshrl.u32 s5, $0x1F;
	s5 =	sshra.s32 s5, $0x8  }
0x39e: {  	v52 =	vand.u32 $0xFFFF0000, v32;
	v53 =	vadd.bf16 v28, v26;
	[tilespmem:v21+s12+$0x0] =	vst.idx.msk $0xffff, v54;
	s3 =	sadd.s32 s30, s5  }
0x39f: {  	v55 =	vand.u32 $0xFFFF0000, v49;
	v56 =	vadd.bf16 v27, v25;
	[tilespmem:v19+s12+$0x0] =	vst.idx.msk $0xffff, v52;
	s5 =	smul.u32 $0xFFFFFE98, s3  }
0x3a0: {  	v57 =	vshll.u32 v53, $0x10;
	[tilespmem:v22+s12+$0x0] =	vst.idx.msk $0xffff, v55  }
0x3a1: {  	s13 =	sadd.s32 $0x1, s13;
	v60 =	vshll.u32 v56, $0x10;
	[tilespmem:v15+s12+$0x0] =	vst.idx.msk $0xffff, v57;
	s3 =	smul.u32 $0xE1000, s3;
	s4 =	sadd.s32 s4, s5  }
0x3a2: {  	p1 =	sne.s32 s13, $0x87;
	v58 =	vand.u32 $0xFFFF0000, v53;
	v59 =	vadd.bf16 v51, v24;
	[tilespmem:v17+s12+$0x0] =	vst.idx.msk $0xffff, v60;
	s4 =	smul.u32 $0xA00, s4  }
.Ltmp6:
0x3a3: {  	v61 =	vand.u32 $0xFFFF0000, v56;
	[tilespmem:v14+s12+$0x0] =	vst.idx.msk $0xffff, v58;
	(pc) =	sbr.rel @p1 .LBB3_6-.Ltmp6, $4  }
0x3a4: {  	v62 =	vshll.u32 v59, $0x10;
	[tilespmem:v18+s12+$0x0] =	vst.idx.msk $0xffff, v61;
	s3 =	sadd.s32 s3, s4  }
0x3a5: {  	v63 =	vand.u32 $0xFFFF0000, v59;
	[tilespmem:v12+s12+$0x0] =	vst.idx.msk $0xffff, v62;
	s3 =	sshrl.u32 s3, $0x3  }
0x3a6: {  	s26 =	smov.u32 s28;
	[tilespmem:v13+s12+$0x0] =	vst.idx.msk $0xffff, v63;
	s3 =	sadd.s32 s28, s3  }
0x3a7: {  	[hbm4b:s3+s16] =	stream.linear.scatter [tilespmem:s12], [sflag:$0x4], $0xA00, $0x38;
	[tilespmem:$0x1AAC0] =	vst v63  }
0x3a8: {  	_ =	swait.ge [sflag:s21], $0x2800  }
0x3a9: {  	[sflag:s21] =	ssyncset.done $0x0  }
0x3aa: {  	[sflag:s21] =	ssyncadd.s32 $0xFFFFD800  }
0x3ab: {  	_ =	swait.ge [sflag:s6], $0xF00  }
0x3ac: {  	[sflag:s6] =	ssyncset.done $0x0  }
0x3ad: {  	s1 =	simm.s32 $0x3;
	[sflag:s6] =	ssyncadd.s32 $0xFFFFF100  }
0x3ae: {  	_ =	swait.ge [sflag:s1], $0xA00  }
0x3af: {  	[sflag:s1] =	ssyncset.done $0x0  }
0x3b0: {  	s30 =	simm.s32 $0x4;
	[sflag:s1] =	ssyncadd.s32 $0xFFFFF600  }
0x3b1: {  	_ =	swait.ge [sflag:s30], $0xA00  }
0x3b2: {  	s4 =	sld [smem:$0x7F7];
	_ =	sdelay $0x2  }
0x3b3: {  	s3 =	rddreg [dreg:$0x16];
	s4 =	sadd.s32 $0x1, s4  }
0x3b4: {  	p1 =	sne.s32 s4, s3  }
.Ltmp7:
0x3b5: {  	_ = 	snop;
	(pc) =	sbr.rel @p1 .LBB3_1-.Ltmp7, $3  }
0x3b6: {  	_ =	sdelay $0x1  }
0x3b7: {  	[sflag:s30] =	ssyncset.done $0x0  }
0x3b8: {  	[sflag:s30] =	ssyncadd.s32 $0xFFFFF600  }
0x3b9: {  	_ =	sfence.sel $0x180000  }
0x3ba: {  	[bflag:$0x0] =	sbarrier.arrive $0xFFFF  }
0x3bb: {  	_ =	strace $0x90000047  }
0x3bc: {  	[bflag:$0x2] =	sbarrier.arrive $0xFFFF  }
0x3bd: {  	s0 =	rddreg [dreg:$0xf]  }
0x3be: {  	s0 =	sadd.s32 @!p0 $0x100000, s0  }
0x3bf: {  	[sflag:s0] =	ssyncadd.tile.s32 @!p0 $0x1;
	_ =	shalt  }
.Lfunc_end3:
_tile_overlayer_lowered:
.L_overlay_start_3:
0x3c0: {  	(tag) =	ssettag $0x3  }
0x3c1: {  	s0 =	rddreg [dreg:$0x0];
	s2 =	stileid.u32  }
0x3c2: {  	s1 =	rddreg [dreg:$0x1];
	p0 =	sne.s32 s2, $0x0  }
0x3c3: {  	s3 =	rddreg [dreg:$0x2];
	[bflag:$0x3] =	sbarrier.arrive $0xFFFF;
	s2 =	simm.s32 @!p0 $0x1C07  }
0x3c4: {  	[timem:s3], [sflag:s2] =	dma.local @!p0 [hbm:s0], s1  }
0x3c5: {  	s0 =	simm.s32 @!p0 $0x7  }
0x3c6: {  	_ =	swait.ge @!p0 [sflag:s0], s1  }
0x3c7: {  	s1 =	ssub.s32 @!p0 $0x0, s1;
	[sflag:s0] =	ssyncset.done @!p0 $0x0  }
0x3c8: {  	[sflag:s0] =	ssyncadd.s32 @!p0 s1  }
0x3c9: {  	[bflag:$0x3] =	sbarrier.arrive $0xFFFF  }
0x3ca: {  	_ =	shalt  }

</sc_bundles>
